<compile_context>
chip_gen: v7x
topology: tpu7x:2x2x1
jax: 0.10.2.dev20260603
libtpu: 0.0.44.dev20260713+nightly
codegen_flags: <defaults>
</compile_context>

<pallas_src>
import functools

import jax
import jax.numpy as jnp
from jax import lax
from jax.experimental import pallas as pl
from jax.experimental.pallas import tpu as pltpu
from jax.experimental.pallas import tpu_sc as plsc

N = 10000
NPAD = 10240
D = 128
H = 32
E = 320000
ROWS = 2560
EPAD = ROWS * 128
NC, NS = 2, 16
RPT = ROWS // (NC * NS)
DRT = ROWS // NS
STRIPE = NPAD // NS
YROWS = NPAD * H // 128
DISB_RPT = YROWS // (NC * NS)
NODES_PT = NPAD // (NC * NS)
PADIDX = N


def _sc_mesh():
    return plsc.VectorSubcoreMesh(
        core_axis_name="c", subcore_axis_name="s", num_cores=NC, num_subcores=NS
    )


def _sc_disb(ei2, z1d):

    @functools.partial(
        pl.kernel,
        out_type=jax.ShapeDtypeStruct((YROWS, 128), jnp.float32),
        mesh=_sc_mesh(),
        scratch_types=[
            pltpu.VMEM((DRT, 128), jnp.int32),
            pltpu.VMEM((NPAD,), jnp.float32),
            pltpu.VMEM((NS, NODES_PT), jnp.float32),
            pltpu.VMEM((NODES_PT,), jnp.float32),
            pltpu.VMEM((DISB_RPT, 128), jnp.float32),
            pltpu.VMEM_SHARED((NS, NPAD), jnp.float32),
        ],
        compiler_params=pltpu.CompilerParams(
            use_tc_tiling_on_sc=False, needs_layout_passes=False
        ),
    )
    def k(ei_hbm, z_hbm, disb_hbm, dst_v, hist_v, part_v, dis_v, disb_v, part_sh):
        cid = lax.axis_index("c")
        sid = lax.axis_index("s")
        pltpu.sync_copy(ei_hbm.at[1, pl.ds(sid * DRT, DRT)], dst_v)
        pltpu.sync_copy(z_hbm, hist_v)
        ones = jnp.ones((16,), jnp.float32)

        def hbody(j, carry):
            for kk in range(8):
                idx = dst_v[j, pl.ds(kk * 16, 16)]
                plsc.addupdate_scatter(hist_v, [idx], ones)
            return carry

        lax.fori_loop(0, DRT, hbody, 0)
        pltpu.sync_copy(hist_v, part_sh.at[sid])
        plsc.subcore_barrier()

        node0 = cid * (NPAD // NC) + sid * NODES_PT
        pltpu.sync_copy(part_sh.at[:, pl.ds(node0, NODES_PT)], part_v)

        def rbody(i, carry):
            s = jnp.ones((16,), jnp.float32)
            for t in range(NS):
                s = s + part_v[t, pl.ds(i * 16, 16)]
            bi = plsc.bitcast(s, jnp.int32)
            yi = plsc.bitcast(jnp.int32(0x5F3759DF) - (bi >> 1), jnp.float32)
            for _ in range(3):
                yi = yi * (1.5 - 0.5 * s * yi * yi)
            dis_v[pl.ds(i * 16, 16)] = yi
            return carry

        lax.fori_loop(0, NODES_PT // 16, rbody, 0)

        def ebody(g, carry):
            dvec = dis_v[pl.ds(g * 16, 16)]
            for l in range(16):
                v = dvec[l]
                row = g * 4 + l // 4
                col = (l % 4) * 32
                disb_v[row, pl.ds(col, 16)] = jnp.full((16,), v, jnp.float32)
                disb_v[row, pl.ds(col + 16, 16)] = jnp.full((16,), v, jnp.float32)
            return carry

        lax.fori_loop(0, NODES_PT // 16, ebody, 0)
        row0 = cid * (YROWS // NC) + sid * DISB_RPT
        pltpu.sync_copy(disb_v, disb_hbm.at[pl.ds(row0, DISB_RPT)])

    return k(ei2, z1d)


def _sc_aggregate(y, ei2, zrows):

    @functools.partial(
        pl.kernel,
        out_type=jax.ShapeDtypeStruct((NC, NPAD, H), jnp.float32),
        mesh=_sc_mesh(),
        scratch_types=[
            pltpu.VMEM((RPT, 128), jnp.int32),
            pltpu.VMEM((RPT, 128), jnp.int32),
            pltpu.VMEM((128, H), jnp.float32),
            pltpu.VMEM((128, H), jnp.float32),
            pltpu.VMEM((128, H), jnp.float32),
            pltpu.VMEM((128, H), jnp.float32),
            pltpu.VMEM((128, H), jnp.float32),
            pltpu.VMEM((128, H), jnp.float32),
            pltpu.VMEM((128, H), jnp.float32),
            pltpu.VMEM((128, H), jnp.float32),
            pltpu.SemaphoreType.DMA,
            pltpu.SemaphoreType.DMA,
            pltpu.SemaphoreType.DMA,
            pltpu.SemaphoreType.DMA,
            pltpu.SemaphoreType.DMA,
            pltpu.SemaphoreType.DMA,
            pltpu.SemaphoreType.DMA,
            pltpu.SemaphoreType.DMA,
            pltpu.VMEM_SHARED((NPAD, H), jnp.float32),
        ],
        compiler_params=pltpu.CompilerParams(use_tc_tiling_on_sc=False),
    )
    def k(y_hbm, ei_hbm, z_hbm, out_hbm,
          src_v, dst_v, *bufsems):
        acc_sh = bufsems[-1]
        bufs = tuple(bufsems[0:8])
        sems = tuple(bufsems[8:16])
        cid = lax.axis_index("c")
        sid = lax.axis_index("s")
        row0 = cid * (ROWS // NC) + sid * RPT
        pltpu.sync_copy(ei_hbm.at[0, pl.ds(row0, RPT)], src_v)
        pltpu.sync_copy(ei_hbm.at[1, pl.ds(row0, RPT)], dst_v)
        pltpu.sync_copy(z_hbm.at[pl.ds(sid * STRIPE, STRIPE)],
                        acc_sh.at[pl.ds(sid * STRIPE, STRIPE)])
        plsc.subcore_barrier()

        NBUF = 8
        for j0 in range(NBUF - 1):
            pltpu.async_copy(y_hbm.at[src_v.at[j0]], bufs[j0], sems[j0])

        def body(i, carry):
            for b in range(NBUF):
                j = NBUF * i + b
                jn = j + NBUF - 1
                bn = (b + NBUF - 1) % NBUF

                @pl.when(jn < RPT)
                def _():
                    pltpu.async_copy(y_hbm.at[src_v.at[jn]], bufs[bn], sems[bn])

                pltpu.make_async_copy(y_hbm.at[src_v.at[j]], bufs[b], sems[b]).wait()
                pltpu.sync_copy(bufs[b], acc_sh.at[dst_v.at[j]], add=True)
            return carry

        lax.fori_loop(0, RPT // NBUF, body, 0)
        plsc.subcore_barrier()
        pltpu.sync_copy(acc_sh.at[pl.ds(sid * STRIPE, STRIPE)],
                        out_hbm.at[cid, pl.ds(sid * STRIPE, STRIPE)])

    return k(y, ei2, zrows)


def _tc_first(x4, w1b, disb):

    def body(x_ref, w_ref, disb_ref, y_ref):
        xw = jnp.dot(x_ref[...], w_ref[...], preferred_element_type=jnp.float32)
        y_ref[...] = disb_ref[...] * xw

    return pl.pallas_call(
        body,
        out_shape=jax.ShapeDtypeStruct((YROWS, 128), jnp.float32),
    )(x4, w1b, disb)


def _tc_mid(p, y1, disb, b1t, w2b):

    def body(p_ref, y1_ref, disb_ref, b_ref, w_ref, y2_ref):
        disb = disb_ref[...]
        agg = p_ref[pl.ds(0, YROWS), :] + p_ref[pl.ds(YROWS, YROWS), :] + y1_ref[...]
        h = jnp.maximum(disb * agg + b_ref[...], 0.0)
        y2_ref[...] = disb * jnp.dot(h, w_ref[...], preferred_element_type=jnp.float32)

    return pl.pallas_call(
        body,
        out_shape=jax.ShapeDtypeStruct((YROWS, 128), jnp.float32),
    )(p, y1, disb, b1t, w2b)


def _tc_final(p, y2, disb, b2t, wfb, bft):

    def body(p_ref, y2_ref, disb_ref, b_ref, wf_ref, bf_ref, s_ref):
        agg = p_ref[pl.ds(0, YROWS), :] + p_ref[pl.ds(YROWS, YROWS), :] + y2_ref[...]
        h = jnp.maximum(disb_ref[...] * agg + b_ref[...], 0.0)
        s_ref[...] = jnp.dot(h, wf_ref[...], preferred_element_type=jnp.float32) + bf_ref[...]

    return pl.pallas_call(
        body,
        out_shape=jax.ShapeDtypeStruct((YROWS, 4), jnp.float32),
    )(p, y2, disb, b2t, wfb, bft)


def kernel(x, edge_index, W1, b1, W2, b2, Wf, bf):
    pad = PADIDX + jnp.arange(EPAD - E, dtype=jnp.int32) % (NPAD - N)
    pad2 = jnp.broadcast_to(pad, (2, EPAD - E))
    ei2 = jnp.concatenate([edge_index.astype(jnp.int32), pad2], axis=1)
    ei2 = ei2.reshape(2, ROWS, 128)

    x4 = jnp.zeros((YROWS, 4 * D), jnp.float32).at[: N // 4].set(
        x.reshape(N // 4, 4 * D))
    z1d = jnp.zeros((NPAD,), jnp.float32)
    zrows = jnp.zeros((NPAD, H), jnp.float32)

    blk = jax.scipy.linalg.block_diag
    w1b = blk(W1, W1, W1, W1)
    w2b = blk(W2, W2, W2, W2)
    wfb = blk(Wf, Wf, Wf, Wf)
    b1t = jnp.tile(b1, 4).reshape(1, 128)
    b2t = jnp.tile(b2, 4).reshape(1, 128)
    bft = jnp.broadcast_to(bf.reshape(1, 1), (1, 4))

    disb = _sc_disb(ei2, z1d)
    y1 = _tc_first(x4, w1b, disb)
    p1 = _sc_aggregate(y1.reshape(NPAD, H), ei2, zrows)
    y2 = _tc_mid(p1.reshape(2 * YROWS, 128), y1, disb, b1t, w2b)
    p2 = _sc_aggregate(y2.reshape(NPAD, H), ei2, zrows)
    s4 = _tc_final(p2.reshape(2 * YROWS, 128), y2, disb, b2t, wfb, bft)
    return s4.reshape(NPAD)[:N]

# --- scband reference (transcript-rebuilt; emitter-appended) ---
"""Pipeline reference for scband-route-optimizer-gcn-19189913879362 (READ-ONLY COPY).

The authoritative reference and input builder live on the scoring server;
editing this copy changes nothing except your own understanding.
"""

import jax, jax.numpy as jnp
import numpy as np

N_NODES = 10000
N_EDGES = 320000
D_FEAT = 128
D_HID = 32


def setup_inputs(seed: int = 0) -> dict:
    key = jax.random.key(seed)
    ks = jax.random.split(key, 8)
    x = jax.random.normal(ks[0], (N_NODES, D_FEAT), dtype=jnp.float32)
    edge_index = jax.random.randint(ks[1], (2, N_EDGES), 0, N_NODES, dtype=jnp.int64)
    W1 = jax.random.normal(ks[2], (D_FEAT, D_HID), dtype=jnp.float32) * 0.05
    b1 = jnp.zeros((D_HID,), dtype=jnp.float32)
    W2 = jax.random.normal(ks[3], (D_HID, D_HID), dtype=jnp.float32) * 0.05
    b2 = jnp.zeros((D_HID,), dtype=jnp.float32)
    Wf = jax.random.normal(ks[4], (D_HID, 1), dtype=jnp.float32) * 0.05
    bf = jnp.zeros((1,), dtype=jnp.float32)
    return {"x": x, "edge_index": edge_index, "W1": W1, "b1": b1, "W2": W2, "b2": b2, "Wf": Wf, "bf": bf}


def _gcn_conv(x, edge_index, W, b, num_nodes):
    # linear transform first (standard GCNConv)
    xw = x @ W
    src = edge_index[0]
    dst = edge_index[1]
    # add self loops
    loop = jnp.arange(num_nodes, dtype=src.dtype)
    src = jnp.concatenate([src, loop])
    dst = jnp.concatenate([dst, loop])
    # symmetric normalization D^-1/2 (A+I) D^-1/2
    deg = jnp.zeros((num_nodes,), dtype=xw.dtype).at[dst].add(1.0)
    deg_inv_sqrt = jnp.where(deg > 0, 1.0 / jnp.sqrt(deg), 0.0)
    norm = deg_inv_sqrt[src] * deg_inv_sqrt[dst]
    msg = xw[src] * norm[:, None]
    out = jnp.zeros((num_nodes, xw.shape[1]), dtype=xw.dtype).at[dst].add(msg)
    return out + b


def reference(x, edge_index, W1, b1, W2, b2, Wf, bf):
    n = x.shape[0]
    h = jax.nn.relu(_gcn_conv(x, edge_index, W1, b1, n))
    # F.dropout with training=False (eval mode) is identity
    h = jax.nn.relu(_gcn_conv(h, edge_index, W2, b2, n))
    scores = (h @ Wf + bf).squeeze()
    return scores

if __name__ == "__main__":
    import jax
    _d = setup_inputs()
    print(jax.jit(kernel)(*tuple(_d.values())))

</pallas_src>

<mosaic_0001>
#map = affine_map<(d0, d1) -> (0, 0, 0)>
#map1 = affine_map<(d0, d1) -> (0)>
#map2 = affine_map<(d0, d1) -> (0, 0)>
module attributes {stable_mosaic.version = 14 : i64} {
  func.func @k(%arg0: i32, %arg1: i32, %arg2: memref<2x2560x128xi32, #tpu.memory_space<hbm>>, %arg3: memref<10240xf32, #tpu.memory_space<hbm>>, %arg4: memref<2560x128xf32, #tpu.memory_space<hbm>>, %arg5: memref<160x128xi32, #tpu.memory_space<vmem>>, %arg6: memref<10240xf32, #tpu.memory_space<vmem>>, %arg7: memref<16x320xf32, #tpu.memory_space<vmem>>, %arg8: memref<320xf32, #tpu.memory_space<vmem>>, %arg9: memref<80x128xf32, #tpu.memory_space<vmem>>, %arg10: memref<16x10240xf32, #tpu.memory_space<vmem_shared>>) attributes {dimension_semantics = [#tpu.dimension_semantics<core_parallel>, #tpu.dimension_semantics<subcore_parallel>], iteration_bounds = array<i64: 2, 16>, scalar_prefetch = 0 : i64, scratch_operands = 6 : i64, tpu.core_type = #tpu.core_type<sc_vector_subcore>, window_params = [{transform_indices = #map}, {transform_indices = #map1}, {transform_indices = #map2}]} {
    %mul3A = arith.constant 160 : i32
    %mul3A_0 = arith.muli %arg1, %mul3A : i32
    %run_scoped3A = arith.constant 1 : i32
    "tpu.region"() ({
      %run_scoped3A_28 = tpu.sem_alloc : memref<!tpu.dma_semaphore, #tpu.memory_space<semaphore_mem>>
      %dma_start3A = arith.constant 0 : i32
      %dma_start3A_29 = tpu.memref_slice %arg2[%run_scoped3A, %mul3A_0, %dma_start3A] : memref<2x2560x128xi32, #tpu.memory_space<hbm>> -> memref<1x160x128xi32, #tpu.memory_space<hbm>>
      %dma_start3A_30 = tpu.memref_squeeze %dma_start3A_29 : memref<1x160x128xi32, #tpu.memory_space<hbm>> -> memref<160x128xi32, #tpu.memory_space<hbm>>
      %dma_start3A_31 = arith.constant 0 : i32
      %dma_start3A_32 = tpu.memref_slice %arg2[%run_scoped3A, %mul3A_0, %dma_start3A_31] : memref<2x2560x128xi32, #tpu.memory_space<hbm>> -> memref<1x160x128xi32, #tpu.memory_space<hbm>>
      %dma_start3A_33 = tpu.memref_squeeze %dma_start3A_32 : memref<1x160x128xi32, #tpu.memory_space<hbm>> -> memref<160x128xi32, #tpu.memory_space<hbm>>
      tpu.enqueue_dma source(%dma_start3A_33 : memref<160x128xi32, #tpu.memory_space<hbm>>) target(%arg5 : memref<160x128xi32, #tpu.memory_space<vmem>>) target_semaphore(%run_scoped3A_28 : memref<!tpu.dma_semaphore, #tpu.memory_space<semaphore_mem>>)
      %dma_wait3A = arith.constant 0 : i32
      %dma_wait3A_34 = tpu.memref_slice %arg2[%run_scoped3A, %mul3A_0, %dma_wait3A] : memref<2x2560x128xi32, #tpu.memory_space<hbm>> -> memref<1x160x128xi32, #tpu.memory_space<hbm>>
      %dma_wait3A_35 = tpu.memref_squeeze %dma_wait3A_34 : memref<1x160x128xi32, #tpu.memory_space<hbm>> -> memref<160x128xi32, #tpu.memory_space<hbm>>
      %dma_wait3A_36 = arith.constant 0 : i32
      %dma_wait3A_37 = tpu.memref_slice %arg2[%run_scoped3A, %mul3A_0, %dma_wait3A_36] : memref<2x2560x128xi32, #tpu.memory_space<hbm>> -> memref<1x160x128xi32, #tpu.memory_space<hbm>>
      %dma_wait3A_38 = tpu.memref_squeeze %dma_wait3A_37 : memref<1x160x128xi32, #tpu.memory_space<hbm>> -> memref<160x128xi32, #tpu.memory_space<hbm>>
      tpu.wait_dma2 semaphore(%run_scoped3A_28 : memref<!tpu.dma_semaphore, #tpu.memory_space<semaphore_mem>>) src(%dma_wait3A_38 : memref<160x128xi32, #tpu.memory_space<hbm>>) dst(%arg5 : memref<160x128xi32, #tpu.memory_space<vmem>>)
      tpu.yield
    }) : () -> ()
    "tpu.region"() ({
      %run_scoped3A_28 = tpu.sem_alloc : memref<!tpu.dma_semaphore, #tpu.memory_space<semaphore_mem>>
      tpu.enqueue_dma source(%arg3 : memref<10240xf32, #tpu.memory_space<hbm>>) target(%arg6 : memref<10240xf32, #tpu.memory_space<vmem>>) target_semaphore(%run_scoped3A_28 : memref<!tpu.dma_semaphore, #tpu.memory_space<semaphore_mem>>)
      tpu.wait_dma2 semaphore(%run_scoped3A_28 : memref<!tpu.dma_semaphore, #tpu.memory_space<semaphore_mem>>) src(%arg3 : memref<10240xf32, #tpu.memory_space<hbm>>) dst(%arg6 : memref<10240xf32, #tpu.memory_space<vmem>>)
      tpu.yield
    }) : () -> ()
    %broadcast_in_dim3A = arith.constant 1.000000e+00 : f32
    %broadcast_in_dim3A_1 = vector.broadcast %broadcast_in_dim3A : f32 to vector<16xf32>
    %scan3A = arith.constant 0 : i32
    %scan3A_2 = arith.constant 0 : i32
    %scan3A_3 = arith.constant 160 : i32
    %scan3A_4 = arith.addi %scan3A_2, %scan3A_3 : i32
    %scan3A_5 = arith.constant 1 : i32
    scf.for %scan3A_28 = %scan3A_2 to %scan3A_4 step %scan3A_5  : i32 {
      %get3A = arith.index_cast %scan3A_28 : i32 to index
      %get3A_29 = arith.constant 0 : index
      %get3A_30 = tpu.vector_load %arg5[%get3A, %get3A_29] {strides = array<i32>} : memref<160x128xi32, #tpu.memory_space<vmem>>, vector<16xi32>,
      tpu.vector_store_idx %arg6[%get3A_30], %broadcast_in_dim3A_1 {add = true} : memref<10240xf32, #tpu.memory_space<vmem>>[vector<16xi32>], vector<16xf32>,
      %get3A_31 = arith.index_cast %scan3A_28 : i32 to index
      %get3A_32 = arith.constant 16 : index
      %get3A_33 = tpu.vector_load %arg5[%get3A_31, %get3A_32] {strides = array<i32>} : memref<160x128xi32, #tpu.memory_space<vmem>>, vector<16xi32>,
      tpu.vector_store_idx %arg6[%get3A_33], %broadcast_in_dim3A_1 {add = true} : memref<10240xf32, #tpu.memory_space<vmem>>[vector<16xi32>], vector<16xf32>,
      %get3A_34 = arith.index_cast %scan3A_28 : i32 to index
      %get3A_35 = arith.constant 32 : index
      %get3A_36 = tpu.vector_load %arg5[%get3A_34, %get3A_35] {strides = array<i32>} : memref<160x128xi32, #tpu.memory_space<vmem>>, vector<16xi32>,
      tpu.vector_store_idx %arg6[%get3A_36], %broadcast_in_dim3A_1 {add = true} : memref<10240xf32, #tpu.memory_space<vmem>>[vector<16xi32>], vector<16xf32>,
      %get3A_37 = arith.index_cast %scan3A_28 : i32 to index
      %get3A_38 = arith.constant 48 : index
      %get3A_39 = tpu.vector_load %arg5[%get3A_37, %get3A_38] {strides = array<i32>} : memref<160x128xi32, #tpu.memory_space<vmem>>, vector<16xi32>,
      tpu.vector_store_idx %arg6[%get3A_39], %broadcast_in_dim3A_1 {add = true} : memref<10240xf32, #tpu.memory_space<vmem>>[vector<16xi32>], vector<16xf32>,
      %get3A_40 = arith.index_cast %scan3A_28 : i32 to index
      %get3A_41 = arith.constant 64 : index
      %get3A_42 = tpu.vector_load %arg5[%get3A_40, %get3A_41] {strides = array<i32>} : memref<160x128xi32, #tpu.memory_space<vmem>>, vector<16xi32>,
      tpu.vector_store_idx %arg6[%get3A_42], %broadcast_in_dim3A_1 {add = true} : memref<10240xf32, #tpu.memory_space<vmem>>[vector<16xi32>], vector<16xf32>,
      %get3A_43 = arith.index_cast %scan3A_28 : i32 to index
      %get3A_44 = arith.constant 80 : index
      %get3A_45 = tpu.vector_load %arg5[%get3A_43, %get3A_44] {strides = array<i32>} : memref<160x128xi32, #tpu.memory_space<vmem>>, vector<16xi32>,
      tpu.vector_store_idx %arg6[%get3A_45], %broadcast_in_dim3A_1 {add = true} : memref<10240xf32, #tpu.memory_space<vmem>>[vector<16xi32>], vector<16xf32>,
      %get3A_46 = arith.index_cast %scan3A_28 : i32 to index
      %get3A_47 = arith.constant 96 : index
      %get3A_48 = tpu.vector_load %arg5[%get3A_46, %get3A_47] {strides = array<i32>} : memref<160x128xi32, #tpu.memory_space<vmem>>, vector<16xi32>,
      tpu.vector_store_idx %arg6[%get3A_48], %broadcast_in_dim3A_1 {add = true} : memref<10240xf32, #tpu.memory_space<vmem>>[vector<16xi32>], vector<16xf32>,
      %get3A_49 = arith.index_cast %scan3A_28 : i32 to index
      %get3A_50 = arith.constant 112 : index
      %get3A_51 = tpu.vector_load %arg5[%get3A_49, %get3A_50] {strides = array<i32>} : memref<160x128xi32, #tpu.memory_space<vmem>>, vector<16xi32>,
      tpu.vector_store_idx %arg6[%get3A_51], %broadcast_in_dim3A_1 {add = true} : memref<10240xf32, #tpu.memory_space<vmem>>[vector<16xi32>], vector<16xf32>,
    }
    %scan3A_6 = arith.constant 160 : i32
    "tpu.region"() ({
      %run_scoped3A_28 = tpu.sem_alloc : memref<!tpu.dma_semaphore, #tpu.memory_space<semaphore_mem>>
      %dma_start3A = arith.constant 0 : i32
      %dma_start3A_29 = tpu.memref_slice %arg10[%arg1, %dma_start3A] : memref<16x10240xf32, #tpu.memory_space<vmem_shared>> -> memref<1x10240xf32, #tpu.memory_space<vmem_shared>>
      %dma_start3A_30 = tpu.memref_squeeze %dma_start3A_29 : memref<1x10240xf32, #tpu.memory_space<vmem_shared>> -> memref<10240xf32, #tpu.memory_space<vmem_shared>>
      %dma_start3A_31 = arith.constant 0 : i32
      %dma_start3A_32 = tpu.memref_slice %arg10[%arg1, %dma_start3A_31] : memref<16x10240xf32, #tpu.memory_space<vmem_shared>> -> memref<1x10240xf32, #tpu.memory_space<vmem_shared>>
      %dma_start3A_33 = tpu.memref_squeeze %dma_start3A_32 : memref<1x10240xf32, #tpu.memory_space<vmem_shared>> -> memref<10240xf32, #tpu.memory_space<vmem_shared>>
      tpu.enqueue_dma source(%arg6 : memref<10240xf32, #tpu.memory_space<vmem>>) target(%dma_start3A_33 : memref<10240xf32, #tpu.memory_space<vmem_shared>>) target_semaphore(%run_scoped3A_28 : memref<!tpu.dma_semaphore, #tpu.memory_space<semaphore_mem>>)
      %dma_wait3A = arith.constant 0 : i32
      %dma_wait3A_34 = tpu.memref_slice %arg10[%arg1, %dma_wait3A] : memref<16x10240xf32, #tpu.memory_space<vmem_shared>> -> memref<1x10240xf32, #tpu.memory_space<vmem_shared>>
      %dma_wait3A_35 = tpu.memref_squeeze %dma_wait3A_34 : memref<1x10240xf32, #tpu.memory_space<vmem_shared>> -> memref<10240xf32, #tpu.memory_space<vmem_shared>>
      %dma_wait3A_36 = arith.constant 0 : i32
      %dma_wait3A_37 = tpu.memref_slice %arg10[%arg1, %dma_wait3A_36] : memref<16x10240xf32, #tpu.memory_space<vmem_shared>> -> memref<1x10240xf32, #tpu.memory_space<vmem_shared>>
      %dma_wait3A_38 = tpu.memref_squeeze %dma_wait3A_37 : memref<1x10240xf32, #tpu.memory_space<vmem_shared>> -> memref<10240xf32, #tpu.memory_space<vmem_shared>>
      tpu.wait_dma2 semaphore(%run_scoped3A_28 : memref<!tpu.dma_semaphore, #tpu.memory_space<semaphore_mem>>) src(%arg6 : memref<10240xf32, #tpu.memory_space<vmem>>) dst(%dma_wait3A_38 : memref<10240xf32, #tpu.memory_space<vmem_shared>>)
      tpu.yield
    }) : () -> ()
    %barrier3A = arith.constant 0 : index
    tpu.barrier barrier_id(%barrier3A)
    %mul3A_7 = arith.constant 5120 : i32
    %mul3A_8 = arith.muli %arg0, %mul3A_7 : i32
    %mul3A_9 = arith.constant 320 : i32
    %mul3A_10 = arith.muli %arg1, %mul3A_9 : i32
    %add3A = arith.addi %mul3A_8, %mul3A_10 : i32
    "tpu.region"() ({
      %run_scoped3A_28 = tpu.sem_alloc : memref<!tpu.dma_semaphore, #tpu.memory_space<semaphore_mem>>
      %dma_start3A = arith.constant 0 : i32
      %dma_start3A_29 = tpu.memref_slice %arg10[%dma_start3A, %add3A] : memref<16x10240xf32, #tpu.memory_space<vmem_shared>> -> memref<16x320xf32, #tpu.memory_space<vmem_shared>>
      %dma_start3A_30 = arith.constant 0 : i32
      %dma_start3A_31 = tpu.memref_slice %arg10[%dma_start3A_30, %add3A] : memref<16x10240xf32, #tpu.memory_space<vmem_shared>> -> memref<16x320xf32, #tpu.memory_space<vmem_shared>>
      tpu.enqueue_dma source(%dma_start3A_31 : memref<16x320xf32, #tpu.memory_space<vmem_shared>>) target(%arg7 : memref<16x320xf32, #tpu.memory_space<vmem>>) target_semaphore(%run_scoped3A_28 : memref<!tpu.dma_semaphore, #tpu.memory_space<semaphore_mem>>)
      %dma_wait3A = arith.constant 0 : i32
      %dma_wait3A_32 = tpu.memref_slice %arg10[%dma_wait3A, %add3A] : memref<16x10240xf32, #tpu.memory_space<vmem_shared>> -> memref<16x320xf32, #tpu.memory_space<vmem_shared>>
      %dma_wait3A_33 = arith.constant 0 : i32
      %dma_wait3A_34 = tpu.memref_slice %arg10[%dma_wait3A_33, %add3A] : memref<16x10240xf32, #tpu.memory_space<vmem_shared>> -> memref<16x320xf32, #tpu.memory_space<vmem_shared>>
      tpu.wait_dma2 semaphore(%run_scoped3A_28 : memref<!tpu.dma_semaphore, #tpu.memory_space<semaphore_mem>>) src(%dma_wait3A_34 : memref<16x320xf32, #tpu.memory_space<vmem_shared>>) dst(%arg7 : memref<16x320xf32, #tpu.memory_space<vmem>>)
      tpu.yield
    }) : () -> ()
    %scan3A_11 = arith.constant 0 : i32
    %scan3A_12 = arith.constant 0 : i32
    %scan3A_13 = arith.constant 20 : i32
    %scan3A_14 = arith.addi %scan3A_12, %scan3A_13 : i32
    %scan3A_15 = arith.constant 1 : i32
    scf.for %scan3A_28 = %scan3A_12 to %scan3A_14 step %scan3A_15  : i32 {
      %broadcast_in_dim3A_29 = arith.constant 1.000000e+00 : f32
      %broadcast_in_dim3A_30 = vector.broadcast %broadcast_in_dim3A_29 : f32 to vector<16xf32>
      %mul3A_31 = arith.constant 16 : i32
      %mul3A_32 = arith.muli %scan3A_28, %mul3A_31 : i32
      %get3A = arith.constant 0 : i32
      %get3A_33 = arith.index_cast %get3A : i32 to index
      %get3A_34 = arith.index_cast %mul3A_32 : i32 to index
      %get3A_35 = tpu.vector_load %arg7[%get3A_33, %get3A_34] {strides = array<i32>} : memref<16x320xf32, #tpu.memory_space<vmem>>, vector<16xf32>,
      %add3A_36 = arith.addf %broadcast_in_dim3A_30, %get3A_35 : vector<16xf32>
      %mul3A_37 = arith.constant 16 : i32
      %mul3A_38 = arith.muli %scan3A_28, %mul3A_37 : i32
      %get3A_39 = arith.constant 1 : i32
      %get3A_40 = arith.index_cast %get3A_39 : i32 to index
      %get3A_41 = arith.index_cast %mul3A_38 : i32 to index
      %get3A_42 = tpu.vector_load %arg7[%get3A_40, %get3A_41] {strides = array<i32>} : memref<16x320xf32, #tpu.memory_space<vmem>>, vector<16xf32>,
      %add3A_43 = arith.addf %add3A_36, %get3A_42 : vector<16xf32>
      %mul3A_44 = arith.constant 16 : i32
      %mul3A_45 = arith.muli %scan3A_28, %mul3A_44 : i32
      %get3A_46 = arith.constant 2 : i32
      %get3A_47 = arith.index_cast %get3A_46 : i32 to index
      %get3A_48 = arith.index_cast %mul3A_45 : i32 to index
      %get3A_49 = tpu.vector_load %arg7[%get3A_47, %get3A_48] {strides = array<i32>} : memref<16x320xf32, #tpu.memory_space<vmem>>, vector<16xf32>,
      %add3A_50 = arith.addf %add3A_43, %get3A_49 : vector<16xf32>
      %mul3A_51 = arith.constant 16 : i32
      %mul3A_52 = arith.muli %scan3A_28, %mul3A_51 : i32
      %get3A_53 = arith.constant 3 : i32
      %get3A_54 = arith.index_cast %get3A_53 : i32 to index
      %get3A_55 = arith.index_cast %mul3A_52 : i32 to index
      %get3A_56 = tpu.vector_load %arg7[%get3A_54, %get3A_55] {strides = array<i32>} : memref<16x320xf32, #tpu.memory_space<vmem>>, vector<16xf32>,
      %add3A_57 = arith.addf %add3A_50, %get3A_56 : vector<16xf32>
      %mul3A_58 = arith.constant 16 : i32
      %mul3A_59 = arith.muli %scan3A_28, %mul3A_58 : i32
      %get3A_60 = arith.constant 4 : i32
      %get3A_61 = arith.index_cast %get3A_60 : i32 to index
      %get3A_62 = arith.index_cast %mul3A_59 : i32 to index
      %get3A_63 = tpu.vector_load %arg7[%get3A_61, %get3A_62] {strides = array<i32>} : memref<16x320xf32, #tpu.memory_space<vmem>>, vector<16xf32>,
      %add3A_64 = arith.addf %add3A_57, %get3A_63 : vector<16xf32>
      %mul3A_65 = arith.constant 16 : i32
      %mul3A_66 = arith.muli %scan3A_28, %mul3A_65 : i32
      %get3A_67 = arith.constant 5 : i32
      %get3A_68 = arith.index_cast %get3A_67 : i32 to index
      %get3A_69 = arith.index_cast %mul3A_66 : i32 to index
      %get3A_70 = tpu.vector_load %arg7[%get3A_68, %get3A_69] {strides = array<i32>} : memref<16x320xf32, #tpu.memory_space<vmem>>, vector<16xf32>,
      %add3A_71 = arith.addf %add3A_64, %get3A_70 : vector<16xf32>
      %mul3A_72 = arith.constant 16 : i32
      %mul3A_73 = arith.muli %scan3A_28, %mul3A_72 : i32
      %get3A_74 = arith.constant 6 : i32
      %get3A_75 = arith.index_cast %get3A_74 : i32 to index
      %get3A_76 = arith.index_cast %mul3A_73 : i32 to index
      %get3A_77 = tpu.vector_load %arg7[%get3A_75, %get3A_76] {strides = array<i32>} : memref<16x320xf32, #tpu.memory_space<vmem>>, vector<16xf32>,
      %add3A_78 = arith.addf %add3A_71, %get3A_77 : vector<16xf32>
      %mul3A_79 = arith.constant 16 : i32
      %mul3A_80 = arith.muli %scan3A_28, %mul3A_79 : i32
      %get3A_81 = arith.constant 7 : i32
      %get3A_82 = arith.index_cast %get3A_81 : i32 to index
      %get3A_83 = arith.index_cast %mul3A_80 : i32 to index
      %get3A_84 = tpu.vector_load %arg7[%get3A_82, %get3A_83] {strides = array<i32>} : memref<16x320xf32, #tpu.memory_space<vmem>>, vector<16xf32>,
      %add3A_85 = arith.addf %add3A_78, %get3A_84 : vector<16xf32>
      %mul3A_86 = arith.constant 16 : i32
      %mul3A_87 = arith.muli %scan3A_28, %mul3A_86 : i32
      %get3A_88 = arith.constant 8 : i32
      %get3A_89 = arith.index_cast %get3A_88 : i32 to index
      %get3A_90 = arith.index_cast %mul3A_87 : i32 to index
      %get3A_91 = tpu.vector_load %arg7[%get3A_89, %get3A_90] {strides = array<i32>} : memref<16x320xf32, #tpu.memory_space<vmem>>, vector<16xf32>,
      %add3A_92 = arith.addf %add3A_85, %get3A_91 : vector<16xf32>
      %mul3A_93 = arith.constant 16 : i32
      %mul3A_94 = arith.muli %scan3A_28, %mul3A_93 : i32
      %get3A_95 = arith.constant 9 : i32
      %get3A_96 = arith.index_cast %get3A_95 : i32 to index
      %get3A_97 = arith.index_cast %mul3A_94 : i32 to index
      %get3A_98 = tpu.vector_load %arg7[%get3A_96, %get3A_97] {strides = array<i32>} : memref<16x320xf32, #tpu.memory_space<vmem>>, vector<16xf32>,
      %add3A_99 = arith.addf %add3A_92, %get3A_98 : vector<16xf32>
      %mul3A_100 = arith.constant 16 : i32
      %mul3A_101 = arith.muli %scan3A_28, %mul3A_100 : i32
      %get3A_102 = arith.constant 10 : i32
      %get3A_103 = arith.index_cast %get3A_102 : i32 to index
      %get3A_104 = arith.index_cast %mul3A_101 : i32 to index
      %get3A_105 = tpu.vector_load %arg7[%get3A_103, %get3A_104] {strides = array<i32>} : memref<16x320xf32, #tpu.memory_space<vmem>>, vector<16xf32>,
      %add3A_106 = arith.addf %add3A_99, %get3A_105 : vector<16xf32>
      %mul3A_107 = arith.constant 16 : i32
      %mul3A_108 = arith.muli %scan3A_28, %mul3A_107 : i32
      %get3A_109 = arith.constant 11 : i32
      %get3A_110 = arith.index_cast %get3A_109 : i32 to index
      %get3A_111 = arith.index_cast %mul3A_108 : i32 to index
      %get3A_112 = tpu.vector_load %arg7[%get3A_110, %get3A_111] {strides = array<i32>} : memref<16x320xf32, #tpu.memory_space<vmem>>, vector<16xf32>,
      %add3A_113 = arith.addf %add3A_106, %get3A_112 : vector<16xf32>
      %mul3A_114 = arith.constant 16 : i32
      %mul3A_115 = arith.muli %scan3A_28, %mul3A_114 : i32
      %get3A_116 = arith.constant 12 : i32
      %get3A_117 = arith.index_cast %get3A_116 : i32 to index
      %get3A_118 = arith.index_cast %mul3A_115 : i32 to index
      %get3A_119 = tpu.vector_load %arg7[%get3A_117, %get3A_118] {strides = array<i32>} : memref<16x320xf32, #tpu.memory_space<vmem>>, vector<16xf32>,
      %add3A_120 = arith.addf %add3A_113, %get3A_119 : vector<16xf32>
      %mul3A_121 = arith.constant 16 : i32
      %mul3A_122 = arith.muli %scan3A_28, %mul3A_121 : i32
      %get3A_123 = arith.constant 13 : i32
      %get3A_124 = arith.index_cast %get3A_123 : i32 to index
      %get3A_125 = arith.index_cast %mul3A_122 : i32 to index
      %get3A_126 = tpu.vector_load %arg7[%get3A_124, %get3A_125] {strides = array<i32>} : memref<16x320xf32, #tpu.memory_space<vmem>>, vector<16xf32>,
      %add3A_127 = arith.addf %add3A_120, %get3A_126 : vector<16xf32>
      %mul3A_128 = arith.constant 16 : i32
      %mul3A_129 = arith.muli %scan3A_28, %mul3A_128 : i32
      %get3A_130 = arith.constant 14 : i32
      %get3A_131 = arith.index_cast %get3A_130 : i32 to index
      %get3A_132 = arith.index_cast %mul3A_129 : i32 to index
      %get3A_133 = tpu.vector_load %arg7[%get3A_131, %get3A_132] {strides = array<i32>} : memref<16x320xf32, #tpu.memory_space<vmem>>, vector<16xf32>,
      %add3A_134 = arith.addf %add3A_127, %get3A_133 : vector<16xf32>
      %mul3A_135 = arith.constant 16 : i32
      %mul3A_136 = arith.muli %scan3A_28, %mul3A_135 : i32
      %get3A_137 = arith.constant 15 : i32
      %get3A_138 = arith.index_cast %get3A_137 : i32 to index
      %get3A_139 = arith.index_cast %mul3A_136 : i32 to index
      %get3A_140 = tpu.vector_load %arg7[%get3A_138, %get3A_139] {strides = array<i32>} : memref<16x320xf32, #tpu.memory_space<vmem>>, vector<16xf32>,
      %add3A_141 = arith.addf %add3A_134, %get3A_140 : vector<16xf32>
      %bitcast3A = vector.bitcast %add3A_141 : vector<16xf32> to vector<16xi32>
      %shift_right_arithmetic3A = arith.constant 1 : i32
      %shift_right_arithmetic3A_142 = vector.broadcast %shift_right_arithmetic3A : i32 to vector<16xi32>
      %shift_right_arithmetic3A_143 = arith.shrsi %bitcast3A, %shift_right_arithmetic3A_142 : vector<16xi32>
      %sub3A = arith.constant 1597463007 : i32
      %sub3A_144 = vector.broadcast %sub3A : i32 to vector<16xi32>
      %sub3A_145 = arith.subi %sub3A_144, %shift_right_arithmetic3A_143 : vector<16xi32>
      %bitcast3A_146 = vector.bitcast %sub3A_145 : vector<16xi32> to vector<16xf32>
      %mul3A_147 = arith.constant 5.000000e-01 : f32
      %mul3A_148 = vector.broadcast %mul3A_147 : f32 to vector<16xf32>
      %mul3A_149 = arith.mulf %mul3A_148, %add3A_141 : vector<16xf32>
      %mul3A_150 = arith.mulf %mul3A_149, %bitcast3A_146 : vector<16xf32>
      %mul3A_151 = arith.mulf %mul3A_150, %bitcast3A_146 : vector<16xf32>
      %sub3A_152 = arith.constant 1.500000e+00 : f32
      %sub3A_153 = vector.broadcast %sub3A_152 : f32 to vector<16xf32>
      %sub3A_154 = arith.subf %sub3A_153, %mul3A_151 : vector<16xf32>
      %mul3A_155 = arith.mulf %bitcast3A_146, %sub3A_154 : vector<16xf32>
      %mul3A_156 = arith.constant 5.000000e-01 : f32
      %mul3A_157 = vector.broadcast %mul3A_156 : f32 to vector<16xf32>
      %mul3A_158 = arith.mulf %mul3A_157, %add3A_141 : vector<16xf32>
      %mul3A_159 = arith.mulf %mul3A_158, %mul3A_155 : vector<16xf32>
      %mul3A_160 = arith.mulf %mul3A_159, %mul3A_155 : vector<16xf32>
      %sub3A_161 = arith.constant 1.500000e+00 : f32
      %sub3A_162 = vector.broadcast %sub3A_161 : f32 to vector<16xf32>
      %sub3A_163 = arith.subf %sub3A_162, %mul3A_160 : vector<16xf32>
      %mul3A_164 = arith.mulf %mul3A_155, %sub3A_163 : vector<16xf32>
      %mul3A_165 = arith.constant 5.000000e-01 : f32
      %mul3A_166 = vector.broadcast %mul3A_165 : f32 to vector<16xf32>
      %mul3A_167 = arith.mulf %mul3A_166, %add3A_141 : vector<16xf32>
      %mul3A_168 = arith.mulf %mul3A_167, %mul3A_164 : vector<16xf32>
      %mul3A_169 = arith.mulf %mul3A_168, %mul3A_164 : vector<16xf32>
      %sub3A_170 = arith.constant 1.500000e+00 : f32
      %sub3A_171 = vector.broadcast %sub3A_170 : f32 to vector<16xf32>
      %sub3A_172 = arith.subf %sub3A_171, %mul3A_169 : vector<16xf32>
      %mul3A_173 = arith.mulf %mul3A_164, %sub3A_172 : vector<16xf32>
      %mul3A_174 = arith.constant 16 : i32
      %mul3A_175 = arith.muli %scan3A_28, %mul3A_174 : i32
      %swap3A = arith.index_cast %mul3A_175 : i32 to index
      %swap3A_176 = tpu.vector_load %arg8[%swap3A] {strides = array<i32>} : memref<320xf32, #tpu.memory_space<vmem>>, vector<16xf32>,
      tpu.vector_store %arg8[%swap3A], %mul3A_173 {strides = array<i32>} : memref<320xf32, #tpu.memory_space<vmem>>, vector<16xf32>,
    }
    %scan3A_16 = arith.constant 20 : i32
    %scan3A_17 = arith.constant 0 : i32
    %scan3A_18 = arith.constant 0 : i32
    %scan3A_19 = arith.constant 20 : i32
    %scan3A_20 = arith.addi %scan3A_18, %scan3A_19 : i32
    %scan3A_21 = arith.constant 1 : i32
    scf.for %scan3A_28 = %scan3A_18 to %scan3A_20 step %scan3A_21  : i32 {
      %mul3A_29 = arith.constant 16 : i32
      %mul3A_30 = arith.muli %scan3A_28, %mul3A_29 : i32
      %get3A = arith.index_cast %mul3A_30 : i32 to index
      %get3A_31 = tpu.vector_load %arg8[%get3A] {strides = array<i32>} : memref<320xf32, #tpu.memory_space<vmem>>, vector<16xf32>,
      %slice3A = vector.extract_strided_slice %get3A_31 {offsets = [0], sizes = [1], strides = [1]} : vector<16xf32> to vector<1xf32>
      %squeeze3A = vector.extract %slice3A[0] : f32 from vector<1xf32>
      %mul3A_32 = arith.constant 4 : i32
      %mul3A_33 = arith.muli %scan3A_28, %mul3A_32 : i32
      %add3A_34 = arith.constant 0 : i32
      %add3A_35 = arith.addi %mul3A_33, %add3A_34 : i32
      %broadcast_in_dim3A_36 = vector.broadcast %squeeze3A : f32 to vector<16xf32>
      %swap3A = arith.index_cast %add3A_35 : i32 to index
      %swap3A_37 = arith.constant 0 : index
      %swap3A_38 = tpu.vector_load %arg9[%swap3A, %swap3A_37] {strides = array<i32>} : memref<80x128xf32, #tpu.memory_space<vmem>>, vector<16xf32>,
      tpu.vector_store %arg9[%swap3A, %swap3A_37], %broadcast_in_dim3A_36 {strides = array<i32>} : memref<80x128xf32, #tpu.memory_space<vmem>>, vector<16xf32>,
      %broadcast_in_dim3A_39 = vector.broadcast %squeeze3A : f32 to vector<16xf32>
      %swap3A_40 = arith.index_cast %add3A_35 : i32 to index
      %swap3A_41 = arith.constant 16 : index
      %swap3A_42 = tpu.vector_load %arg9[%swap3A_40, %swap3A_41] {strides = array<i32>} : memref<80x128xf32, #tpu.memory_space<vmem>>, vector<16xf32>,
      tpu.vector_store %arg9[%swap3A_40, %swap3A_41], %broadcast_in_dim3A_39 {strides = array<i32>} : memref<80x128xf32, #tpu.memory_space<vmem>>, vector<16xf32>,
      %slice3A_43 = vector.extract_strided_slice %get3A_31 {offsets = [1], sizes = [1], strides = [1]} : vector<16xf32> to vector<1xf32>
      %squeeze3A_44 = vector.extract %slice3A_43[0] : f32 from vector<1xf32>
      %mul3A_45 = arith.constant 4 : i32
      %mul3A_46 = arith.muli %scan3A_28, %mul3A_45 : i32
      %add3A_47 = arith.constant 0 : i32
      %add3A_48 = arith.addi %mul3A_46, %add3A_47 : i32
      %broadcast_in_dim3A_49 = vector.broadcast %squeeze3A_44 : f32 to vector<16xf32>
      %swap3A_50 = arith.index_cast %add3A_48 : i32 to index
      %swap3A_51 = arith.constant 32 : index
      %swap3A_52 = tpu.vector_load %arg9[%swap3A_50, %swap3A_51] {strides = array<i32>} : memref<80x128xf32, #tpu.memory_space<vmem>>, vector<16xf32>,
      tpu.vector_store %arg9[%swap3A_50, %swap3A_51], %broadcast_in_dim3A_49 {strides = array<i32>} : memref<80x128xf32, #tpu.memory_space<vmem>>, vector<16xf32>,
      %broadcast_in_dim3A_53 = vector.broadcast %squeeze3A_44 : f32 to vector<16xf32>
      %swap3A_54 = arith.index_cast %add3A_48 : i32 to index
      %swap3A_55 = arith.constant 48 : index
      %swap3A_56 = tpu.vector_load %arg9[%swap3A_54, %swap3A_55] {strides = array<i32>} : memref<80x128xf32, #tpu.memory_space<vmem>>, vector<16xf32>,
      tpu.vector_store %arg9[%swap3A_54, %swap3A_55], %broadcast_in_dim3A_53 {strides = array<i32>} : memref<80x128xf32, #tpu.memory_space<vmem>>, vector<16xf32>,
      %slice3A_57 = vector.extract_strided_slice %get3A_31 {offsets = [2], sizes = [1], strides = [1]} : vector<16xf32> to vector<1xf32>
      %squeeze3A_58 = vector.extract %slice3A_57[0] : f32 from vector<1xf32>
      %mul3A_59 = arith.constant 4 : i32
      %mul3A_60 = arith.muli %scan3A_28, %mul3A_59 : i32
      %add3A_61 = arith.constant 0 : i32
      %add3A_62 = arith.addi %mul3A_60, %add3A_61 : i32
      %broadcast_in_dim3A_63 = vector.broadcast %squeeze3A_58 : f32 to vector<16xf32>
      %swap3A_64 = arith.index_cast %add3A_62 : i32 to index
      %swap3A_65 = arith.constant 64 : index
      %swap3A_66 = tpu.vector_load %arg9[%swap3A_64, %swap3A_65] {strides = array<i32>} : memref<80x128xf32, #tpu.memory_space<vmem>>, vector<16xf32>,
      tpu.vector_store %arg9[%swap3A_64, %swap3A_65], %broadcast_in_dim3A_63 {strides = array<i32>} : memref<80x128xf32, #tpu.memory_space<vmem>>, vector<16xf32>,
      %broadcast_in_dim3A_67 = vector.broadcast %squeeze3A_58 : f32 to vector<16xf32>
      %swap3A_68 = arith.index_cast %add3A_62 : i32 to index
      %swap3A_69 = arith.constant 80 : index
      %swap3A_70 = tpu.vector_load %arg9[%swap3A_68, %swap3A_69] {strides = array<i32>} : memref<80x128xf32, #tpu.memory_space<vmem>>, vector<16xf32>,
      tpu.vector_store %arg9[%swap3A_68, %swap3A_69], %broadcast_in_dim3A_67 {strides = array<i32>} : memref<80x128xf32, #tpu.memory_space<vmem>>, vector<16xf32>,
      %slice3A_71 = vector.extract_strided_slice %get3A_31 {offsets = [3], sizes = [1], strides = [1]} : vector<16xf32> to vector<1xf32>
      %squeeze3A_72 = vector.extract %slice3A_71[0] : f32 from vector<1xf32>
      %mul3A_73 = arith.constant 4 : i32
      %mul3A_74 = arith.muli %scan3A_28, %mul3A_73 : i32
      %add3A_75 = arith.constant 0 : i32
      %add3A_76 = arith.addi %mul3A_74, %add3A_75 : i32
      %broadcast_in_dim3A_77 = vector.broadcast %squeeze3A_72 : f32 to vector<16xf32>
      %swap3A_78 = arith.index_cast %add3A_76 : i32 to index
      %swap3A_79 = arith.constant 96 : index
      %swap3A_80 = tpu.vector_load %arg9[%swap3A_78, %swap3A_79] {strides = array<i32>} : memref<80x128xf32, #tpu.memory_space<vmem>>, vector<16xf32>,
      tpu.vector_store %arg9[%swap3A_78, %swap3A_79], %broadcast_in_dim3A_77 {strides = array<i32>} : memref<80x128xf32, #tpu.memory_space<vmem>>, vector<16xf32>,
      %broadcast_in_dim3A_81 = vector.broadcast %squeeze3A_72 : f32 to vector<16xf32>
      %swap3A_82 = arith.index_cast %add3A_76 : i32 to index
      %swap3A_83 = arith.constant 112 : index
      %swap3A_84 = tpu.vector_load %arg9[%swap3A_82, %swap3A_83] {strides = array<i32>} : memref<80x128xf32, #tpu.memory_space<vmem>>, vector<16xf32>,
      tpu.vector_store %arg9[%swap3A_82, %swap3A_83], %broadcast_in_dim3A_81 {strides = array<i32>} : memref<80x128xf32, #tpu.memory_space<vmem>>, vector<16xf32>,
      %slice3A_85 = vector.extract_strided_slice %get3A_31 {offsets = [4], sizes = [1], strides = [1]} : vector<16xf32> to vector<1xf32>
      %squeeze3A_86 = vector.extract %slice3A_85[0] : f32 from vector<1xf32>
      %mul3A_87 = arith.constant 4 : i32
      %mul3A_88 = arith.muli %scan3A_28, %mul3A_87 : i32
      %add3A_89 = arith.constant 1 : i32
      %add3A_90 = arith.addi %mul3A_88, %add3A_89 : i32
      %broadcast_in_dim3A_91 = vector.broadcast %squeeze3A_86 : f32 to vector<16xf32>
      %swap3A_92 = arith.index_cast %add3A_90 : i32 to index
      %swap3A_93 = arith.constant 0 : index
      %swap3A_94 = tpu.vector_load %arg9[%swap3A_92, %swap3A_93] {strides = array<i32>} : memref<80x128xf32, #tpu.memory_space<vmem>>, vector<16xf32>,
      tpu.vector_store %arg9[%swap3A_92, %swap3A_93], %broadcast_in_dim3A_91 {strides = array<i32>} : memref<80x128xf32, #tpu.memory_space<vmem>>, vector<16xf32>,
      %broadcast_in_dim3A_95 = vector.broadcast %squeeze3A_86 : f32 to vector<16xf32>
      %swap3A_96 = arith.index_cast %add3A_90 : i32 to index
      %swap3A_97 = arith.constant 16 : index
      %swap3A_98 = tpu.vector_load %arg9[%swap3A_96, %swap3A_97] {strides = array<i32>} : memref<80x128xf32, #tpu.memory_space<vmem>>, vector<16xf32>,
      tpu.vector_store %arg9[%swap3A_96, %swap3A_97], %broadcast_in_dim3A_95 {strides = array<i32>} : memref<80x128xf32, #tpu.memory_space<vmem>>, vector<16xf32>,
      %slice3A_99 = vector.extract_strided_slice %get3A_31 {offsets = [5], sizes = [1], strides = [1]} : vector<16xf32> to vector<1xf32>
      %squeeze3A_100 = vector.extract %slice3A_99[0] : f32 from vector<1xf32>
      %mul3A_101 = arith.constant 4 : i32
      %mul3A_102 = arith.muli %scan3A_28, %mul3A_101 : i32
      %add3A_103 = arith.constant 1 : i32
      %add3A_104 = arith.addi %mul3A_102, %add3A_103 : i32
      %broadcast_in_dim3A_105 = vector.broadcast %squeeze3A_100 : f32 to vector<16xf32>
      %swap3A_106 = arith.index_cast %add3A_104 : i32 to index
      %swap3A_107 = arith.constant 32 : index
      %swap3A_108 = tpu.vector_load %arg9[%swap3A_106, %swap3A_107] {strides = array<i32>} : memref<80x128xf32, #tpu.memory_space<vmem>>, vector<16xf32>,
      tpu.vector_store %arg9[%swap3A_106, %swap3A_107], %broadcast_in_dim3A_105 {strides = array<i32>} : memref<80x128xf32, #tpu.memory_space<vmem>>, vector<16xf32>,
      %broadcast_in_dim3A_109 = vector.broadcast %squeeze3A_100 : f32 to vector<16xf32>
      %swap3A_110 = arith.index_cast %add3A_104 : i32 to index
      %swap3A_111 = arith.constant 48 : index
      %swap3A_112 = tpu.vector_load %arg9[%swap3A_110, %swap3A_111] {strides = array<i32>} : memref<80x128xf32, #tpu.memory_space<vmem>>, vector<16xf32>,
      tpu.vector_store %arg9[%swap3A_110, %swap3A_111], %broadcast_in_dim3A_109 {strides = array<i32>} : memref<80x128xf32, #tpu.memory_space<vmem>>, vector<16xf32>,
      %slice3A_113 = vector.extract_strided_slice %get3A_31 {offsets = [6], sizes = [1], strides = [1]} : vector<16xf32> to vector<1xf32>
      %squeeze3A_114 = vector.extract %slice3A_113[0] : f32 from vector<1xf32>
      %mul3A_115 = arith.constant 4 : i32
      %mul3A_116 = arith.muli %scan3A_28, %mul3A_115 : i32
      %add3A_117 = arith.constant 1 : i32
      %add3A_118 = arith.addi %mul3A_116, %add3A_117 : i32
      %broadcast_in_dim3A_119 = vector.broadcast %squeeze3A_114 : f32 to vector<16xf32>
      %swap3A_120 = arith.index_cast %add3A_118 : i32 to index
      %swap3A_121 = arith.constant 64 : index
      %swap3A_122 = tpu.vector_load %arg9[%swap3A_120, %swap3A_121] {strides = array<i32>} : memref<80x128xf32, #tpu.memory_space<vmem>>, vector<16xf32>,
      tpu.vector_store %arg9[%swap3A_120, %swap3A_121], %broadcast_in_dim3A_119 {strides = array<i32>} : memref<80x128xf32, #tpu.memory_space<vmem>>, vector<16xf32>,
      %broadcast_in_dim3A_123 = vector.broadcast %squeeze3A_114 : f32 to vector<16xf32>
      %swap3A_124 = arith.index_cast %add3A_118 : i32 to index
      %swap3A_125 = arith.constant 80 : index
      %swap3A_126 = tpu.vector_load %arg9[%swap3A_124, %swap3A_125] {strides = array<i32>} : memref<80x128xf32, #tpu.memory_space<vmem>>, vector<16xf32>,
      tpu.vector_store %arg9[%swap3A_124, %swap3A_125], %broadcast_in_dim3A_123 {strides = array<i32>} : memref<80x128xf32, #tpu.memory_space<vmem>>, vector<16xf32>,
      %slice3A_127 = vector.extract_strided_slice %get3A_31 {offsets = [7], sizes = [1], strides = [1]} : vector<16xf32> to vector<1xf32>
      %squeeze3A_128 = vector.extract %slice3A_127[0] : f32 from vector<1xf32>
      %mul3A_129 = arith.constant 4 : i32
      %mul3A_130 = arith.muli %scan3A_28, %mul3A_129 : i32
      %add3A_131 = arith.constant 1 : i32
      %add3A_132 = arith.addi %mul3A_130, %add3A_131 : i32
      %broadcast_in_dim3A_133 = vector.broadcast %squeeze3A_128 : f32 to vector<16xf32>
      %swap3A_134 = arith.index_cast %add3A_132 : i32 to index
      %swap3A_135 = arith.constant 96 : index
      %swap3A_136 = tpu.vector_load %arg9[%swap3A_134, %swap3A_135] {strides = array<i32>} : memref<80x128xf32, #tpu.memory_space<vmem>>, vector<16xf32>,
      tpu.vector_store %arg9[%swap3A_134, %swap3A_135], %broadcast_in_dim3A_133 {strides = array<i32>} : memref<80x128xf32, #tpu.memory_space<vmem>>, vector<16xf32>,
      %broadcast_in_dim3A_137 = vector.broadcast %squeeze3A_128 : f32 to vector<16xf32>
      %swap3A_138 = arith.index_cast %add3A_132 : i32 to index
      %swap3A_139 = arith.constant 112 : index
      %swap3A_140 = tpu.vector_load %arg9[%swap3A_138, %swap3A_139] {strides = array<i32>} : memref<80x128xf32, #tpu.memory_space<vmem>>, vector<16xf32>,
      tpu.vector_store %arg9[%swap3A_138, %swap3A_139], %broadcast_in_dim3A_137 {strides = array<i32>} : memref<80x128xf32, #tpu.memory_space<vmem>>, vector<16xf32>,
      %slice3A_141 = vector.extract_strided_slice %get3A_31 {offsets = [8], sizes = [1], strides = [1]} : vector<16xf32> to vector<1xf32>
      %squeeze3A_142 = vector.extract %slice3A_141[0] : f32 from vector<1xf32>
      %mul3A_143 = arith.constant 4 : i32
      %mul3A_144 = arith.muli %scan3A_28, %mul3A_143 : i32
      %add3A_145 = arith.constant 2 : i32
      %add3A_146 = arith.addi %mul3A_144, %add3A_145 : i32
      %broadcast_in_dim3A_147 = vector.broadcast %squeeze3A_142 : f32 to vector<16xf32>
      %swap3A_148 = arith.index_cast %add3A_146 : i32 to index
      %swap3A_149 = arith.constant 0 : index
      %swap3A_150 = tpu.vector_load %arg9[%swap3A_148, %swap3A_149] {strides = array<i32>} : memref<80x128xf32, #tpu.memory_space<vmem>>, vector<16xf32>,
      tpu.vector_store %arg9[%swap3A_148, %swap3A_149], %broadcast_in_dim3A_147 {strides = array<i32>} : memref<80x128xf32, #tpu.memory_space<vmem>>, vector<16xf32>,
      %broadcast_in_dim3A_151 = vector.broadcast %squeeze3A_142 : f32 to vector<16xf32>
      %swap3A_152 = arith.index_cast %add3A_146 : i32 to index
      %swap3A_153 = arith.constant 16 : index
      %swap3A_154 = tpu.vector_load %arg9[%swap3A_152, %swap3A_153] {strides = array<i32>} : memref<80x128xf32, #tpu.memory_space<vmem>>, vector<16xf32>,
      tpu.vector_store %arg9[%swap3A_152, %swap3A_153], %broadcast_in_dim3A_151 {strides = array<i32>} : memref<80x128xf32, #tpu.memory_space<vmem>>, vector<16xf32>,
      %slice3A_155 = vector.extract_strided_slice %get3A_31 {offsets = [9], sizes = [1], strides = [1]} : vector<16xf32> to vector<1xf32>
      %squeeze3A_156 = vector.extract %slice3A_155[0] : f32 from vector<1xf32>
      %mul3A_157 = arith.constant 4 : i32
      %mul3A_158 = arith.muli %scan3A_28, %mul3A_157 : i32
      %add3A_159 = arith.constant 2 : i32
      %add3A_160 = arith.addi %mul3A_158, %add3A_159 : i32
      %broadcast_in_dim3A_161 = vector.broadcast %squeeze3A_156 : f32 to vector<16xf32>
      %swap3A_162 = arith.index_cast %add3A_160 : i32 to index
      %swap3A_163 = arith.constant 32 : index
      %swap3A_164 = tpu.vector_load %arg9[%swap3A_162, %swap3A_163] {strides = array<i32>} : memref<80x128xf32, #tpu.memory_space<vmem>>, vector<16xf32>,
      tpu.vector_store %arg9[%swap3A_162, %swap3A_163], %broadcast_in_dim3A_161 {strides = array<i32>} : memref<80x128xf32, #tpu.memory_space<vmem>>, vector<16xf32>,
      %broadcast_in_dim3A_165 = vector.broadcast %squeeze3A_156 : f32 to vector<16xf32>
      %swap3A_166 = arith.index_cast %add3A_160 : i32 to index
      %swap3A_167 = arith.constant 48 : index
      %swap3A_168 = tpu.vector_load %arg9[%swap3A_166, %swap3A_167] {strides = array<i32>} : memref<80x128xf32, #tpu.memory_space<vmem>>, vector<16xf32>,
      tpu.vector_store %arg9[%swap3A_166, %swap3A_167], %broadcast_in_dim3A_165 {strides = array<i32>} : memref<80x128xf32, #tpu.memory_space<vmem>>, vector<16xf32>,
      %slice3A_169 = vector.extract_strided_slice %get3A_31 {offsets = [10], sizes = [1], strides = [1]} : vector<16xf32> to vector<1xf32>
      %squeeze3A_170 = vector.extract %slice3A_169[0] : f32 from vector<1xf32>
      %mul3A_171 = arith.constant 4 : i32
      %mul3A_172 = arith.muli %scan3A_28, %mul3A_171 : i32
      %add3A_173 = arith.constant 2 : i32
      %add3A_174 = arith.addi %mul3A_172, %add3A_173 : i32
      %broadcast_in_dim3A_175 = vector.broadcast %squeeze3A_170 : f32 to vector<16xf32>
      %swap3A_176 = arith.index_cast %add3A_174 : i32 to index
      %swap3A_177 = arith.constant 64 : index
      %swap3A_178 = tpu.vector_load %arg9[%swap3A_176, %swap3A_177] {strides = array<i32>} : memref<80x128xf32, #tpu.memory_space<vmem>>, vector<16xf32>,
      tpu.vector_store %arg9[%swap3A_176, %swap3A_177], %broadcast_in_dim3A_175 {strides = array<i32>} : memref<80x128xf32, #tpu.memory_space<vmem>>, vector<16xf32>,
      %broadcast_in_dim3A_179 = vector.broadcast %squeeze3A_170 : f32 to vector<16xf32>
      %swap3A_180 = arith.index_cast %add3A_174 : i32 to index
      %swap3A_181 = arith.constant 80 : index
      %swap3A_182 = tpu.vector_load %arg9[%swap3A_180, %swap3A_181] {strides = array<i32>} : memref<80x128xf32, #tpu.memory_space<vmem>>, vector<16xf32>,
      tpu.vector_store %arg9[%swap3A_180, %swap3A_181], %broadcast_in_dim3A_179 {strides = array<i32>} : memref<80x128xf32, #tpu.memory_space<vmem>>, vector<16xf32>,
      %slice3A_183 = vector.extract_strided_slice %get3A_31 {offsets = [11], sizes = [1], strides = [1]} : vector<16xf32> to vector<1xf32>
      %squeeze3A_184 = vector.extract %slice3A_183[0] : f32 from vector<1xf32>
      %mul3A_185 = arith.constant 4 : i32
      %mul3A_186 = arith.muli %scan3A_28, %mul3A_185 : i32
      %add3A_187 = arith.constant 2 : i32
      %add3A_188 = arith.addi %mul3A_186, %add3A_187 : i32
      %broadcast_in_dim3A_189 = vector.broadcast %squeeze3A_184 : f32 to vector<16xf32>
      %swap3A_190 = arith.index_cast %add3A_188 : i32 to index
      %swap3A_191 = arith.constant 96 : index
      %swap3A_192 = tpu.vector_load %arg9[%swap3A_190, %swap3A_191] {strides = array<i32>} : memref<80x128xf32, #tpu.memory_space<vmem>>, vector<16xf32>,
      tpu.vector_store %arg9[%swap3A_190, %swap3A_191], %broadcast_in_dim3A_189 {strides = array<i32>} : memref<80x128xf32, #tpu.memory_space<vmem>>, vector<16xf32>,
      %broadcast_in_dim3A_193 = vector.broadcast %squeeze3A_184 : f32 to vector<16xf32>
      %swap3A_194 = arith.index_cast %add3A_188 : i32 to index
      %swap3A_195 = arith.constant 112 : index
      %swap3A_196 = tpu.vector_load %arg9[%swap3A_194, %swap3A_195] {strides = array<i32>} : memref<80x128xf32, #tpu.memory_space<vmem>>, vector<16xf32>,
      tpu.vector_store %arg9[%swap3A_194, %swap3A_195], %broadcast_in_dim3A_193 {strides = array<i32>} : memref<80x128xf32, #tpu.memory_space<vmem>>, vector<16xf32>,
      %slice3A_197 = vector.extract_strided_slice %get3A_31 {offsets = [12], sizes = [1], strides = [1]} : vector<16xf32> to vector<1xf32>
      %squeeze3A_198 = vector.extract %slice3A_197[0] : f32 from vector<1xf32>
      %mul3A_199 = arith.constant 4 : i32
      %mul3A_200 = arith.muli %scan3A_28, %mul3A_199 : i32
      %add3A_201 = arith.constant 3 : i32
      %add3A_202 = arith.addi %mul3A_200, %add3A_201 : i32
      %broadcast_in_dim3A_203 = vector.broadcast %squeeze3A_198 : f32 to vector<16xf32>
      %swap3A_204 = arith.index_cast %add3A_202 : i32 to index
      %swap3A_205 = arith.constant 0 : index
      %swap3A_206 = tpu.vector_load %arg9[%swap3A_204, %swap3A_205] {strides = array<i32>} : memref<80x128xf32, #tpu.memory_space<vmem>>, vector<16xf32>,
      tpu.vector_store %arg9[%swap3A_204, %swap3A_205], %broadcast_in_dim3A_203 {strides = array<i32>} : memref<80x128xf32, #tpu.memory_space<vmem>>, vector<16xf32>,
      %broadcast_in_dim3A_207 = vector.broadcast %squeeze3A_198 : f32 to vector<16xf32>
      %swap3A_208 = arith.index_cast %add3A_202 : i32 to index
      %swap3A_209 = arith.constant 16 : index
      %swap3A_210 = tpu.vector_load %arg9[%swap3A_208, %swap3A_209] {strides = array<i32>} : memref<80x128xf32, #tpu.memory_space<vmem>>, vector<16xf32>,
      tpu.vector_store %arg9[%swap3A_208, %swap3A_209], %broadcast_in_dim3A_207 {strides = array<i32>} : memref<80x128xf32, #tpu.memory_space<vmem>>, vector<16xf32>,
      %slice3A_211 = vector.extract_strided_slice %get3A_31 {offsets = [13], sizes = [1], strides = [1]} : vector<16xf32> to vector<1xf32>
      %squeeze3A_212 = vector.extract %slice3A_211[0] : f32 from vector<1xf32>
      %mul3A_213 = arith.constant 4 : i32
      %mul3A_214 = arith.muli %scan3A_28, %mul3A_213 : i32
      %add3A_215 = arith.constant 3 : i32
      %add3A_216 = arith.addi %mul3A_214, %add3A_215 : i32
      %broadcast_in_dim3A_217 = vector.broadcast %squeeze3A_212 : f32 to vector<16xf32>
      %swap3A_218 = arith.index_cast %add3A_216 : i32 to index
      %swap3A_219 = arith.constant 32 : index
      %swap3A_220 = tpu.vector_load %arg9[%swap3A_218, %swap3A_219] {strides = array<i32>} : memref<80x128xf32, #tpu.memory_space<vmem>>, vector<16xf32>,
      tpu.vector_store %arg9[%swap3A_218, %swap3A_219], %broadcast_in_dim3A_217 {strides = array<i32>} : memref<80x128xf32, #tpu.memory_space<vmem>>, vector<16xf32>,
      %broadcast_in_dim3A_221 = vector.broadcast %squeeze3A_212 : f32 to vector<16xf32>
      %swap3A_222 = arith.index_cast %add3A_216 : i32 to index
      %swap3A_223 = arith.constant 48 : index
      %swap3A_224 = tpu.vector_load %arg9[%swap3A_222, %swap3A_223] {strides = array<i32>} : memref<80x128xf32, #tpu.memory_space<vmem>>, vector<16xf32>,
      tpu.vector_store %arg9[%swap3A_222, %swap3A_223], %broadcast_in_dim3A_221 {strides = array<i32>} : memref<80x128xf32, #tpu.memory_space<vmem>>, vector<16xf32>,
      %slice3A_225 = vector.extract_strided_slice %get3A_31 {offsets = [14], sizes = [1], strides = [1]} : vector<16xf32> to vector<1xf32>
      %squeeze3A_226 = vector.extract %slice3A_225[0] : f32 from vector<1xf32>
      %mul3A_227 = arith.constant 4 : i32
      %mul3A_228 = arith.muli %scan3A_28, %mul3A_227 : i32
      %add3A_229 = arith.constant 3 : i32
      %add3A_230 = arith.addi %mul3A_228, %add3A_229 : i32
      %broadcast_in_dim3A_231 = vector.broadcast %squeeze3A_226 : f32 to vector<16xf32>
      %swap3A_232 = arith.index_cast %add3A_230 : i32 to index
      %swap3A_233 = arith.constant 64 : index
      %swap3A_234 = tpu.vector_load %arg9[%swap3A_232, %swap3A_233] {strides = array<i32>} : memref<80x128xf32, #tpu.memory_space<vmem>>, vector<16xf32>,
      tpu.vector_store %arg9[%swap3A_232, %swap3A_233], %broadcast_in_dim3A_231 {strides = array<i32>} : memref<80x128xf32, #tpu.memory_space<vmem>>, vector<16xf32>,
      %broadcast_in_dim3A_235 = vector.broadcast %squeeze3A_226 : f32 to vector<16xf32>
      %swap3A_236 = arith.index_cast %add3A_230 : i32 to index
      %swap3A_237 = arith.constant 80 : index
      %swap3A_238 = tpu.vector_load %arg9[%swap3A_236, %swap3A_237] {strides = array<i32>} : memref<80x128xf32, #tpu.memory_space<vmem>>, vector<16xf32>,
      tpu.vector_store %arg9[%swap3A_236, %swap3A_237], %broadcast_in_dim3A_235 {strides = array<i32>} : memref<80x128xf32, #tpu.memory_space<vmem>>, vector<16xf32>,
      %slice3A_239 = vector.extract_strided_slice %get3A_31 {offsets = [15], sizes = [1], strides = [1]} : vector<16xf32> to vector<1xf32>
      %squeeze3A_240 = vector.extract %slice3A_239[0] : f32 from vector<1xf32>
      %mul3A_241 = arith.constant 4 : i32
      %mul3A_242 = arith.muli %scan3A_28, %mul3A_241 : i32
      %add3A_243 = arith.constant 3 : i32
      %add3A_244 = arith.addi %mul3A_242, %add3A_243 : i32
      %broadcast_in_dim3A_245 = vector.broadcast %squeeze3A_240 : f32 to vector<16xf32>
      %swap3A_246 = arith.index_cast %add3A_244 : i32 to index
      %swap3A_247 = arith.constant 96 : index
      %swap3A_248 = tpu.vector_load %arg9[%swap3A_246, %swap3A_247] {strides = array<i32>} : memref<80x128xf32, #tpu.memory_space<vmem>>, vector<16xf32>,
      tpu.vector_store %arg9[%swap3A_246, %swap3A_247], %broadcast_in_dim3A_245 {strides = array<i32>} : memref<80x128xf32, #tpu.memory_space<vmem>>, vector<16xf32>,
      %broadcast_in_dim3A_249 = vector.broadcast %squeeze3A_240 : f32 to vector<16xf32>
      %swap3A_250 = arith.index_cast %add3A_244 : i32 to index
      %swap3A_251 = arith.constant 112 : index
      %swap3A_252 = tpu.vector_load %arg9[%swap3A_250, %swap3A_251] {strides = array<i32>} : memref<80x128xf32, #tpu.memory_space<vmem>>, vector<16xf32>,
      tpu.vector_store %arg9[%swap3A_250, %swap3A_251], %broadcast_in_dim3A_249 {strides = array<i32>} : memref<80x128xf32, #tpu.memory_space<vmem>>, vector<16xf32>,
    }
    %scan3A_22 = arith.constant 20 : i32
    %mul3A_23 = arith.constant 1280 : i32
    %mul3A_24 = arith.muli %arg0, %mul3A_23 : i32
    %mul3A_25 = arith.constant 80 : i32
    %mul3A_26 = arith.muli %arg1, %mul3A_25 : i32
    %add3A_27 = arith.addi %mul3A_24, %mul3A_26 : i32
    "tpu.region"() ({
      %run_scoped3A_28 = tpu.sem_alloc : memref<!tpu.dma_semaphore, #tpu.memory_space<semaphore_mem>>
      %dma_start3A = arith.constant 0 : i32
      %dma_start3A_29 = tpu.memref_slice %arg4[%add3A_27, %dma_start3A] : memref<2560x128xf32, #tpu.memory_space<hbm>> -> memref<80x128xf32, #tpu.memory_space<hbm>>
      %dma_start3A_30 = arith.constant 0 : i32
      %dma_start3A_31 = tpu.memref_slice %arg4[%add3A_27, %dma_start3A_30] : memref<2560x128xf32, #tpu.memory_space<hbm>> -> memref<80x128xf32, #tpu.memory_space<hbm>>
      tpu.enqueue_dma source(%arg9 : memref<80x128xf32, #tpu.memory_space<vmem>>) target(%dma_start3A_31 : memref<80x128xf32, #tpu.memory_space<hbm>>) target_semaphore(%run_scoped3A_28 : memref<!tpu.dma_semaphore, #tpu.memory_space<semaphore_mem>>)
      %dma_wait3A = arith.constant 0 : i32
      %dma_wait3A_32 = tpu.memref_slice %arg4[%add3A_27, %dma_wait3A] : memref<2560x128xf32, #tpu.memory_space<hbm>> -> memref<80x128xf32, #tpu.memory_space<hbm>>
      %dma_wait3A_33 = arith.constant 0 : i32
      %dma_wait3A_34 = tpu.memref_slice %arg4[%add3A_27, %dma_wait3A_33] : memref<2560x128xf32, #tpu.memory_space<hbm>> -> memref<80x128xf32, #tpu.memory_space<hbm>>
      tpu.wait_dma2 semaphore(%run_scoped3A_28 : memref<!tpu.dma_semaphore, #tpu.memory_space<semaphore_mem>>) src(%arg9 : memref<80x128xf32, #tpu.memory_space<vmem>>) dst(%dma_wait3A_34 : memref<80x128xf32, #tpu.memory_space<hbm>>)
      tpu.yield
    }) : () -> ()
    return
  }
}

#map = affine_map<(d0, d1) -> (0, 0)>
#map1 = affine_map<(d0, d1) -> (0, 0, 0)>
module attributes {stable_mosaic.version = 14 : i64} {
  func.func @k(%arg0: i32, %arg1: i32, %arg2: memref<10240x32xf32, #tpu.memory_space<hbm>>, %arg3: memref<2x2560x128xi32, #tpu.memory_space<hbm>>, %arg4: memref<10240x32xf32, #tpu.memory_space<hbm>>, %arg5: memref<2x10240x32xf32, #tpu.memory_space<hbm>>, %arg6: memref<80x128xi32, #tpu.memory_space<vmem>>, %arg7: memref<80x128xi32, #tpu.memory_space<vmem>>, %arg8: memref<128x32xf32, #tpu.memory_space<vmem>>, %arg9: memref<128x32xf32, #tpu.memory_space<vmem>>, %arg10: memref<128x32xf32, #tpu.memory_space<vmem>>, %arg11: memref<128x32xf32, #tpu.memory_space<vmem>>, %arg12: memref<128x32xf32, #tpu.memory_space<vmem>>, %arg13: memref<128x32xf32, #tpu.memory_space<vmem>>, %arg14: memref<128x32xf32, #tpu.memory_space<vmem>>, %arg15: memref<128x32xf32, #tpu.memory_space<vmem>>, %arg16: memref<!tpu.dma_semaphore, #tpu.memory_space<semaphore_mem>>, %arg17: memref<!tpu.dma_semaphore, #tpu.memory_space<semaphore_mem>>, %arg18: memref<!tpu.dma_semaphore, #tpu.memory_space<semaphore_mem>>, %arg19: memref<!tpu.dma_semaphore, #tpu.memory_space<semaphore_mem>>, %arg20: memref<!tpu.dma_semaphore, #tpu.memory_space<semaphore_mem>>, %arg21: memref<!tpu.dma_semaphore, #tpu.memory_space<semaphore_mem>>, %arg22: memref<!tpu.dma_semaphore, #tpu.memory_space<semaphore_mem>>, %arg23: memref<!tpu.dma_semaphore, #tpu.memory_space<semaphore_mem>>, %arg24: memref<10240x32xf32, #tpu.memory_space<vmem_shared>>) attributes {dimension_semantics = [#tpu.dimension_semantics<core_parallel>, #tpu.dimension_semantics<subcore_parallel>], iteration_bounds = array<i64: 2, 16>, scalar_prefetch = 0 : i64, scratch_operands = 19 : i64, tpu.core_type = #tpu.core_type<sc_vector_subcore>, window_params = [{transform_indices = #map}, {transform_indices = #map1}, {transform_indices = #map}, {transform_indices = #map1}]} {
    %mul3A = arith.constant 1280 : i32
    %mul3A_0 = arith.muli %arg0, %mul3A : i32
    %mul3A_1 = arith.constant 80 : i32
    %mul3A_2 = arith.muli %arg1, %mul3A_1 : i32
    %add3A = arith.addi %mul3A_0, %mul3A_2 : i32
    %run_scoped3A = arith.constant 0 : i32
    "tpu.region"() ({
      %run_scoped3A_66 = tpu.sem_alloc : memref<!tpu.dma_semaphore, #tpu.memory_space<semaphore_mem>>
      %dma_start3A_67 = arith.constant 0 : i32
      %dma_start3A_68 = tpu.memref_slice %arg3[%run_scoped3A, %add3A, %dma_start3A_67] : memref<2x2560x128xi32, #tpu.memory_space<hbm>> -> memref<1x80x128xi32, #tpu.memory_space<hbm>>
      %dma_start3A_69 = tpu.memref_squeeze %dma_start3A_68 : memref<1x80x128xi32, #tpu.memory_space<hbm>> -> memref<80x128xi32, #tpu.memory_space<hbm>>
      %dma_start3A_70 = arith.constant 0 : i32
      %dma_start3A_71 = tpu.memref_slice %arg3[%run_scoped3A, %add3A, %dma_start3A_70] : memref<2x2560x128xi32, #tpu.memory_space<hbm>> -> memref<1x80x128xi32, #tpu.memory_space<hbm>>
      %dma_start3A_72 = tpu.memref_squeeze %dma_start3A_71 : memref<1x80x128xi32, #tpu.memory_space<hbm>> -> memref<80x128xi32, #tpu.memory_space<hbm>>
      tpu.enqueue_dma source(%dma_start3A_72 : memref<80x128xi32, #tpu.memory_space<hbm>>) target(%arg6 : memref<80x128xi32, #tpu.memory_space<vmem>>) target_semaphore(%run_scoped3A_66 : memref<!tpu.dma_semaphore, #tpu.memory_space<semaphore_mem>>)
      %dma_wait3A = arith.constant 0 : i32
      %dma_wait3A_73 = tpu.memref_slice %arg3[%run_scoped3A, %add3A, %dma_wait3A] : memref<2x2560x128xi32, #tpu.memory_space<hbm>> -> memref<1x80x128xi32, #tpu.memory_space<hbm>>
      %dma_wait3A_74 = tpu.memref_squeeze %dma_wait3A_73 : memref<1x80x128xi32, #tpu.memory_space<hbm>> -> memref<80x128xi32, #tpu.memory_space<hbm>>
      %dma_wait3A_75 = arith.constant 0 : i32
      %dma_wait3A_76 = tpu.memref_slice %arg3[%run_scoped3A, %add3A, %dma_wait3A_75] : memref<2x2560x128xi32, #tpu.memory_space<hbm>> -> memref<1x80x128xi32, #tpu.memory_space<hbm>>
      %dma_wait3A_77 = tpu.memref_squeeze %dma_wait3A_76 : memref<1x80x128xi32, #tpu.memory_space<hbm>> -> memref<80x128xi32, #tpu.memory_space<hbm>>
      tpu.wait_dma2 semaphore(%run_scoped3A_66 : memref<!tpu.dma_semaphore, #tpu.memory_space<semaphore_mem>>) src(%dma_wait3A_77 : memref<80x128xi32, #tpu.memory_space<hbm>>) dst(%arg6 : memref<80x128xi32, #tpu.memory_space<vmem>>)
      tpu.yield
    }) : () -> ()
    %run_scoped3A_3 = arith.constant 1 : i32
    "tpu.region"() ({
      %run_scoped3A_66 = tpu.sem_alloc : memref<!tpu.dma_semaphore, #tpu.memory_space<semaphore_mem>>
      %dma_start3A_67 = arith.constant 0 : i32
      %dma_start3A_68 = tpu.memref_slice %arg3[%run_scoped3A_3, %add3A, %dma_start3A_67] : memref<2x2560x128xi32, #tpu.memory_space<hbm>> -> memref<1x80x128xi32, #tpu.memory_space<hbm>>
      %dma_start3A_69 = tpu.memref_squeeze %dma_start3A_68 : memref<1x80x128xi32, #tpu.memory_space<hbm>> -> memref<80x128xi32, #tpu.memory_space<hbm>>
      %dma_start3A_70 = arith.constant 0 : i32
      %dma_start3A_71 = tpu.memref_slice %arg3[%run_scoped3A_3, %add3A, %dma_start3A_70] : memref<2x2560x128xi32, #tpu.memory_space<hbm>> -> memref<1x80x128xi32, #tpu.memory_space<hbm>>
      %dma_start3A_72 = tpu.memref_squeeze %dma_start3A_71 : memref<1x80x128xi32, #tpu.memory_space<hbm>> -> memref<80x128xi32, #tpu.memory_space<hbm>>
      tpu.enqueue_dma source(%dma_start3A_72 : memref<80x128xi32, #tpu.memory_space<hbm>>) target(%arg7 : memref<80x128xi32, #tpu.memory_space<vmem>>) target_semaphore(%run_scoped3A_66 : memref<!tpu.dma_semaphore, #tpu.memory_space<semaphore_mem>>)
      %dma_wait3A = arith.constant 0 : i32
      %dma_wait3A_73 = tpu.memref_slice %arg3[%run_scoped3A_3, %add3A, %dma_wait3A] : memref<2x2560x128xi32, #tpu.memory_space<hbm>> -> memref<1x80x128xi32, #tpu.memory_space<hbm>>
      %dma_wait3A_74 = tpu.memref_squeeze %dma_wait3A_73 : memref<1x80x128xi32, #tpu.memory_space<hbm>> -> memref<80x128xi32, #tpu.memory_space<hbm>>
      %dma_wait3A_75 = arith.constant 0 : i32
      %dma_wait3A_76 = tpu.memref_slice %arg3[%run_scoped3A_3, %add3A, %dma_wait3A_75] : memref<2x2560x128xi32, #tpu.memory_space<hbm>> -> memref<1x80x128xi32, #tpu.memory_space<hbm>>
      %dma_wait3A_77 = tpu.memref_squeeze %dma_wait3A_76 : memref<1x80x128xi32, #tpu.memory_space<hbm>> -> memref<80x128xi32, #tpu.memory_space<hbm>>
      tpu.wait_dma2 semaphore(%run_scoped3A_66 : memref<!tpu.dma_semaphore, #tpu.memory_space<semaphore_mem>>) src(%dma_wait3A_77 : memref<80x128xi32, #tpu.memory_space<hbm>>) dst(%arg7 : memref<80x128xi32, #tpu.memory_space<vmem>>)
      tpu.yield
    }) : () -> ()
    %mul3A_4 = arith.constant 640 : i32
    %mul3A_5 = arith.muli %arg1, %mul3A_4 : i32
    %mul3A_6 = arith.constant 640 : i32
    %mul3A_7 = arith.muli %arg1, %mul3A_6 : i32
    "tpu.region"() ({
      %run_scoped3A_66 = tpu.sem_alloc : memref<!tpu.dma_semaphore, #tpu.memory_space<semaphore_mem>>
      %dma_start3A_67 = arith.constant 0 : i32
      %dma_start3A_68 = tpu.memref_slice %arg24[%mul3A_7, %dma_start3A_67] : memref<10240x32xf32, #tpu.memory_space<vmem_shared>> -> memref<640x32xf32, #tpu.memory_space<vmem_shared>>
      %dma_start3A_69 = arith.constant 0 : i32
      %dma_start3A_70 = tpu.memref_slice %arg4[%mul3A_5, %dma_start3A_69] : memref<10240x32xf32, #tpu.memory_space<hbm>> -> memref<640x32xf32, #tpu.memory_space<hbm>>
      tpu.enqueue_dma source(%dma_start3A_70 : memref<640x32xf32, #tpu.memory_space<hbm>>) target(%dma_start3A_68 : memref<640x32xf32, #tpu.memory_space<vmem_shared>>) target_semaphore(%run_scoped3A_66 : memref<!tpu.dma_semaphore, #tpu.memory_space<semaphore_mem>>)
      %dma_wait3A = arith.constant 0 : i32
      %dma_wait3A_71 = tpu.memref_slice %arg24[%mul3A_7, %dma_wait3A] : memref<10240x32xf32, #tpu.memory_space<vmem_shared>> -> memref<640x32xf32, #tpu.memory_space<vmem_shared>>
      %dma_wait3A_72 = arith.constant 0 : i32
      %dma_wait3A_73 = tpu.memref_slice %arg4[%mul3A_5, %dma_wait3A_72] : memref<10240x32xf32, #tpu.memory_space<hbm>> -> memref<640x32xf32, #tpu.memory_space<hbm>>
      tpu.wait_dma2 semaphore(%run_scoped3A_66 : memref<!tpu.dma_semaphore, #tpu.memory_space<semaphore_mem>>) src(%dma_wait3A_73 : memref<640x32xf32, #tpu.memory_space<hbm>>) dst(%dma_wait3A_71 : memref<640x32xf32, #tpu.memory_space<vmem_shared>>)
      tpu.yield
    }) : () -> ()
    %barrier3A = arith.constant 0 : index
    tpu.barrier barrier_id(%barrier3A)
    %dma_start3A = arith.constant 0 : i32
    %dma_start3A_8 = arith.constant 0 : i32
    %dma_start3A_9 = tpu.memref_slice %arg6[%dma_start3A, %dma_start3A_8] : memref<80x128xi32, #tpu.memory_space<vmem>> -> memref<1x128xi32, #tpu.memory_space<vmem>>
    %dma_start3A_10 = tpu.memref_squeeze %dma_start3A_9 : memref<1x128xi32, #tpu.memory_space<vmem>> -> memref<128xi32, #tpu.memory_space<vmem>>
    %dma_start3A_11 = arith.constant 0 : i32
    %dma_start3A_12 = arith.constant 0 : i32
    %dma_start3A_13 = tpu.memref_slice %arg2[%dma_start3A_11, %dma_start3A_12] : memref<10240x32xf32, #tpu.memory_space<hbm>> -> memref<10240x32xf32, #tpu.memory_space<hbm>>
    tpu.enqueue_indirect_dma source(%dma_start3A_13 : memref<10240x32xf32, #tpu.memory_space<hbm>>) target(%arg8 : memref<128x32xf32, #tpu.memory_space<vmem>>) offsets(%dma_start3A_10 : memref<128xi32, #tpu.memory_space<vmem>>) semaphore(%arg16 : memref<!tpu.dma_semaphore, #tpu.memory_space<semaphore_mem>>)
    %dma_start3A_14 = arith.constant 1 : i32
    %dma_start3A_15 = arith.constant 0 : i32
    %dma_start3A_16 = tpu.memref_slice %arg6[%dma_start3A_14, %dma_start3A_15] : memref<80x128xi32, #tpu.memory_space<vmem>> -> memref<1x128xi32, #tpu.memory_space<vmem>>
    %dma_start3A_17 = tpu.memref_squeeze %dma_start3A_16 : memref<1x128xi32, #tpu.memory_space<vmem>> -> memref<128xi32, #tpu.memory_space<vmem>>
    %dma_start3A_18 = arith.constant 0 : i32
    %dma_start3A_19 = arith.constant 0 : i32
    %dma_start3A_20 = tpu.memref_slice %arg2[%dma_start3A_18, %dma_start3A_19] : memref<10240x32xf32, #tpu.memory_space<hbm>> -> memref<10240x32xf32, #tpu.memory_space<hbm>>
    tpu.enqueue_indirect_dma source(%dma_start3A_20 : memref<10240x32xf32, #tpu.memory_space<hbm>>) target(%arg9 : memref<128x32xf32, #tpu.memory_space<vmem>>) offsets(%dma_start3A_17 : memref<128xi32, #tpu.memory_space<vmem>>) semaphore(%arg17 : memref<!tpu.dma_semaphore, #tpu.memory_space<semaphore_mem>>)
    %dma_start3A_21 = arith.constant 2 : i32
    %dma_start3A_22 = arith.constant 0 : i32
    %dma_start3A_23 = tpu.memref_slice %arg6[%dma_start3A_21, %dma_start3A_22] : memref<80x128xi32, #tpu.memory_space<vmem>> -> memref<1x128xi32, #tpu.memory_space<vmem>>
    %dma_start3A_24 = tpu.memref_squeeze %dma_start3A_23 : memref<1x128xi32, #tpu.memory_space<vmem>> -> memref<128xi32, #tpu.memory_space<vmem>>
    %dma_start3A_25 = arith.constant 0 : i32
    %dma_start3A_26 = arith.constant 0 : i32
    %dma_start3A_27 = tpu.memref_slice %arg2[%dma_start3A_25, %dma_start3A_26] : memref<10240x32xf32, #tpu.memory_space<hbm>> -> memref<10240x32xf32, #tpu.memory_space<hbm>>
    tpu.enqueue_indirect_dma source(%dma_start3A_27 : memref<10240x32xf32, #tpu.memory_space<hbm>>) target(%arg10 : memref<128x32xf32, #tpu.memory_space<vmem>>) offsets(%dma_start3A_24 : memref<128xi32, #tpu.memory_space<vmem>>) semaphore(%arg18 : memref<!tpu.dma_semaphore, #tpu.memory_space<semaphore_mem>>)
    %dma_start3A_28 = arith.constant 3 : i32
    %dma_start3A_29 = arith.constant 0 : i32
    %dma_start3A_30 = tpu.memref_slice %arg6[%dma_start3A_28, %dma_start3A_29] : memref<80x128xi32, #tpu.memory_space<vmem>> -> memref<1x128xi32, #tpu.memory_space<vmem>>
    %dma_start3A_31 = tpu.memref_squeeze %dma_start3A_30 : memref<1x128xi32, #tpu.memory_space<vmem>> -> memref<128xi32, #tpu.memory_space<vmem>>
    %dma_start3A_32 = arith.constant 0 : i32
    %dma_start3A_33 = arith.constant 0 : i32
    %dma_start3A_34 = tpu.memref_slice %arg2[%dma_start3A_32, %dma_start3A_33] : memref<10240x32xf32, #tpu.memory_space<hbm>> -> memref<10240x32xf32, #tpu.memory_space<hbm>>
    tpu.enqueue_indirect_dma source(%dma_start3A_34 : memref<10240x32xf32, #tpu.memory_space<hbm>>) target(%arg11 : memref<128x32xf32, #tpu.memory_space<vmem>>) offsets(%dma_start3A_31 : memref<128xi32, #tpu.memory_space<vmem>>) semaphore(%arg19 : memref<!tpu.dma_semaphore, #tpu.memory_space<semaphore_mem>>)
    %dma_start3A_35 = arith.constant 4 : i32
    %dma_start3A_36 = arith.constant 0 : i32
    %dma_start3A_37 = tpu.memref_slice %arg6[%dma_start3A_35, %dma_start3A_36] : memref<80x128xi32, #tpu.memory_space<vmem>> -> memref<1x128xi32, #tpu.memory_space<vmem>>
    %dma_start3A_38 = tpu.memref_squeeze %dma_start3A_37 : memref<1x128xi32, #tpu.memory_space<vmem>> -> memref<128xi32, #tpu.memory_space<vmem>>
    %dma_start3A_39 = arith.constant 0 : i32
    %dma_start3A_40 = arith.constant 0 : i32
    %dma_start3A_41 = tpu.memref_slice %arg2[%dma_start3A_39, %dma_start3A_40] : memref<10240x32xf32, #tpu.memory_space<hbm>> -> memref<10240x32xf32, #tpu.memory_space<hbm>>
    tpu.enqueue_indirect_dma source(%dma_start3A_41 : memref<10240x32xf32, #tpu.memory_space<hbm>>) target(%arg12 : memref<128x32xf32, #tpu.memory_space<vmem>>) offsets(%dma_start3A_38 : memref<128xi32, #tpu.memory_space<vmem>>) semaphore(%arg20 : memref<!tpu.dma_semaphore, #tpu.memory_space<semaphore_mem>>)
    %dma_start3A_42 = arith.constant 5 : i32
    %dma_start3A_43 = arith.constant 0 : i32
    %dma_start3A_44 = tpu.memref_slice %arg6[%dma_start3A_42, %dma_start3A_43] : memref<80x128xi32, #tpu.memory_space<vmem>> -> memref<1x128xi32, #tpu.memory_space<vmem>>
    %dma_start3A_45 = tpu.memref_squeeze %dma_start3A_44 : memref<1x128xi32, #tpu.memory_space<vmem>> -> memref<128xi32, #tpu.memory_space<vmem>>
    %dma_start3A_46 = arith.constant 0 : i32
    %dma_start3A_47 = arith.constant 0 : i32
    %dma_start3A_48 = tpu.memref_slice %arg2[%dma_start3A_46, %dma_start3A_47] : memref<10240x32xf32, #tpu.memory_space<hbm>> -> memref<10240x32xf32, #tpu.memory_space<hbm>>
    tpu.enqueue_indirect_dma source(%dma_start3A_48 : memref<10240x32xf32, #tpu.memory_space<hbm>>) target(%arg13 : memref<128x32xf32, #tpu.memory_space<vmem>>) offsets(%dma_start3A_45 : memref<128xi32, #tpu.memory_space<vmem>>) semaphore(%arg21 : memref<!tpu.dma_semaphore, #tpu.memory_space<semaphore_mem>>)
    %dma_start3A_49 = arith.constant 6 : i32
    %dma_start3A_50 = arith.constant 0 : i32
    %dma_start3A_51 = tpu.memref_slice %arg6[%dma_start3A_49, %dma_start3A_50] : memref<80x128xi32, #tpu.memory_space<vmem>> -> memref<1x128xi32, #tpu.memory_space<vmem>>
    %dma_start3A_52 = tpu.memref_squeeze %dma_start3A_51 : memref<1x128xi32, #tpu.memory_space<vmem>> -> memref<128xi32, #tpu.memory_space<vmem>>
    %dma_start3A_53 = arith.constant 0 : i32
    %dma_start3A_54 = arith.constant 0 : i32
    %dma_start3A_55 = tpu.memref_slice %arg2[%dma_start3A_53, %dma_start3A_54] : memref<10240x32xf32, #tpu.memory_space<hbm>> -> memref<10240x32xf32, #tpu.memory_space<hbm>>
    tpu.enqueue_indirect_dma source(%dma_start3A_55 : memref<10240x32xf32, #tpu.memory_space<hbm>>) target(%arg14 : memref<128x32xf32, #tpu.memory_space<vmem>>) offsets(%dma_start3A_52 : memref<128xi32, #tpu.memory_space<vmem>>) semaphore(%arg22 : memref<!tpu.dma_semaphore, #tpu.memory_space<semaphore_mem>>)
    %scan3A = arith.constant 0 : i32
    %scan3A_56 = arith.constant 0 : i32
    %scan3A_57 = arith.constant 10 : i32
    %scan3A_58 = arith.addi %scan3A_56, %scan3A_57 : i32
    %scan3A_59 = arith.constant 1 : i32
    scf.for %scan3A_66 = %scan3A_56 to %scan3A_58 step %scan3A_59  : i32 {
      %mul3A_67 = arith.constant 8 : i32
      %mul3A_68 = arith.muli %mul3A_67, %scan3A_66 : i32
      %add3A_69 = arith.constant 0 : i32
      %add3A_70 = arith.addi %mul3A_68, %add3A_69 : i32
      %add3A_71 = arith.constant 8 : i32
      %add3A_72 = arith.addi %add3A_70, %add3A_71 : i32
      %sub3A = arith.constant 1 : i32
      %sub3A_73 = arith.subi %add3A_72, %sub3A : i32
      %lt3A = arith.constant 80 : i32
      %lt3A_74 = arith.cmpi slt, %sub3A_73, %lt3A : i32
      %convert_element_type3A = arith.extui %lt3A_74 : i1 to i32
      %cond3A = arith.constant 0 : i32
      %cond3A_75 = arith.cmpi ne, %convert_element_type3A, %cond3A : i32
      scf.if %cond3A_75 {
        %dma_start3A_214 = arith.constant 0 : i32
        %dma_start3A_215 = tpu.memref_slice %arg6[%sub3A_73, %dma_start3A_214] : memref<80x128xi32, #tpu.memory_space<vmem>> -> memref<1x128xi32, #tpu.memory_space<vmem>>
        %dma_start3A_216 = tpu.memref_squeeze %dma_start3A_215 : memref<1x128xi32, #tpu.memory_space<vmem>> -> memref<128xi32, #tpu.memory_space<vmem>>
        %dma_start3A_217 = arith.constant 0 : i32
        %dma_start3A_218 = arith.constant 0 : i32
        %dma_start3A_219 = tpu.memref_slice %arg2[%dma_start3A_217, %dma_start3A_218] : memref<10240x32xf32, #tpu.memory_space<hbm>> -> memref<10240x32xf32, #tpu.memory_space<hbm>>
        tpu.enqueue_indirect_dma source(%dma_start3A_219 : memref<10240x32xf32, #tpu.memory_space<hbm>>) target(%arg15 : memref<128x32xf32, #tpu.memory_space<vmem>>) offsets(%dma_start3A_216 : memref<128xi32, #tpu.memory_space<vmem>>) semaphore(%arg23 : memref<!tpu.dma_semaphore, #tpu.memory_space<semaphore_mem>>)
      } else {
      }
      %dma_wait3A = arith.constant 0 : i32
      %dma_wait3A_76 = tpu.memref_slice %arg6[%add3A_70, %dma_wait3A] : memref<80x128xi32, #tpu.memory_space<vmem>> -> memref<1x128xi32, #tpu.memory_space<vmem>>
      %dma_wait3A_77 = tpu.memref_squeeze %dma_wait3A_76 : memref<1x128xi32, #tpu.memory_space<vmem>> -> memref<128xi32, #tpu.memory_space<vmem>>
      %dma_wait3A_78 = arith.constant 0 : i32
      %dma_wait3A_79 = arith.constant 0 : i32
      %dma_wait3A_80 = tpu.memref_slice %arg2[%dma_wait3A_78, %dma_wait3A_79] : memref<10240x32xf32, #tpu.memory_space<hbm>> -> memref<10240x32xf32, #tpu.memory_space<hbm>>
      tpu.wait_indirect_dma semaphore(%arg16 : memref<!tpu.dma_semaphore, #tpu.memory_space<semaphore_mem>>) src(%dma_wait3A_80 : memref<10240x32xf32, #tpu.memory_space<hbm>>) dst(%arg8 : memref<128x32xf32, #tpu.memory_space<vmem>>)
      "tpu.region"() ({
        %run_scoped3A_214 = tpu.sem_alloc : memref<!tpu.dma_semaphore, #tpu.memory_space<semaphore_mem>>
        %dma_start3A_215 = arith.constant 0 : i32
        %dma_start3A_216 = tpu.memref_slice %arg7[%add3A_70, %dma_start3A_215] : memref<80x128xi32, #tpu.memory_space<vmem>> -> memref<1x128xi32, #tpu.memory_space<vmem>>
        %dma_start3A_217 = tpu.memref_squeeze %dma_start3A_216 : memref<1x128xi32, #tpu.memory_space<vmem>> -> memref<128xi32, #tpu.memory_space<vmem>>
        %dma_start3A_218 = arith.constant 0 : i32
        %dma_start3A_219 = arith.constant 0 : i32
        %dma_start3A_220 = tpu.memref_slice %arg24[%dma_start3A_218, %dma_start3A_219] : memref<10240x32xf32, #tpu.memory_space<vmem_shared>> -> memref<10240x32xf32, #tpu.memory_space<vmem_shared>>
        tpu.enqueue_indirect_dma source(%arg8 : memref<128x32xf32, #tpu.memory_space<vmem>>) target(%dma_start3A_220 : memref<10240x32xf32, #tpu.memory_space<vmem_shared>>) offsets(%dma_start3A_217 : memref<128xi32, #tpu.memory_space<vmem>>) semaphore(%run_scoped3A_214 : memref<!tpu.dma_semaphore, #tpu.memory_space<semaphore_mem>>) {add = true}
        %dma_wait3A_221 = arith.constant 0 : i32
        %dma_wait3A_222 = tpu.memref_slice %arg7[%add3A_70, %dma_wait3A_221] : memref<80x128xi32, #tpu.memory_space<vmem>> -> memref<1x128xi32, #tpu.memory_space<vmem>>
        %dma_wait3A_223 = tpu.memref_squeeze %dma_wait3A_222 : memref<1x128xi32, #tpu.memory_space<vmem>> -> memref<128xi32, #tpu.memory_space<vmem>>
        %dma_wait3A_224 = arith.constant 0 : i32
        %dma_wait3A_225 = arith.constant 0 : i32
        %dma_wait3A_226 = tpu.memref_slice %arg24[%dma_wait3A_224, %dma_wait3A_225] : memref<10240x32xf32, #tpu.memory_space<vmem_shared>> -> memref<10240x32xf32, #tpu.memory_space<vmem_shared>>
        tpu.wait_indirect_dma semaphore(%run_scoped3A_214 : memref<!tpu.dma_semaphore, #tpu.memory_space<semaphore_mem>>) src(%arg8 : memref<128x32xf32, #tpu.memory_space<vmem>>) dst(%dma_wait3A_226 : memref<10240x32xf32, #tpu.memory_space<vmem_shared>>)
        tpu.yield
      }) : () -> ()
      %mul3A_81 = arith.constant 8 : i32
      %mul3A_82 = arith.muli %mul3A_81, %scan3A_66 : i32
      %add3A_83 = arith.constant 1 : i32
      %add3A_84 = arith.addi %mul3A_82, %add3A_83 : i32
      %add3A_85 = arith.constant 8 : i32
      %add3A_86 = arith.addi %add3A_84, %add3A_85 : i32
      %sub3A_87 = arith.constant 1 : i32
      %sub3A_88 = arith.subi %add3A_86, %sub3A_87 : i32
      %lt3A_89 = arith.constant 80 : i32
      %lt3A_90 = arith.cmpi slt, %sub3A_88, %lt3A_89 : i32
      %convert_element_type3A_91 = arith.extui %lt3A_90 : i1 to i32
      %cond3A_92 = arith.constant 0 : i32
      %cond3A_93 = arith.cmpi ne, %convert_element_type3A_91, %cond3A_92 : i32
      scf.if %cond3A_93 {
        %dma_start3A_214 = arith.constant 0 : i32
        %dma_start3A_215 = tpu.memref_slice %arg6[%sub3A_88, %dma_start3A_214] : memref<80x128xi32, #tpu.memory_space<vmem>> -> memref<1x128xi32, #tpu.memory_space<vmem>>
        %dma_start3A_216 = tpu.memref_squeeze %dma_start3A_215 : memref<1x128xi32, #tpu.memory_space<vmem>> -> memref<128xi32, #tpu.memory_space<vmem>>
        %dma_start3A_217 = arith.constant 0 : i32
        %dma_start3A_218 = arith.constant 0 : i32
        %dma_start3A_219 = tpu.memref_slice %arg2[%dma_start3A_217, %dma_start3A_218] : memref<10240x32xf32, #tpu.memory_space<hbm>> -> memref<10240x32xf32, #tpu.memory_space<hbm>>
        tpu.enqueue_indirect_dma source(%dma_start3A_219 : memref<10240x32xf32, #tpu.memory_space<hbm>>) target(%arg8 : memref<128x32xf32, #tpu.memory_space<vmem>>) offsets(%dma_start3A_216 : memref<128xi32, #tpu.memory_space<vmem>>) semaphore(%arg16 : memref<!tpu.dma_semaphore, #tpu.memory_space<semaphore_mem>>)
      } else {
      }
      %dma_wait3A_94 = arith.constant 0 : i32
      %dma_wait3A_95 = tpu.memref_slice %arg6[%add3A_84, %dma_wait3A_94] : memref<80x128xi32, #tpu.memory_space<vmem>> -> memref<1x128xi32, #tpu.memory_space<vmem>>
      %dma_wait3A_96 = tpu.memref_squeeze %dma_wait3A_95 : memref<1x128xi32, #tpu.memory_space<vmem>> -> memref<128xi32, #tpu.memory_space<vmem>>
      %dma_wait3A_97 = arith.constant 0 : i32
      %dma_wait3A_98 = arith.constant 0 : i32
      %dma_wait3A_99 = tpu.memref_slice %arg2[%dma_wait3A_97, %dma_wait3A_98] : memref<10240x32xf32, #tpu.memory_space<hbm>> -> memref<10240x32xf32, #tpu.memory_space<hbm>>
      tpu.wait_indirect_dma semaphore(%arg17 : memref<!tpu.dma_semaphore, #tpu.memory_space<semaphore_mem>>) src(%dma_wait3A_99 : memref<10240x32xf32, #tpu.memory_space<hbm>>) dst(%arg9 : memref<128x32xf32, #tpu.memory_space<vmem>>)
      "tpu.region"() ({
        %run_scoped3A_214 = tpu.sem_alloc : memref<!tpu.dma_semaphore, #tpu.memory_space<semaphore_mem>>
        %dma_start3A_215 = arith.constant 0 : i32
        %dma_start3A_216 = tpu.memref_slice %arg7[%add3A_84, %dma_start3A_215] : memref<80x128xi32, #tpu.memory_space<vmem>> -> memref<1x128xi32, #tpu.memory_space<vmem>>
        %dma_start3A_217 = tpu.memref_squeeze %dma_start3A_216 : memref<1x128xi32, #tpu.memory_space<vmem>> -> memref<128xi32, #tpu.memory_space<vmem>>
        %dma_start3A_218 = arith.constant 0 : i32
        %dma_start3A_219 = arith.constant 0 : i32
        %dma_start3A_220 = tpu.memref_slice %arg24[%dma_start3A_218, %dma_start3A_219] : memref<10240x32xf32, #tpu.memory_space<vmem_shared>> -> memref<10240x32xf32, #tpu.memory_space<vmem_shared>>
        tpu.enqueue_indirect_dma source(%arg9 : memref<128x32xf32, #tpu.memory_space<vmem>>) target(%dma_start3A_220 : memref<10240x32xf32, #tpu.memory_space<vmem_shared>>) offsets(%dma_start3A_217 : memref<128xi32, #tpu.memory_space<vmem>>) semaphore(%run_scoped3A_214 : memref<!tpu.dma_semaphore, #tpu.memory_space<semaphore_mem>>) {add = true}
        %dma_wait3A_221 = arith.constant 0 : i32
        %dma_wait3A_222 = tpu.memref_slice %arg7[%add3A_84, %dma_wait3A_221] : memref<80x128xi32, #tpu.memory_space<vmem>> -> memref<1x128xi32, #tpu.memory_space<vmem>>
        %dma_wait3A_223 = tpu.memref_squeeze %dma_wait3A_222 : memref<1x128xi32, #tpu.memory_space<vmem>> -> memref<128xi32, #tpu.memory_space<vmem>>
        %dma_wait3A_224 = arith.constant 0 : i32
        %dma_wait3A_225 = arith.constant 0 : i32
        %dma_wait3A_226 = tpu.memref_slice %arg24[%dma_wait3A_224, %dma_wait3A_225] : memref<10240x32xf32, #tpu.memory_space<vmem_shared>> -> memref<10240x32xf32, #tpu.memory_space<vmem_shared>>
        tpu.wait_indirect_dma semaphore(%run_scoped3A_214 : memref<!tpu.dma_semaphore, #tpu.memory_space<semaphore_mem>>) src(%arg9 : memref<128x32xf32, #tpu.memory_space<vmem>>) dst(%dma_wait3A_226 : memref<10240x32xf32, #tpu.memory_space<vmem_shared>>)
        tpu.yield
      }) : () -> ()
      %mul3A_100 = arith.constant 8 : i32
      %mul3A_101 = arith.muli %mul3A_100, %scan3A_66 : i32
      %add3A_102 = arith.constant 2 : i32
      %add3A_103 = arith.addi %mul3A_101, %add3A_102 : i32
      %add3A_104 = arith.constant 8 : i32
      %add3A_105 = arith.addi %add3A_103, %add3A_104 : i32
      %sub3A_106 = arith.constant 1 : i32
      %sub3A_107 = arith.subi %add3A_105, %sub3A_106 : i32
      %lt3A_108 = arith.constant 80 : i32
      %lt3A_109 = arith.cmpi slt, %sub3A_107, %lt3A_108 : i32
      %convert_element_type3A_110 = arith.extui %lt3A_109 : i1 to i32
      %cond3A_111 = arith.constant 0 : i32
      %cond3A_112 = arith.cmpi ne, %convert_element_type3A_110, %cond3A_111 : i32
      scf.if %cond3A_112 {
        %dma_start3A_214 = arith.constant 0 : i32
        %dma_start3A_215 = tpu.memref_slice %arg6[%sub3A_107, %dma_start3A_214] : memref<80x128xi32, #tpu.memory_space<vmem>> -> memref<1x128xi32, #tpu.memory_space<vmem>>
        %dma_start3A_216 = tpu.memref_squeeze %dma_start3A_215 : memref<1x128xi32, #tpu.memory_space<vmem>> -> memref<128xi32, #tpu.memory_space<vmem>>
        %dma_start3A_217 = arith.constant 0 : i32
        %dma_start3A_218 = arith.constant 0 : i32
        %dma_start3A_219 = tpu.memref_slice %arg2[%dma_start3A_217, %dma_start3A_218] : memref<10240x32xf32, #tpu.memory_space<hbm>> -> memref<10240x32xf32, #tpu.memory_space<hbm>>
        tpu.enqueue_indirect_dma source(%dma_start3A_219 : memref<10240x32xf32, #tpu.memory_space<hbm>>) target(%arg9 : memref<128x32xf32, #tpu.memory_space<vmem>>) offsets(%dma_start3A_216 : memref<128xi32, #tpu.memory_space<vmem>>) semaphore(%arg17 : memref<!tpu.dma_semaphore, #tpu.memory_space<semaphore_mem>>)
      } else {
      }
      %dma_wait3A_113 = arith.constant 0 : i32
      %dma_wait3A_114 = tpu.memref_slice %arg6[%add3A_103, %dma_wait3A_113] : memref<80x128xi32, #tpu.memory_space<vmem>> -> memref<1x128xi32, #tpu.memory_space<vmem>>
      %dma_wait3A_115 = tpu.memref_squeeze %dma_wait3A_114 : memref<1x128xi32, #tpu.memory_space<vmem>> -> memref<128xi32, #tpu.memory_space<vmem>>
      %dma_wait3A_116 = arith.constant 0 : i32
      %dma_wait3A_117 = arith.constant 0 : i32
      %dma_wait3A_118 = tpu.memref_slice %arg2[%dma_wait3A_116, %dma_wait3A_117] : memref<10240x32xf32, #tpu.memory_space<hbm>> -> memref<10240x32xf32, #tpu.memory_space<hbm>>
      tpu.wait_indirect_dma semaphore(%arg18 : memref<!tpu.dma_semaphore, #tpu.memory_space<semaphore_mem>>) src(%dma_wait3A_118 : memref<10240x32xf32, #tpu.memory_space<hbm>>) dst(%arg10 : memref<128x32xf32, #tpu.memory_space<vmem>>)
      "tpu.region"() ({
        %run_scoped3A_214 = tpu.sem_alloc : memref<!tpu.dma_semaphore, #tpu.memory_space<semaphore_mem>>
        %dma_start3A_215 = arith.constant 0 : i32
        %dma_start3A_216 = tpu.memref_slice %arg7[%add3A_103, %dma_start3A_215] : memref<80x128xi32, #tpu.memory_space<vmem>> -> memref<1x128xi32, #tpu.memory_space<vmem>>
        %dma_start3A_217 = tpu.memref_squeeze %dma_start3A_216 : memref<1x128xi32, #tpu.memory_space<vmem>> -> memref<128xi32, #tpu.memory_space<vmem>>
        %dma_start3A_218 = arith.constant 0 : i32
        %dma_start3A_219 = arith.constant 0 : i32
        %dma_start3A_220 = tpu.memref_slice %arg24[%dma_start3A_218, %dma_start3A_219] : memref<10240x32xf32, #tpu.memory_space<vmem_shared>> -> memref<10240x32xf32, #tpu.memory_space<vmem_shared>>
        tpu.enqueue_indirect_dma source(%arg10 : memref<128x32xf32, #tpu.memory_space<vmem>>) target(%dma_start3A_220 : memref<10240x32xf32, #tpu.memory_space<vmem_shared>>) offsets(%dma_start3A_217 : memref<128xi32, #tpu.memory_space<vmem>>) semaphore(%run_scoped3A_214 : memref<!tpu.dma_semaphore, #tpu.memory_space<semaphore_mem>>) {add = true}
        %dma_wait3A_221 = arith.constant 0 : i32
        %dma_wait3A_222 = tpu.memref_slice %arg7[%add3A_103, %dma_wait3A_221] : memref<80x128xi32, #tpu.memory_space<vmem>> -> memref<1x128xi32, #tpu.memory_space<vmem>>
        %dma_wait3A_223 = tpu.memref_squeeze %dma_wait3A_222 : memref<1x128xi32, #tpu.memory_space<vmem>> -> memref<128xi32, #tpu.memory_space<vmem>>
        %dma_wait3A_224 = arith.constant 0 : i32
        %dma_wait3A_225 = arith.constant 0 : i32
        %dma_wait3A_226 = tpu.memref_slice %arg24[%dma_wait3A_224, %dma_wait3A_225] : memref<10240x32xf32, #tpu.memory_space<vmem_shared>> -> memref<10240x32xf32, #tpu.memory_space<vmem_shared>>
        tpu.wait_indirect_dma semaphore(%run_scoped3A_214 : memref<!tpu.dma_semaphore, #tpu.memory_space<semaphore_mem>>) src(%arg10 : memref<128x32xf32, #tpu.memory_space<vmem>>) dst(%dma_wait3A_226 : memref<10240x32xf32, #tpu.memory_space<vmem_shared>>)
        tpu.yield
      }) : () -> ()
      %mul3A_119 = arith.constant 8 : i32
      %mul3A_120 = arith.muli %mul3A_119, %scan3A_66 : i32
      %add3A_121 = arith.constant 3 : i32
      %add3A_122 = arith.addi %mul3A_120, %add3A_121 : i32
      %add3A_123 = arith.constant 8 : i32
      %add3A_124 = arith.addi %add3A_122, %add3A_123 : i32
      %sub3A_125 = arith.constant 1 : i32
      %sub3A_126 = arith.subi %add3A_124, %sub3A_125 : i32
      %lt3A_127 = arith.constant 80 : i32
      %lt3A_128 = arith.cmpi slt, %sub3A_126, %lt3A_127 : i32
      %convert_element_type3A_129 = arith.extui %lt3A_128 : i1 to i32
      %cond3A_130 = arith.constant 0 : i32
      %cond3A_131 = arith.cmpi ne, %convert_element_type3A_129, %cond3A_130 : i32
      scf.if %cond3A_131 {
        %dma_start3A_214 = arith.constant 0 : i32
        %dma_start3A_215 = tpu.memref_slice %arg6[%sub3A_126, %dma_start3A_214] : memref<80x128xi32, #tpu.memory_space<vmem>> -> memref<1x128xi32, #tpu.memory_space<vmem>>
        %dma_start3A_216 = tpu.memref_squeeze %dma_start3A_215 : memref<1x128xi32, #tpu.memory_space<vmem>> -> memref<128xi32, #tpu.memory_space<vmem>>
        %dma_start3A_217 = arith.constant 0 : i32
        %dma_start3A_218 = arith.constant 0 : i32
        %dma_start3A_219 = tpu.memref_slice %arg2[%dma_start3A_217, %dma_start3A_218] : memref<10240x32xf32, #tpu.memory_space<hbm>> -> memref<10240x32xf32, #tpu.memory_space<hbm>>
        tpu.enqueue_indirect_dma source(%dma_start3A_219 : memref<10240x32xf32, #tpu.memory_space<hbm>>) target(%arg10 : memref<128x32xf32, #tpu.memory_space<vmem>>) offsets(%dma_start3A_216 : memref<128xi32, #tpu.memory_space<vmem>>) semaphore(%arg18 : memref<!tpu.dma_semaphore, #tpu.memory_space<semaphore_mem>>)
      } else {
      }
      %dma_wait3A_132 = arith.constant 0 : i32
      %dma_wait3A_133 = tpu.memref_slice %arg6[%add3A_122, %dma_wait3A_132] : memref<80x128xi32, #tpu.memory_space<vmem>> -> memref<1x128xi32, #tpu.memory_space<vmem>>
      %dma_wait3A_134 = tpu.memref_squeeze %dma_wait3A_133 : memref<1x128xi32, #tpu.memory_space<vmem>> -> memref<128xi32, #tpu.memory_space<vmem>>
      %dma_wait3A_135 = arith.constant 0 : i32
      %dma_wait3A_136 = arith.constant 0 : i32
      %dma_wait3A_137 = tpu.memref_slice %arg2[%dma_wait3A_135, %dma_wait3A_136] : memref<10240x32xf32, #tpu.memory_space<hbm>> -> memref<10240x32xf32, #tpu.memory_space<hbm>>
      tpu.wait_indirect_dma semaphore(%arg19 : memref<!tpu.dma_semaphore, #tpu.memory_space<semaphore_mem>>) src(%dma_wait3A_137 : memref<10240x32xf32, #tpu.memory_space<hbm>>) dst(%arg11 : memref<128x32xf32, #tpu.memory_space<vmem>>)
      "tpu.region"() ({
        %run_scoped3A_214 = tpu.sem_alloc : memref<!tpu.dma_semaphore, #tpu.memory_space<semaphore_mem>>
        %dma_start3A_215 = arith.constant 0 : i32
        %dma_start3A_216 = tpu.memref_slice %arg7[%add3A_122, %dma_start3A_215] : memref<80x128xi32, #tpu.memory_space<vmem>> -> memref<1x128xi32, #tpu.memory_space<vmem>>
        %dma_start3A_217 = tpu.memref_squeeze %dma_start3A_216 : memref<1x128xi32, #tpu.memory_space<vmem>> -> memref<128xi32, #tpu.memory_space<vmem>>
        %dma_start3A_218 = arith.constant 0 : i32
        %dma_start3A_219 = arith.constant 0 : i32
        %dma_start3A_220 = tpu.memref_slice %arg24[%dma_start3A_218, %dma_start3A_219] : memref<10240x32xf32, #tpu.memory_space<vmem_shared>> -> memref<10240x32xf32, #tpu.memory_space<vmem_shared>>
        tpu.enqueue_indirect_dma source(%arg11 : memref<128x32xf32, #tpu.memory_space<vmem>>) target(%dma_start3A_220 : memref<10240x32xf32, #tpu.memory_space<vmem_shared>>) offsets(%dma_start3A_217 : memref<128xi32, #tpu.memory_space<vmem>>) semaphore(%run_scoped3A_214 : memref<!tpu.dma_semaphore, #tpu.memory_space<semaphore_mem>>) {add = true}
        %dma_wait3A_221 = arith.constant 0 : i32
        %dma_wait3A_222 = tpu.memref_slice %arg7[%add3A_122, %dma_wait3A_221] : memref<80x128xi32, #tpu.memory_space<vmem>> -> memref<1x128xi32, #tpu.memory_space<vmem>>
        %dma_wait3A_223 = tpu.memref_squeeze %dma_wait3A_222 : memref<1x128xi32, #tpu.memory_space<vmem>> -> memref<128xi32, #tpu.memory_space<vmem>>
        %dma_wait3A_224 = arith.constant 0 : i32
        %dma_wait3A_225 = arith.constant 0 : i32
        %dma_wait3A_226 = tpu.memref_slice %arg24[%dma_wait3A_224, %dma_wait3A_225] : memref<10240x32xf32, #tpu.memory_space<vmem_shared>> -> memref<10240x32xf32, #tpu.memory_space<vmem_shared>>
        tpu.wait_indirect_dma semaphore(%run_scoped3A_214 : memref<!tpu.dma_semaphore, #tpu.memory_space<semaphore_mem>>) src(%arg11 : memref<128x32xf32, #tpu.memory_space<vmem>>) dst(%dma_wait3A_226 : memref<10240x32xf32, #tpu.memory_space<vmem_shared>>)
        tpu.yield
      }) : () -> ()
      %mul3A_138 = arith.constant 8 : i32
      %mul3A_139 = arith.muli %mul3A_138, %scan3A_66 : i32
      %add3A_140 = arith.constant 4 : i32
      %add3A_141 = arith.addi %mul3A_139, %add3A_140 : i32
      %add3A_142 = arith.constant 8 : i32
      %add3A_143 = arith.addi %add3A_141, %add3A_142 : i32
      %sub3A_144 = arith.constant 1 : i32
      %sub3A_145 = arith.subi %add3A_143, %sub3A_144 : i32
      %lt3A_146 = arith.constant 80 : i32
      %lt3A_147 = arith.cmpi slt, %sub3A_145, %lt3A_146 : i32
      %convert_element_type3A_148 = arith.extui %lt3A_147 : i1 to i32
      %cond3A_149 = arith.constant 0 : i32
      %cond3A_150 = arith.cmpi ne, %convert_element_type3A_148, %cond3A_149 : i32
      scf.if %cond3A_150 {
        %dma_start3A_214 = arith.constant 0 : i32
        %dma_start3A_215 = tpu.memref_slice %arg6[%sub3A_145, %dma_start3A_214] : memref<80x128xi32, #tpu.memory_space<vmem>> -> memref<1x128xi32, #tpu.memory_space<vmem>>
        %dma_start3A_216 = tpu.memref_squeeze %dma_start3A_215 : memref<1x128xi32, #tpu.memory_space<vmem>> -> memref<128xi32, #tpu.memory_space<vmem>>
        %dma_start3A_217 = arith.constant 0 : i32
        %dma_start3A_218 = arith.constant 0 : i32
        %dma_start3A_219 = tpu.memref_slice %arg2[%dma_start3A_217, %dma_start3A_218] : memref<10240x32xf32, #tpu.memory_space<hbm>> -> memref<10240x32xf32, #tpu.memory_space<hbm>>
        tpu.enqueue_indirect_dma source(%dma_start3A_219 : memref<10240x32xf32, #tpu.memory_space<hbm>>) target(%arg11 : memref<128x32xf32, #tpu.memory_space<vmem>>) offsets(%dma_start3A_216 : memref<128xi32, #tpu.memory_space<vmem>>) semaphore(%arg19 : memref<!tpu.dma_semaphore, #tpu.memory_space<semaphore_mem>>)
      } else {
      }
      %dma_wait3A_151 = arith.constant 0 : i32
      %dma_wait3A_152 = tpu.memref_slice %arg6[%add3A_141, %dma_wait3A_151] : memref<80x128xi32, #tpu.memory_space<vmem>> -> memref<1x128xi32, #tpu.memory_space<vmem>>
      %dma_wait3A_153 = tpu.memref_squeeze %dma_wait3A_152 : memref<1x128xi32, #tpu.memory_space<vmem>> -> memref<128xi32, #tpu.memory_space<vmem>>
      %dma_wait3A_154 = arith.constant 0 : i32
      %dma_wait3A_155 = arith.constant 0 : i32
      %dma_wait3A_156 = tpu.memref_slice %arg2[%dma_wait3A_154, %dma_wait3A_155] : memref<10240x32xf32, #tpu.memory_space<hbm>> -> memref<10240x32xf32, #tpu.memory_space<hbm>>
      tpu.wait_indirect_dma semaphore(%arg20 : memref<!tpu.dma_semaphore, #tpu.memory_space<semaphore_mem>>) src(%dma_wait3A_156 : memref<10240x32xf32, #tpu.memory_space<hbm>>) dst(%arg12 : memref<128x32xf32, #tpu.memory_space<vmem>>)
      "tpu.region"() ({
        %run_scoped3A_214 = tpu.sem_alloc : memref<!tpu.dma_semaphore, #tpu.memory_space<semaphore_mem>>
        %dma_start3A_215 = arith.constant 0 : i32
        %dma_start3A_216 = tpu.memref_slice %arg7[%add3A_141, %dma_start3A_215] : memref<80x128xi32, #tpu.memory_space<vmem>> -> memref<1x128xi32, #tpu.memory_space<vmem>>
        %dma_start3A_217 = tpu.memref_squeeze %dma_start3A_216 : memref<1x128xi32, #tpu.memory_space<vmem>> -> memref<128xi32, #tpu.memory_space<vmem>>
        %dma_start3A_218 = arith.constant 0 : i32
        %dma_start3A_219 = arith.constant 0 : i32
        %dma_start3A_220 = tpu.memref_slice %arg24[%dma_start3A_218, %dma_start3A_219] : memref<10240x32xf32, #tpu.memory_space<vmem_shared>> -> memref<10240x32xf32, #tpu.memory_space<vmem_shared>>
        tpu.enqueue_indirect_dma source(%arg12 : memref<128x32xf32, #tpu.memory_space<vmem>>) target(%dma_start3A_220 : memref<10240x32xf32, #tpu.memory_space<vmem_shared>>) offsets(%dma_start3A_217 : memref<128xi32, #tpu.memory_space<vmem>>) semaphore(%run_scoped3A_214 : memref<!tpu.dma_semaphore, #tpu.memory_space<semaphore_mem>>) {add = true}
        %dma_wait3A_221 = arith.constant 0 : i32
        %dma_wait3A_222 = tpu.memref_slice %arg7[%add3A_141, %dma_wait3A_221] : memref<80x128xi32, #tpu.memory_space<vmem>> -> memref<1x128xi32, #tpu.memory_space<vmem>>
        %dma_wait3A_223 = tpu.memref_squeeze %dma_wait3A_222 : memref<1x128xi32, #tpu.memory_space<vmem>> -> memref<128xi32, #tpu.memory_space<vmem>>
        %dma_wait3A_224 = arith.constant 0 : i32
        %dma_wait3A_225 = arith.constant 0 : i32
        %dma_wait3A_226 = tpu.memref_slice %arg24[%dma_wait3A_224, %dma_wait3A_225] : memref<10240x32xf32, #tpu.memory_space<vmem_shared>> -> memref<10240x32xf32, #tpu.memory_space<vmem_shared>>
        tpu.wait_indirect_dma semaphore(%run_scoped3A_214 : memref<!tpu.dma_semaphore, #tpu.memory_space<semaphore_mem>>) src(%arg12 : memref<128x32xf32, #tpu.memory_space<vmem>>) dst(%dma_wait3A_226 : memref<10240x32xf32, #tpu.memory_space<vmem_shared>>)
        tpu.yield
      }) : () -> ()
      %mul3A_157 = arith.constant 8 : i32
      %mul3A_158 = arith.muli %mul3A_157, %scan3A_66 : i32
      %add3A_159 = arith.constant 5 : i32
      %add3A_160 = arith.addi %mul3A_158, %add3A_159 : i32
      %add3A_161 = arith.constant 8 : i32
      %add3A_162 = arith.addi %add3A_160, %add3A_161 : i32
      %sub3A_163 = arith.constant 1 : i32
      %sub3A_164 = arith.subi %add3A_162, %sub3A_163 : i32
      %lt3A_165 = arith.constant 80 : i32
      %lt3A_166 = arith.cmpi slt, %sub3A_164, %lt3A_165 : i32
      %convert_element_type3A_167 = arith.extui %lt3A_166 : i1 to i32
      %cond3A_168 = arith.constant 0 : i32
      %cond3A_169 = arith.cmpi ne, %convert_element_type3A_167, %cond3A_168 : i32
      scf.if %cond3A_169 {
        %dma_start3A_214 = arith.constant 0 : i32
        %dma_start3A_215 = tpu.memref_slice %arg6[%sub3A_164, %dma_start3A_214] : memref<80x128xi32, #tpu.memory_space<vmem>> -> memref<1x128xi32, #tpu.memory_space<vmem>>
        %dma_start3A_216 = tpu.memref_squeeze %dma_start3A_215 : memref<1x128xi32, #tpu.memory_space<vmem>> -> memref<128xi32, #tpu.memory_space<vmem>>
        %dma_start3A_217 = arith.constant 0 : i32
        %dma_start3A_218 = arith.constant 0 : i32
        %dma_start3A_219 = tpu.memref_slice %arg2[%dma_start3A_217, %dma_start3A_218] : memref<10240x32xf32, #tpu.memory_space<hbm>> -> memref<10240x32xf32, #tpu.memory_space<hbm>>
        tpu.enqueue_indirect_dma source(%dma_start3A_219 : memref<10240x32xf32, #tpu.memory_space<hbm>>) target(%arg12 : memref<128x32xf32, #tpu.memory_space<vmem>>) offsets(%dma_start3A_216 : memref<128xi32, #tpu.memory_space<vmem>>) semaphore(%arg20 : memref<!tpu.dma_semaphore, #tpu.memory_space<semaphore_mem>>)
      } else {
      }
      %dma_wait3A_170 = arith.constant 0 : i32
      %dma_wait3A_171 = tpu.memref_slice %arg6[%add3A_160, %dma_wait3A_170] : memref<80x128xi32, #tpu.memory_space<vmem>> -> memref<1x128xi32, #tpu.memory_space<vmem>>
      %dma_wait3A_172 = tpu.memref_squeeze %dma_wait3A_171 : memref<1x128xi32, #tpu.memory_space<vmem>> -> memref<128xi32, #tpu.memory_space<vmem>>
      %dma_wait3A_173 = arith.constant 0 : i32
      %dma_wait3A_174 = arith.constant 0 : i32
      %dma_wait3A_175 = tpu.memref_slice %arg2[%dma_wait3A_173, %dma_wait3A_174] : memref<10240x32xf32, #tpu.memory_space<hbm>> -> memref<10240x32xf32, #tpu.memory_space<hbm>>
      tpu.wait_indirect_dma semaphore(%arg21 : memref<!tpu.dma_semaphore, #tpu.memory_space<semaphore_mem>>) src(%dma_wait3A_175 : memref<10240x32xf32, #tpu.memory_space<hbm>>) dst(%arg13 : memref<128x32xf32, #tpu.memory_space<vmem>>)
      "tpu.region"() ({
        %run_scoped3A_214 = tpu.sem_alloc : memref<!tpu.dma_semaphore, #tpu.memory_space<semaphore_mem>>
        %dma_start3A_215 = arith.constant 0 : i32
        %dma_start3A_216 = tpu.memref_slice %arg7[%add3A_160, %dma_start3A_215] : memref<80x128xi32, #tpu.memory_space<vmem>> -> memref<1x128xi32, #tpu.memory_space<vmem>>
        %dma_start3A_217 = tpu.memref_squeeze %dma_start3A_216 : memref<1x128xi32, #tpu.memory_space<vmem>> -> memref<128xi32, #tpu.memory_space<vmem>>
        %dma_start3A_218 = arith.constant 0 : i32
        %dma_start3A_219 = arith.constant 0 : i32
        %dma_start3A_220 = tpu.memref_slice %arg24[%dma_start3A_218, %dma_start3A_219] : memref<10240x32xf32, #tpu.memory_space<vmem_shared>> -> memref<10240x32xf32, #tpu.memory_space<vmem_shared>>
        tpu.enqueue_indirect_dma source(%arg13 : memref<128x32xf32, #tpu.memory_space<vmem>>) target(%dma_start3A_220 : memref<10240x32xf32, #tpu.memory_space<vmem_shared>>) offsets(%dma_start3A_217 : memref<128xi32, #tpu.memory_space<vmem>>) semaphore(%run_scoped3A_214 : memref<!tpu.dma_semaphore, #tpu.memory_space<semaphore_mem>>) {add = true}
        %dma_wait3A_221 = arith.constant 0 : i32
        %dma_wait3A_222 = tpu.memref_slice %arg7[%add3A_160, %dma_wait3A_221] : memref<80x128xi32, #tpu.memory_space<vmem>> -> memref<1x128xi32, #tpu.memory_space<vmem>>
        %dma_wait3A_223 = tpu.memref_squeeze %dma_wait3A_222 : memref<1x128xi32, #tpu.memory_space<vmem>> -> memref<128xi32, #tpu.memory_space<vmem>>
        %dma_wait3A_224 = arith.constant 0 : i32
        %dma_wait3A_225 = arith.constant 0 : i32
        %dma_wait3A_226 = tpu.memref_slice %arg24[%dma_wait3A_224, %dma_wait3A_225] : memref<10240x32xf32, #tpu.memory_space<vmem_shared>> -> memref<10240x32xf32, #tpu.memory_space<vmem_shared>>
        tpu.wait_indirect_dma semaphore(%run_scoped3A_214 : memref<!tpu.dma_semaphore, #tpu.memory_space<semaphore_mem>>) src(%arg13 : memref<128x32xf32, #tpu.memory_space<vmem>>) dst(%dma_wait3A_226 : memref<10240x32xf32, #tpu.memory_space<vmem_shared>>)
        tpu.yield
      }) : () -> ()
      %mul3A_176 = arith.constant 8 : i32
      %mul3A_177 = arith.muli %mul3A_176, %scan3A_66 : i32
      %add3A_178 = arith.constant 6 : i32
      %add3A_179 = arith.addi %mul3A_177, %add3A_178 : i32
      %add3A_180 = arith.constant 8 : i32
      %add3A_181 = arith.addi %add3A_179, %add3A_180 : i32
      %sub3A_182 = arith.constant 1 : i32
      %sub3A_183 = arith.subi %add3A_181, %sub3A_182 : i32
      %lt3A_184 = arith.constant 80 : i32
      %lt3A_185 = arith.cmpi slt, %sub3A_183, %lt3A_184 : i32
      %convert_element_type3A_186 = arith.extui %lt3A_185 : i1 to i32
      %cond3A_187 = arith.constant 0 : i32
      %cond3A_188 = arith.cmpi ne, %convert_element_type3A_186, %cond3A_187 : i32
      scf.if %cond3A_188 {
        %dma_start3A_214 = arith.constant 0 : i32
        %dma_start3A_215 = tpu.memref_slice %arg6[%sub3A_183, %dma_start3A_214] : memref<80x128xi32, #tpu.memory_space<vmem>> -> memref<1x128xi32, #tpu.memory_space<vmem>>
        %dma_start3A_216 = tpu.memref_squeeze %dma_start3A_215 : memref<1x128xi32, #tpu.memory_space<vmem>> -> memref<128xi32, #tpu.memory_space<vmem>>
        %dma_start3A_217 = arith.constant 0 : i32
        %dma_start3A_218 = arith.constant 0 : i32
        %dma_start3A_219 = tpu.memref_slice %arg2[%dma_start3A_217, %dma_start3A_218] : memref<10240x32xf32, #tpu.memory_space<hbm>> -> memref<10240x32xf32, #tpu.memory_space<hbm>>
        tpu.enqueue_indirect_dma source(%dma_start3A_219 : memref<10240x32xf32, #tpu.memory_space<hbm>>) target(%arg13 : memref<128x32xf32, #tpu.memory_space<vmem>>) offsets(%dma_start3A_216 : memref<128xi32, #tpu.memory_space<vmem>>) semaphore(%arg21 : memref<!tpu.dma_semaphore, #tpu.memory_space<semaphore_mem>>)
      } else {
      }
      %dma_wait3A_189 = arith.constant 0 : i32
      %dma_wait3A_190 = tpu.memref_slice %arg6[%add3A_179, %dma_wait3A_189] : memref<80x128xi32, #tpu.memory_space<vmem>> -> memref<1x128xi32, #tpu.memory_space<vmem>>
      %dma_wait3A_191 = tpu.memref_squeeze %dma_wait3A_190 : memref<1x128xi32, #tpu.memory_space<vmem>> -> memref<128xi32, #tpu.memory_space<vmem>>
      %dma_wait3A_192 = arith.constant 0 : i32
      %dma_wait3A_193 = arith.constant 0 : i32
      %dma_wait3A_194 = tpu.memref_slice %arg2[%dma_wait3A_192, %dma_wait3A_193] : memref<10240x32xf32, #tpu.memory_space<hbm>> -> memref<10240x32xf32, #tpu.memory_space<hbm>>
      tpu.wait_indirect_dma semaphore(%arg22 : memref<!tpu.dma_semaphore, #tpu.memory_space<semaphore_mem>>) src(%dma_wait3A_194 : memref<10240x32xf32, #tpu.memory_space<hbm>>) dst(%arg14 : memref<128x32xf32, #tpu.memory_space<vmem>>)
      "tpu.region"() ({
        %run_scoped3A_214 = tpu.sem_alloc : memref<!tpu.dma_semaphore, #tpu.memory_space<semaphore_mem>>
        %dma_start3A_215 = arith.constant 0 : i32
        %dma_start3A_216 = tpu.memref_slice %arg7[%add3A_179, %dma_start3A_215] : memref<80x128xi32, #tpu.memory_space<vmem>> -> memref<1x128xi32, #tpu.memory_space<vmem>>
        %dma_start3A_217 = tpu.memref_squeeze %dma_start3A_216 : memref<1x128xi32, #tpu.memory_space<vmem>> -> memref<128xi32, #tpu.memory_space<vmem>>
        %dma_start3A_218 = arith.constant 0 : i32
        %dma_start3A_219 = arith.constant 0 : i32
        %dma_start3A_220 = tpu.memref_slice %arg24[%dma_start3A_218, %dma_start3A_219] : memref<10240x32xf32, #tpu.memory_space<vmem_shared>> -> memref<10240x32xf32, #tpu.memory_space<vmem_shared>>
        tpu.enqueue_indirect_dma source(%arg14 : memref<128x32xf32, #tpu.memory_space<vmem>>) target(%dma_start3A_220 : memref<10240x32xf32, #tpu.memory_space<vmem_shared>>) offsets(%dma_start3A_217 : memref<128xi32, #tpu.memory_space<vmem>>) semaphore(%run_scoped3A_214 : memref<!tpu.dma_semaphore, #tpu.memory_space<semaphore_mem>>) {add = true}
        %dma_wait3A_221 = arith.constant 0 : i32
        %dma_wait3A_222 = tpu.memref_slice %arg7[%add3A_179, %dma_wait3A_221] : memref<80x128xi32, #tpu.memory_space<vmem>> -> memref<1x128xi32, #tpu.memory_space<vmem>>
        %dma_wait3A_223 = tpu.memref_squeeze %dma_wait3A_222 : memref<1x128xi32, #tpu.memory_space<vmem>> -> memref<128xi32, #tpu.memory_space<vmem>>
        %dma_wait3A_224 = arith.constant 0 : i32
        %dma_wait3A_225 = arith.constant 0 : i32
        %dma_wait3A_226 = tpu.memref_slice %arg24[%dma_wait3A_224, %dma_wait3A_225] : memref<10240x32xf32, #tpu.memory_space<vmem_shared>> -> memref<10240x32xf32, #tpu.memory_space<vmem_shared>>
        tpu.wait_indirect_dma semaphore(%run_scoped3A_214 : memref<!tpu.dma_semaphore, #tpu.memory_space<semaphore_mem>>) src(%arg14 : memref<128x32xf32, #tpu.memory_space<vmem>>) dst(%dma_wait3A_226 : memref<10240x32xf32, #tpu.memory_space<vmem_shared>>)
        tpu.yield
      }) : () -> ()
      %mul3A_195 = arith.constant 8 : i32
      %mul3A_196 = arith.muli %mul3A_195, %scan3A_66 : i32
      %add3A_197 = arith.constant 7 : i32
      %add3A_198 = arith.addi %mul3A_196, %add3A_197 : i32
      %add3A_199 = arith.constant 8 : i32
      %add3A_200 = arith.addi %add3A_198, %add3A_199 : i32
      %sub3A_201 = arith.constant 1 : i32
      %sub3A_202 = arith.subi %add3A_200, %sub3A_201 : i32
      %lt3A_203 = arith.constant 80 : i32
      %lt3A_204 = arith.cmpi slt, %sub3A_202, %lt3A_203 : i32
      %convert_element_type3A_205 = arith.extui %lt3A_204 : i1 to i32
      %cond3A_206 = arith.constant 0 : i32
      %cond3A_207 = arith.cmpi ne, %convert_element_type3A_205, %cond3A_206 : i32
      scf.if %cond3A_207 {
        %dma_start3A_214 = arith.constant 0 : i32
        %dma_start3A_215 = tpu.memref_slice %arg6[%sub3A_202, %dma_start3A_214] : memref<80x128xi32, #tpu.memory_space<vmem>> -> memref<1x128xi32, #tpu.memory_space<vmem>>
        %dma_start3A_216 = tpu.memref_squeeze %dma_start3A_215 : memref<1x128xi32, #tpu.memory_space<vmem>> -> memref<128xi32, #tpu.memory_space<vmem>>
        %dma_start3A_217 = arith.constant 0 : i32
        %dma_start3A_218 = arith.constant 0 : i32
        %dma_start3A_219 = tpu.memref_slice %arg2[%dma_start3A_217, %dma_start3A_218] : memref<10240x32xf32, #tpu.memory_space<hbm>> -> memref<10240x32xf32, #tpu.memory_space<hbm>>
        tpu.enqueue_indirect_dma source(%dma_start3A_219 : memref<10240x32xf32, #tpu.memory_space<hbm>>) target(%arg14 : memref<128x32xf32, #tpu.memory_space<vmem>>) offsets(%dma_start3A_216 : memref<128xi32, #tpu.memory_space<vmem>>) semaphore(%arg22 : memref<!tpu.dma_semaphore, #tpu.memory_space<semaphore_mem>>)
      } else {
      }
      %dma_wait3A_208 = arith.constant 0 : i32
      %dma_wait3A_209 = tpu.memref_slice %arg6[%add3A_198, %dma_wait3A_208] : memref<80x128xi32, #tpu.memory_space<vmem>> -> memref<1x128xi32, #tpu.memory_space<vmem>>
      %dma_wait3A_210 = tpu.memref_squeeze %dma_wait3A_209 : memref<1x128xi32, #tpu.memory_space<vmem>> -> memref<128xi32, #tpu.memory_space<vmem>>
      %dma_wait3A_211 = arith.constant 0 : i32
      %dma_wait3A_212 = arith.constant 0 : i32
      %dma_wait3A_213 = tpu.memref_slice %arg2[%dma_wait3A_211, %dma_wait3A_212] : memref<10240x32xf32, #tpu.memory_space<hbm>> -> memref<10240x32xf32, #tpu.memory_space<hbm>>
      tpu.wait_indirect_dma semaphore(%arg23 : memref<!tpu.dma_semaphore, #tpu.memory_space<semaphore_mem>>) src(%dma_wait3A_213 : memref<10240x32xf32, #tpu.memory_space<hbm>>) dst(%arg15 : memref<128x32xf32, #tpu.memory_space<vmem>>)
      "tpu.region"() ({
        %run_scoped3A_214 = tpu.sem_alloc : memref<!tpu.dma_semaphore, #tpu.memory_space<semaphore_mem>>
        %dma_start3A_215 = arith.constant 0 : i32
        %dma_start3A_216 = tpu.memref_slice %arg7[%add3A_198, %dma_start3A_215] : memref<80x128xi32, #tpu.memory_space<vmem>> -> memref<1x128xi32, #tpu.memory_space<vmem>>
        %dma_start3A_217 = tpu.memref_squeeze %dma_start3A_216 : memref<1x128xi32, #tpu.memory_space<vmem>> -> memref<128xi32, #tpu.memory_space<vmem>>
        %dma_start3A_218 = arith.constant 0 : i32
        %dma_start3A_219 = arith.constant 0 : i32
        %dma_start3A_220 = tpu.memref_slice %arg24[%dma_start3A_218, %dma_start3A_219] : memref<10240x32xf32, #tpu.memory_space<vmem_shared>> -> memref<10240x32xf32, #tpu.memory_space<vmem_shared>>
        tpu.enqueue_indirect_dma source(%arg15 : memref<128x32xf32, #tpu.memory_space<vmem>>) target(%dma_start3A_220 : memref<10240x32xf32, #tpu.memory_space<vmem_shared>>) offsets(%dma_start3A_217 : memref<128xi32, #tpu.memory_space<vmem>>) semaphore(%run_scoped3A_214 : memref<!tpu.dma_semaphore, #tpu.memory_space<semaphore_mem>>) {add = true}
        %dma_wait3A_221 = arith.constant 0 : i32
        %dma_wait3A_222 = tpu.memref_slice %arg7[%add3A_198, %dma_wait3A_221] : memref<80x128xi32, #tpu.memory_space<vmem>> -> memref<1x128xi32, #tpu.memory_space<vmem>>
        %dma_wait3A_223 = tpu.memref_squeeze %dma_wait3A_222 : memref<1x128xi32, #tpu.memory_space<vmem>> -> memref<128xi32, #tpu.memory_space<vmem>>
        %dma_wait3A_224 = arith.constant 0 : i32
        %dma_wait3A_225 = arith.constant 0 : i32
        %dma_wait3A_226 = tpu.memref_slice %arg24[%dma_wait3A_224, %dma_wait3A_225] : memref<10240x32xf32, #tpu.memory_space<vmem_shared>> -> memref<10240x32xf32, #tpu.memory_space<vmem_shared>>
        tpu.wait_indirect_dma semaphore(%run_scoped3A_214 : memref<!tpu.dma_semaphore, #tpu.memory_space<semaphore_mem>>) src(%arg15 : memref<128x32xf32, #tpu.memory_space<vmem>>) dst(%dma_wait3A_226 : memref<10240x32xf32, #tpu.memory_space<vmem_shared>>)
        tpu.yield
      }) : () -> ()
    }
    %scan3A_60 = arith.constant 10 : i32
    %barrier3A_61 = arith.constant 0 : index
    tpu.barrier barrier_id(%barrier3A_61)
    %mul3A_62 = arith.constant 640 : i32
    %mul3A_63 = arith.muli %arg1, %mul3A_62 : i32
    %mul3A_64 = arith.constant 640 : i32
    %mul3A_65 = arith.muli %arg1, %mul3A_64 : i32
    "tpu.region"() ({
      %run_scoped3A_66 = tpu.sem_alloc : memref<!tpu.dma_semaphore, #tpu.memory_space<semaphore_mem>>
      %dma_start3A_67 = arith.constant 0 : i32
      %dma_start3A_68 = tpu.memref_slice %arg5[%arg0, %mul3A_65, %dma_start3A_67] : memref<2x10240x32xf32, #tpu.memory_space<hbm>> -> memref<1x640x32xf32, #tpu.memory_space<hbm>>
      %dma_start3A_69 = tpu.memref_squeeze %dma_start3A_68 : memref<1x640x32xf32, #tpu.memory_space<hbm>> -> memref<640x32xf32, #tpu.memory_space<hbm>>
      %dma_start3A_70 = arith.constant 0 : i32
      %dma_start3A_71 = tpu.memref_slice %arg24[%mul3A_63, %dma_start3A_70] : memref<10240x32xf32, #tpu.memory_space<vmem_shared>> -> memref<640x32xf32, #tpu.memory_space<vmem_shared>>
      tpu.enqueue_dma source(%dma_start3A_71 : memref<640x32xf32, #tpu.memory_space<vmem_shared>>) target(%dma_start3A_69 : memref<640x32xf32, #tpu.memory_space<hbm>>) target_semaphore(%run_scoped3A_66 : memref<!tpu.dma_semaphore, #tpu.memory_space<semaphore_mem>>)
      %dma_wait3A = arith.constant 0 : i32
      %dma_wait3A_72 = tpu.memref_slice %arg5[%arg0, %mul3A_65, %dma_wait3A] : memref<2x10240x32xf32, #tpu.memory_space<hbm>> -> memref<1x640x32xf32, #tpu.memory_space<hbm>>
      %dma_wait3A_73 = tpu.memref_squeeze %dma_wait3A_72 : memref<1x640x32xf32, #tpu.memory_space<hbm>> -> memref<640x32xf32, #tpu.memory_space<hbm>>
      %dma_wait3A_74 = arith.constant 0 : i32
      %dma_wait3A_75 = tpu.memref_slice %arg24[%mul3A_63, %dma_wait3A_74] : memref<10240x32xf32, #tpu.memory_space<vmem_shared>> -> memref<640x32xf32, #tpu.memory_space<vmem_shared>>
      tpu.wait_dma2 semaphore(%run_scoped3A_66 : memref<!tpu.dma_semaphore, #tpu.memory_space<semaphore_mem>>) src(%dma_wait3A_75 : memref<640x32xf32, #tpu.memory_space<vmem_shared>>) dst(%dma_wait3A_73 : memref<640x32xf32, #tpu.memory_space<hbm>>)
      tpu.yield
    }) : () -> ()
    return
  }
}

#map = affine_map<(d0, d1) -> (0, 0)>
#map1 = affine_map<(d0, d1) -> (0, 0, 0)>
module attributes {stable_mosaic.version = 14 : i64} {
  func.func @k(%arg0: i32, %arg1: i32, %arg2: memref<10240x32xf32, #tpu.memory_space<hbm>>, %arg3: memref<2x2560x128xi32, #tpu.memory_space<hbm>>, %arg4: memref<10240x32xf32, #tpu.memory_space<hbm>>, %arg5: memref<2x10240x32xf32, #tpu.memory_space<hbm>>, %arg6: memref<80x128xi32, #tpu.memory_space<vmem>>, %arg7: memref<80x128xi32, #tpu.memory_space<vmem>>, %arg8: memref<128x32xf32, #tpu.memory_space<vmem>>, %arg9: memref<128x32xf32, #tpu.memory_space<vmem>>, %arg10: memref<128x32xf32, #tpu.memory_space<vmem>>, %arg11: memref<128x32xf32, #tpu.memory_space<vmem>>, %arg12: memref<128x32xf32, #tpu.memory_space<vmem>>, %arg13: memref<128x32xf32, #tpu.memory_space<vmem>>, %arg14: memref<128x32xf32, #tpu.memory_space<vmem>>, %arg15: memref<128x32xf32, #tpu.memory_space<vmem>>, %arg16: memref<!tpu.dma_semaphore, #tpu.memory_space<semaphore_mem>>, %arg17: memref<!tpu.dma_semaphore, #tpu.memory_space<semaphore_mem>>, %arg18: memref<!tpu.dma_semaphore, #tpu.memory_space<semaphore_mem>>, %arg19: memref<!tpu.dma_semaphore, #tpu.memory_space<semaphore_mem>>, %arg20: memref<!tpu.dma_semaphore, #tpu.memory_space<semaphore_mem>>, %arg21: memref<!tpu.dma_semaphore, #tpu.memory_space<semaphore_mem>>, %arg22: memref<!tpu.dma_semaphore, #tpu.memory_space<semaphore_mem>>, %arg23: memref<!tpu.dma_semaphore, #tpu.memory_space<semaphore_mem>>, %arg24: memref<10240x32xf32, #tpu.memory_space<vmem_shared>>) attributes {dimension_semantics = [#tpu.dimension_semantics<core_parallel>, #tpu.dimension_semantics<subcore_parallel>], iteration_bounds = array<i64: 2, 16>, scalar_prefetch = 0 : i64, scratch_operands = 19 : i64, tpu.core_type = #tpu.core_type<sc_vector_subcore>, window_params = [{transform_indices = #map}, {transform_indices = #map1}, {transform_indices = #map}, {transform_indices = #map1}]} {
    %mul3A = arith.constant 1280 : i32
    %mul3A_0 = arith.muli %arg0, %mul3A : i32
    %mul3A_1 = arith.constant 80 : i32
    %mul3A_2 = arith.muli %arg1, %mul3A_1 : i32
    %add3A = arith.addi %mul3A_0, %mul3A_2 : i32
    %run_scoped3A = arith.constant 0 : i32
    "tpu.region"() ({
      %run_scoped3A_66 = tpu.sem_alloc : memref<!tpu.dma_semaphore, #tpu.memory_space<semaphore_mem>>
      %dma_start3A_67 = arith.constant 0 : i32
      %dma_start3A_68 = tpu.memref_slice %arg3[%run_scoped3A, %add3A, %dma_start3A_67] : memref<2x2560x128xi32, #tpu.memory_space<hbm>> -> memref<1x80x128xi32, #tpu.memory_space<hbm>>
      %dma_start3A_69 = tpu.memref_squeeze %dma_start3A_68 : memref<1x80x128xi32, #tpu.memory_space<hbm>> -> memref<80x128xi32, #tpu.memory_space<hbm>>
      %dma_start3A_70 = arith.constant 0 : i32
      %dma_start3A_71 = tpu.memref_slice %arg3[%run_scoped3A, %add3A, %dma_start3A_70] : memref<2x2560x128xi32, #tpu.memory_space<hbm>> -> memref<1x80x128xi32, #tpu.memory_space<hbm>>
      %dma_start3A_72 = tpu.memref_squeeze %dma_start3A_71 : memref<1x80x128xi32, #tpu.memory_space<hbm>> -> memref<80x128xi32, #tpu.memory_space<hbm>>
      tpu.enqueue_dma source(%dma_start3A_72 : memref<80x128xi32, #tpu.memory_space<hbm>>) target(%arg6 : memref<80x128xi32, #tpu.memory_space<vmem>>) target_semaphore(%run_scoped3A_66 : memref<!tpu.dma_semaphore, #tpu.memory_space<semaphore_mem>>)
      %dma_wait3A = arith.constant 0 : i32
      %dma_wait3A_73 = tpu.memref_slice %arg3[%run_scoped3A, %add3A, %dma_wait3A] : memref<2x2560x128xi32, #tpu.memory_space<hbm>> -> memref<1x80x128xi32, #tpu.memory_space<hbm>>
      %dma_wait3A_74 = tpu.memref_squeeze %dma_wait3A_73 : memref<1x80x128xi32, #tpu.memory_space<hbm>> -> memref<80x128xi32, #tpu.memory_space<hbm>>
      %dma_wait3A_75 = arith.constant 0 : i32
      %dma_wait3A_76 = tpu.memref_slice %arg3[%run_scoped3A, %add3A, %dma_wait3A_75] : memref<2x2560x128xi32, #tpu.memory_space<hbm>> -> memref<1x80x128xi32, #tpu.memory_space<hbm>>
      %dma_wait3A_77 = tpu.memref_squeeze %dma_wait3A_76 : memref<1x80x128xi32, #tpu.memory_space<hbm>> -> memref<80x128xi32, #tpu.memory_space<hbm>>
      tpu.wait_dma2 semaphore(%run_scoped3A_66 : memref<!tpu.dma_semaphore, #tpu.memory_space<semaphore_mem>>) src(%dma_wait3A_77 : memref<80x128xi32, #tpu.memory_space<hbm>>) dst(%arg6 : memref<80x128xi32, #tpu.memory_space<vmem>>)
      tpu.yield
    }) : () -> ()
    %run_scoped3A_3 = arith.constant 1 : i32
    "tpu.region"() ({
      %run_scoped3A_66 = tpu.sem_alloc : memref<!tpu.dma_semaphore, #tpu.memory_space<semaphore_mem>>
      %dma_start3A_67 = arith.constant 0 : i32
      %dma_start3A_68 = tpu.memref_slice %arg3[%run_scoped3A_3, %add3A, %dma_start3A_67] : memref<2x2560x128xi32, #tpu.memory_space<hbm>> -> memref<1x80x128xi32, #tpu.memory_space<hbm>>
      %dma_start3A_69 = tpu.memref_squeeze %dma_start3A_68 : memref<1x80x128xi32, #tpu.memory_space<hbm>> -> memref<80x128xi32, #tpu.memory_space<hbm>>
      %dma_start3A_70 = arith.constant 0 : i32
      %dma_start3A_71 = tpu.memref_slice %arg3[%run_scoped3A_3, %add3A, %dma_start3A_70] : memref<2x2560x128xi32, #tpu.memory_space<hbm>> -> memref<1x80x128xi32, #tpu.memory_space<hbm>>
      %dma_start3A_72 = tpu.memref_squeeze %dma_start3A_71 : memref<1x80x128xi32, #tpu.memory_space<hbm>> -> memref<80x128xi32, #tpu.memory_space<hbm>>
      tpu.enqueue_dma source(%dma_start3A_72 : memref<80x128xi32, #tpu.memory_space<hbm>>) target(%arg7 : memref<80x128xi32, #tpu.memory_space<vmem>>) target_semaphore(%run_scoped3A_66 : memref<!tpu.dma_semaphore, #tpu.memory_space<semaphore_mem>>)
      %dma_wait3A = arith.constant 0 : i32
      %dma_wait3A_73 = tpu.memref_slice %arg3[%run_scoped3A_3, %add3A, %dma_wait3A] : memref<2x2560x128xi32, #tpu.memory_space<hbm>> -> memref<1x80x128xi32, #tpu.memory_space<hbm>>
      %dma_wait3A_74 = tpu.memref_squeeze %dma_wait3A_73 : memref<1x80x128xi32, #tpu.memory_space<hbm>> -> memref<80x128xi32, #tpu.memory_space<hbm>>
      %dma_wait3A_75 = arith.constant 0 : i32
      %dma_wait3A_76 = tpu.memref_slice %arg3[%run_scoped3A_3, %add3A, %dma_wait3A_75] : memref<2x2560x128xi32, #tpu.memory_space<hbm>> -> memref<1x80x128xi32, #tpu.memory_space<hbm>>
      %dma_wait3A_77 = tpu.memref_squeeze %dma_wait3A_76 : memref<1x80x128xi32, #tpu.memory_space<hbm>> -> memref<80x128xi32, #tpu.memory_space<hbm>>
      tpu.wait_dma2 semaphore(%run_scoped3A_66 : memref<!tpu.dma_semaphore, #tpu.memory_space<semaphore_mem>>) src(%dma_wait3A_77 : memref<80x128xi32, #tpu.memory_space<hbm>>) dst(%arg7 : memref<80x128xi32, #tpu.memory_space<vmem>>)
      tpu.yield
    }) : () -> ()
    %mul3A_4 = arith.constant 640 : i32
    %mul3A_5 = arith.muli %arg1, %mul3A_4 : i32
    %mul3A_6 = arith.constant 640 : i32
    %mul3A_7 = arith.muli %arg1, %mul3A_6 : i32
    "tpu.region"() ({
      %run_scoped3A_66 = tpu.sem_alloc : memref<!tpu.dma_semaphore, #tpu.memory_space<semaphore_mem>>
      %dma_start3A_67 = arith.constant 0 : i32
      %dma_start3A_68 = tpu.memref_slice %arg24[%mul3A_7, %dma_start3A_67] : memref<10240x32xf32, #tpu.memory_space<vmem_shared>> -> memref<640x32xf32, #tpu.memory_space<vmem_shared>>
      %dma_start3A_69 = arith.constant 0 : i32
      %dma_start3A_70 = tpu.memref_slice %arg4[%mul3A_5, %dma_start3A_69] : memref<10240x32xf32, #tpu.memory_space<hbm>> -> memref<640x32xf32, #tpu.memory_space<hbm>>
      tpu.enqueue_dma source(%dma_start3A_70 : memref<640x32xf32, #tpu.memory_space<hbm>>) target(%dma_start3A_68 : memref<640x32xf32, #tpu.memory_space<vmem_shared>>) target_semaphore(%run_scoped3A_66 : memref<!tpu.dma_semaphore, #tpu.memory_space<semaphore_mem>>)
      %dma_wait3A = arith.constant 0 : i32
      %dma_wait3A_71 = tpu.memref_slice %arg24[%mul3A_7, %dma_wait3A] : memref<10240x32xf32, #tpu.memory_space<vmem_shared>> -> memref<640x32xf32, #tpu.memory_space<vmem_shared>>
      %dma_wait3A_72 = arith.constant 0 : i32
      %dma_wait3A_73 = tpu.memref_slice %arg4[%mul3A_5, %dma_wait3A_72] : memref<10240x32xf32, #tpu.memory_space<hbm>> -> memref<640x32xf32, #tpu.memory_space<hbm>>
      tpu.wait_dma2 semaphore(%run_scoped3A_66 : memref<!tpu.dma_semaphore, #tpu.memory_space<semaphore_mem>>) src(%dma_wait3A_73 : memref<640x32xf32, #tpu.memory_space<hbm>>) dst(%dma_wait3A_71 : memref<640x32xf32, #tpu.memory_space<vmem_shared>>)
      tpu.yield
    }) : () -> ()
    %barrier3A = arith.constant 0 : index
    tpu.barrier barrier_id(%barrier3A)
    %dma_start3A = arith.constant 0 : i32
    %dma_start3A_8 = arith.constant 0 : i32
    %dma_start3A_9 = tpu.memref_slice %arg6[%dma_start3A, %dma_start3A_8] : memref<80x128xi32, #tpu.memory_space<vmem>> -> memref<1x128xi32, #tpu.memory_space<vmem>>
    %dma_start3A_10 = tpu.memref_squeeze %dma_start3A_9 : memref<1x128xi32, #tpu.memory_space<vmem>> -> memref<128xi32, #tpu.memory_space<vmem>>
    %dma_start3A_11 = arith.constant 0 : i32
    %dma_start3A_12 = arith.constant 0 : i32
    %dma_start3A_13 = tpu.memref_slice %arg2[%dma_start3A_11, %dma_start3A_12] : memref<10240x32xf32, #tpu.memory_space<hbm>> -> memref<10240x32xf32, #tpu.memory_space<hbm>>
    tpu.enqueue_indirect_dma source(%dma_start3A_13 : memref<10240x32xf32, #tpu.memory_space<hbm>>) target(%arg8 : memref<128x32xf32, #tpu.memory_space<vmem>>) offsets(%dma_start3A_10 : memref<128xi32, #tpu.memory_space<vmem>>) semaphore(%arg16 : memref<!tpu.dma_semaphore, #tpu.memory_space<semaphore_mem>>)
    %dma_start3A_14 = arith.constant 1 : i32
    %dma_start3A_15 = arith.constant 0 : i32
    %dma_start3A_16 = tpu.memref_slice %arg6[%dma_start3A_14, %dma_start3A_15] : memref<80x128xi32, #tpu.memory_space<vmem>> -> memref<1x128xi32, #tpu.memory_space<vmem>>
    %dma_start3A_17 = tpu.memref_squeeze %dma_start3A_16 : memref<1x128xi32, #tpu.memory_space<vmem>> -> memref<128xi32, #tpu.memory_space<vmem>>
    %dma_start3A_18 = arith.constant 0 : i32
    %dma_start3A_19 = arith.constant 0 : i32
    %dma_start3A_20 = tpu.memref_slice %arg2[%dma_start3A_18, %dma_start3A_19] : memref<10240x32xf32, #tpu.memory_space<hbm>> -> memref<10240x32xf32, #tpu.memory_space<hbm>>
    tpu.enqueue_indirect_dma source(%dma_start3A_20 : memref<10240x32xf32, #tpu.memory_space<hbm>>) target(%arg9 : memref<128x32xf32, #tpu.memory_space<vmem>>) offsets(%dma_start3A_17 : memref<128xi32, #tpu.memory_space<vmem>>) semaphore(%arg17 : memref<!tpu.dma_semaphore, #tpu.memory_space<semaphore_mem>>)
    %dma_start3A_21 = arith.constant 2 : i32
    %dma_start3A_22 = arith.constant 0 : i32
    %dma_start3A_23 = tpu.memref_slice %arg6[%dma_start3A_21, %dma_start3A_22] : memref<80x128xi32, #tpu.memory_space<vmem>> -> memref<1x128xi32, #tpu.memory_space<vmem>>
    %dma_start3A_24 = tpu.memref_squeeze %dma_start3A_23 : memref<1x128xi32, #tpu.memory_space<vmem>> -> memref<128xi32, #tpu.memory_space<vmem>>
    %dma_start3A_25 = arith.constant 0 : i32
    %dma_start3A_26 = arith.constant 0 : i32
    %dma_start3A_27 = tpu.memref_slice %arg2[%dma_start3A_25, %dma_start3A_26] : memref<10240x32xf32, #tpu.memory_space<hbm>> -> memref<10240x32xf32, #tpu.memory_space<hbm>>
    tpu.enqueue_indirect_dma source(%dma_start3A_27 : memref<10240x32xf32, #tpu.memory_space<hbm>>) target(%arg10 : memref<128x32xf32, #tpu.memory_space<vmem>>) offsets(%dma_start3A_24 : memref<128xi32, #tpu.memory_space<vmem>>) semaphore(%arg18 : memref<!tpu.dma_semaphore, #tpu.memory_space<semaphore_mem>>)
    %dma_start3A_28 = arith.constant 3 : i32
    %dma_start3A_29 = arith.constant 0 : i32
    %dma_start3A_30 = tpu.memref_slice %arg6[%dma_start3A_28, %dma_start3A_29] : memref<80x128xi32, #tpu.memory_space<vmem>> -> memref<1x128xi32, #tpu.memory_space<vmem>>
    %dma_start3A_31 = tpu.memref_squeeze %dma_start3A_30 : memref<1x128xi32, #tpu.memory_space<vmem>> -> memref<128xi32, #tpu.memory_space<vmem>>
    %dma_start3A_32 = arith.constant 0 : i32
    %dma_start3A_33 = arith.constant 0 : i32
    %dma_start3A_34 = tpu.memref_slice %arg2[%dma_start3A_32, %dma_start3A_33] : memref<10240x32xf32, #tpu.memory_space<hbm>> -> memref<10240x32xf32, #tpu.memory_space<hbm>>
    tpu.enqueue_indirect_dma source(%dma_start3A_34 : memref<10240x32xf32, #tpu.memory_space<hbm>>) target(%arg11 : memref<128x32xf32, #tpu.memory_space<vmem>>) offsets(%dma_start3A_31 : memref<128xi32, #tpu.memory_space<vmem>>) semaphore(%arg19 : memref<!tpu.dma_semaphore, #tpu.memory_space<semaphore_mem>>)
    %dma_start3A_35 = arith.constant 4 : i32
    %dma_start3A_36 = arith.constant 0 : i32
    %dma_start3A_37 = tpu.memref_slice %arg6[%dma_start3A_35, %dma_start3A_36] : memref<80x128xi32, #tpu.memory_space<vmem>> -> memref<1x128xi32, #tpu.memory_space<vmem>>
    %dma_start3A_38 = tpu.memref_squeeze %dma_start3A_37 : memref<1x128xi32, #tpu.memory_space<vmem>> -> memref<128xi32, #tpu.memory_space<vmem>>
    %dma_start3A_39 = arith.constant 0 : i32
    %dma_start3A_40 = arith.constant 0 : i32
    %dma_start3A_41 = tpu.memref_slice %arg2[%dma_start3A_39, %dma_start3A_40] : memref<10240x32xf32, #tpu.memory_space<hbm>> -> memref<10240x32xf32, #tpu.memory_space<hbm>>
    tpu.enqueue_indirect_dma source(%dma_start3A_41 : memref<10240x32xf32, #tpu.memory_space<hbm>>) target(%arg12 : memref<128x32xf32, #tpu.memory_space<vmem>>) offsets(%dma_start3A_38 : memref<128xi32, #tpu.memory_space<vmem>>) semaphore(%arg20 : memref<!tpu.dma_semaphore, #tpu.memory_space<semaphore_mem>>)
    %dma_start3A_42 = arith.constant 5 : i32
    %dma_start3A_43 = arith.constant 0 : i32
    %dma_start3A_44 = tpu.memref_slice %arg6[%dma_start3A_42, %dma_start3A_43] : memref<80x128xi32, #tpu.memory_space<vmem>> -> memref<1x128xi32, #tpu.memory_space<vmem>>
    %dma_start3A_45 = tpu.memref_squeeze %dma_start3A_44 : memref<1x128xi32, #tpu.memory_space<vmem>> -> memref<128xi32, #tpu.memory_space<vmem>>
    %dma_start3A_46 = arith.constant 0 : i32
    %dma_start3A_47 = arith.constant 0 : i32
    %dma_start3A_48 = tpu.memref_slice %arg2[%dma_start3A_46, %dma_start3A_47] : memref<10240x32xf32, #tpu.memory_space<hbm>> -> memref<10240x32xf32, #tpu.memory_space<hbm>>
    tpu.enqueue_indirect_dma source(%dma_start3A_48 : memref<10240x32xf32, #tpu.memory_space<hbm>>) target(%arg13 : memref<128x32xf32, #tpu.memory_space<vmem>>) offsets(%dma_start3A_45 : memref<128xi32, #tpu.memory_space<vmem>>) semaphore(%arg21 : memref<!tpu.dma_semaphore, #tpu.memory_space<semaphore_mem>>)
    %dma_start3A_49 = arith.constant 6 : i32
    %dma_start3A_50 = arith.constant 0 : i32
    %dma_start3A_51 = tpu.memref_slice %arg6[%dma_start3A_49, %dma_start3A_50] : memref<80x128xi32, #tpu.memory_space<vmem>> -> memref<1x128xi32, #tpu.memory_space<vmem>>
    %dma_start3A_52 = tpu.memref_squeeze %dma_start3A_51 : memref<1x128xi32, #tpu.memory_space<vmem>> -> memref<128xi32, #tpu.memory_space<vmem>>
    %dma_start3A_53 = arith.constant 0 : i32
    %dma_start3A_54 = arith.constant 0 : i32
    %dma_start3A_55 = tpu.memref_slice %arg2[%dma_start3A_53, %dma_start3A_54] : memref<10240x32xf32, #tpu.memory_space<hbm>> -> memref<10240x32xf32, #tpu.memory_space<hbm>>
    tpu.enqueue_indirect_dma source(%dma_start3A_55 : memref<10240x32xf32, #tpu.memory_space<hbm>>) target(%arg14 : memref<128x32xf32, #tpu.memory_space<vmem>>) offsets(%dma_start3A_52 : memref<128xi32, #tpu.memory_space<vmem>>) semaphore(%arg22 : memref<!tpu.dma_semaphore, #tpu.memory_space<semaphore_mem>>)
    %scan3A = arith.constant 0 : i32
    %scan3A_56 = arith.constant 0 : i32
    %scan3A_57 = arith.constant 10 : i32
    %scan3A_58 = arith.addi %scan3A_56, %scan3A_57 : i32
    %scan3A_59 = arith.constant 1 : i32
    scf.for %scan3A_66 = %scan3A_56 to %scan3A_58 step %scan3A_59  : i32 {
      %mul3A_67 = arith.constant 8 : i32
      %mul3A_68 = arith.muli %mul3A_67, %scan3A_66 : i32
      %add3A_69 = arith.constant 0 : i32
      %add3A_70 = arith.addi %mul3A_68, %add3A_69 : i32
      %add3A_71 = arith.constant 8 : i32
      %add3A_72 = arith.addi %add3A_70, %add3A_71 : i32
      %sub3A = arith.constant 1 : i32
      %sub3A_73 = arith.subi %add3A_72, %sub3A : i32
      %lt3A = arith.constant 80 : i32
      %lt3A_74 = arith.cmpi slt, %sub3A_73, %lt3A : i32
      %convert_element_type3A = arith.extui %lt3A_74 : i1 to i32
      %cond3A = arith.constant 0 : i32
      %cond3A_75 = arith.cmpi ne, %convert_element_type3A, %cond3A : i32
      scf.if %cond3A_75 {
        %dma_start3A_214 = arith.constant 0 : i32
        %dma_start3A_215 = tpu.memref_slice %arg6[%sub3A_73, %dma_start3A_214] : memref<80x128xi32, #tpu.memory_space<vmem>> -> memref<1x128xi32, #tpu.memory_space<vmem>>
        %dma_start3A_216 = tpu.memref_squeeze %dma_start3A_215 : memref<1x128xi32, #tpu.memory_space<vmem>> -> memref<128xi32, #tpu.memory_space<vmem>>
        %dma_start3A_217 = arith.constant 0 : i32
        %dma_start3A_218 = arith.constant 0 : i32
        %dma_start3A_219 = tpu.memref_slice %arg2[%dma_start3A_217, %dma_start3A_218] : memref<10240x32xf32, #tpu.memory_space<hbm>> -> memref<10240x32xf32, #tpu.memory_space<hbm>>
        tpu.enqueue_indirect_dma source(%dma_start3A_219 : memref<10240x32xf32, #tpu.memory_space<hbm>>) target(%arg15 : memref<128x32xf32, #tpu.memory_space<vmem>>) offsets(%dma_start3A_216 : memref<128xi32, #tpu.memory_space<vmem>>) semaphore(%arg23 : memref<!tpu.dma_semaphore, #tpu.memory_space<semaphore_mem>>)
      } else {
      }
      %dma_wait3A = arith.constant 0 : i32
      %dma_wait3A_76 = tpu.memref_slice %arg6[%add3A_70, %dma_wait3A] : memref<80x128xi32, #tpu.memory_space<vmem>> -> memref<1x128xi32, #tpu.memory_space<vmem>>
      %dma_wait3A_77 = tpu.memref_squeeze %dma_wait3A_76 : memref<1x128xi32, #tpu.memory_space<vmem>> -> memref<128xi32, #tpu.memory_space<vmem>>
      %dma_wait3A_78 = arith.constant 0 : i32
      %dma_wait3A_79 = arith.constant 0 : i32
      %dma_wait3A_80 = tpu.memref_slice %arg2[%dma_wait3A_78, %dma_wait3A_79] : memref<10240x32xf32, #tpu.memory_space<hbm>> -> memref<10240x32xf32, #tpu.memory_space<hbm>>
      tpu.wait_indirect_dma semaphore(%arg16 : memref<!tpu.dma_semaphore, #tpu.memory_space<semaphore_mem>>) src(%dma_wait3A_80 : memref<10240x32xf32, #tpu.memory_space<hbm>>) dst(%arg8 : memref<128x32xf32, #tpu.memory_space<vmem>>)
      "tpu.region"() ({
        %run_scoped3A_214 = tpu.sem_alloc : memref<!tpu.dma_semaphore, #tpu.memory_space<semaphore_mem>>
        %dma_start3A_215 = arith.constant 0 : i32
        %dma_start3A_216 = tpu.memref_slice %arg7[%add3A_70, %dma_start3A_215] : memref<80x128xi32, #tpu.memory_space<vmem>> -> memref<1x128xi32, #tpu.memory_space<vmem>>
        %dma_start3A_217 = tpu.memref_squeeze %dma_start3A_216 : memref<1x128xi32, #tpu.memory_space<vmem>> -> memref<128xi32, #tpu.memory_space<vmem>>
        %dma_start3A_218 = arith.constant 0 : i32
        %dma_start3A_219 = arith.constant 0 : i32
        %dma_start3A_220 = tpu.memref_slice %arg24[%dma_start3A_218, %dma_start3A_219] : memref<10240x32xf32, #tpu.memory_space<vmem_shared>> -> memref<10240x32xf32, #tpu.memory_space<vmem_shared>>
        tpu.enqueue_indirect_dma source(%arg8 : memref<128x32xf32, #tpu.memory_space<vmem>>) target(%dma_start3A_220 : memref<10240x32xf32, #tpu.memory_space<vmem_shared>>) offsets(%dma_start3A_217 : memref<128xi32, #tpu.memory_space<vmem>>) semaphore(%run_scoped3A_214 : memref<!tpu.dma_semaphore, #tpu.memory_space<semaphore_mem>>) {add = true}
        %dma_wait3A_221 = arith.constant 0 : i32
        %dma_wait3A_222 = tpu.memref_slice %arg7[%add3A_70, %dma_wait3A_221] : memref<80x128xi32, #tpu.memory_space<vmem>> -> memref<1x128xi32, #tpu.memory_space<vmem>>
        %dma_wait3A_223 = tpu.memref_squeeze %dma_wait3A_222 : memref<1x128xi32, #tpu.memory_space<vmem>> -> memref<128xi32, #tpu.memory_space<vmem>>
        %dma_wait3A_224 = arith.constant 0 : i32
        %dma_wait3A_225 = arith.constant 0 : i32
        %dma_wait3A_226 = tpu.memref_slice %arg24[%dma_wait3A_224, %dma_wait3A_225] : memref<10240x32xf32, #tpu.memory_space<vmem_shared>> -> memref<10240x32xf32, #tpu.memory_space<vmem_shared>>
        tpu.wait_indirect_dma semaphore(%run_scoped3A_214 : memref<!tpu.dma_semaphore, #tpu.memory_space<semaphore_mem>>) src(%arg8 : memref<128x32xf32, #tpu.memory_space<vmem>>) dst(%dma_wait3A_226 : memref<10240x32xf32, #tpu.memory_space<vmem_shared>>)
        tpu.yield
      }) : () -> ()
      %mul3A_81 = arith.constant 8 : i32
      %mul3A_82 = arith.muli %mul3A_81, %scan3A_66 : i32
      %add3A_83 = arith.constant 1 : i32
      %add3A_84 = arith.addi %mul3A_82, %add3A_83 : i32
      %add3A_85 = arith.constant 8 : i32
      %add3A_86 = arith.addi %add3A_84, %add3A_85 : i32
      %sub3A_87 = arith.constant 1 : i32
      %sub3A_88 = arith.subi %add3A_86, %sub3A_87 : i32
      %lt3A_89 = arith.constant 80 : i32
      %lt3A_90 = arith.cmpi slt, %sub3A_88, %lt3A_89 : i32
      %convert_element_type3A_91 = arith.extui %lt3A_90 : i1 to i32
      %cond3A_92 = arith.constant 0 : i32
      %cond3A_93 = arith.cmpi ne, %convert_element_type3A_91, %cond3A_92 : i32
      scf.if %cond3A_93 {
        %dma_start3A_214 = arith.constant 0 : i32
        %dma_start3A_215 = tpu.memref_slice %arg6[%sub3A_88, %dma_start3A_214] : memref<80x128xi32, #tpu.memory_space<vmem>> -> memref<1x128xi32, #tpu.memory_space<vmem>>
        %dma_start3A_216 = tpu.memref_squeeze %dma_start3A_215 : memref<1x128xi32, #tpu.memory_space<vmem>> -> memref<128xi32, #tpu.memory_space<vmem>>
        %dma_start3A_217 = arith.constant 0 : i32
        %dma_start3A_218 = arith.constant 0 : i32
        %dma_start3A_219 = tpu.memref_slice %arg2[%dma_start3A_217, %dma_start3A_218] : memref<10240x32xf32, #tpu.memory_space<hbm>> -> memref<10240x32xf32, #tpu.memory_space<hbm>>
        tpu.enqueue_indirect_dma source(%dma_start3A_219 : memref<10240x32xf32, #tpu.memory_space<hbm>>) target(%arg8 : memref<128x32xf32, #tpu.memory_space<vmem>>) offsets(%dma_start3A_216 : memref<128xi32, #tpu.memory_space<vmem>>) semaphore(%arg16 : memref<!tpu.dma_semaphore, #tpu.memory_space<semaphore_mem>>)
      } else {
      }
      %dma_wait3A_94 = arith.constant 0 : i32
      %dma_wait3A_95 = tpu.memref_slice %arg6[%add3A_84, %dma_wait3A_94] : memref<80x128xi32, #tpu.memory_space<vmem>> -> memref<1x128xi32, #tpu.memory_space<vmem>>
      %dma_wait3A_96 = tpu.memref_squeeze %dma_wait3A_95 : memref<1x128xi32, #tpu.memory_space<vmem>> -> memref<128xi32, #tpu.memory_space<vmem>>
      %dma_wait3A_97 = arith.constant 0 : i32
      %dma_wait3A_98 = arith.constant 0 : i32
      %dma_wait3A_99 = tpu.memref_slice %arg2[%dma_wait3A_97, %dma_wait3A_98] : memref<10240x32xf32, #tpu.memory_space<hbm>> -> memref<10240x32xf32, #tpu.memory_space<hbm>>
      tpu.wait_indirect_dma semaphore(%arg17 : memref<!tpu.dma_semaphore, #tpu.memory_space<semaphore_mem>>) src(%dma_wait3A_99 : memref<10240x32xf32, #tpu.memory_space<hbm>>) dst(%arg9 : memref<128x32xf32, #tpu.memory_space<vmem>>)
      "tpu.region"() ({
        %run_scoped3A_214 = tpu.sem_alloc : memref<!tpu.dma_semaphore, #tpu.memory_space<semaphore_mem>>
        %dma_start3A_215 = arith.constant 0 : i32
        %dma_start3A_216 = tpu.memref_slice %arg7[%add3A_84, %dma_start3A_215] : memref<80x128xi32, #tpu.memory_space<vmem>> -> memref<1x128xi32, #tpu.memory_space<vmem>>
        %dma_start3A_217 = tpu.memref_squeeze %dma_start3A_216 : memref<1x128xi32, #tpu.memory_space<vmem>> -> memref<128xi32, #tpu.memory_space<vmem>>
        %dma_start3A_218 = arith.constant 0 : i32
        %dma_start3A_219 = arith.constant 0 : i32
        %dma_start3A_220 = tpu.memref_slice %arg24[%dma_start3A_218, %dma_start3A_219] : memref<10240x32xf32, #tpu.memory_space<vmem_shared>> -> memref<10240x32xf32, #tpu.memory_space<vmem_shared>>
        tpu.enqueue_indirect_dma source(%arg9 : memref<128x32xf32, #tpu.memory_space<vmem>>) target(%dma_start3A_220 : memref<10240x32xf32, #tpu.memory_space<vmem_shared>>) offsets(%dma_start3A_217 : memref<128xi32, #tpu.memory_space<vmem>>) semaphore(%run_scoped3A_214 : memref<!tpu.dma_semaphore, #tpu.memory_space<semaphore_mem>>) {add = true}
        %dma_wait3A_221 = arith.constant 0 : i32
        %dma_wait3A_222 = tpu.memref_slice %arg7[%add3A_84, %dma_wait3A_221] : memref<80x128xi32, #tpu.memory_space<vmem>> -> memref<1x128xi32, #tpu.memory_space<vmem>>
        %dma_wait3A_223 = tpu.memref_squeeze %dma_wait3A_222 : memref<1x128xi32, #tpu.memory_space<vmem>> -> memref<128xi32, #tpu.memory_space<vmem>>
        %dma_wait3A_224 = arith.constant 0 : i32
        %dma_wait3A_225 = arith.constant 0 : i32
        %dma_wait3A_226 = tpu.memref_slice %arg24[%dma_wait3A_224, %dma_wait3A_225] : memref<10240x32xf32, #tpu.memory_space<vmem_shared>> -> memref<10240x32xf32, #tpu.memory_space<vmem_shared>>
        tpu.wait_indirect_dma semaphore(%run_scoped3A_214 : memref<!tpu.dma_semaphore, #tpu.memory_space<semaphore_mem>>) src(%arg9 : memref<128x32xf32, #tpu.memory_space<vmem>>) dst(%dma_wait3A_226 : memref<10240x32xf32, #tpu.memory_space<vmem_shared>>)
        tpu.yield
      }) : () -> ()
      %mul3A_100 = arith.constant 8 : i32
      %mul3A_101 = arith.muli %mul3A_100, %scan3A_66 : i32
      %add3A_102 = arith.constant 2 : i32
      %add3A_103 = arith.addi %mul3A_101, %add3A_102 : i32
      %add3A_104 = arith.constant 8 : i32
      %add3A_105 = arith.addi %add3A_103, %add3A_104 : i32
      %sub3A_106 = arith.constant 1 : i32
      %sub3A_107 = arith.subi %add3A_105, %sub3A_106 : i32
      %lt3A_108 = arith.constant 80 : i32
      %lt3A_109 = arith.cmpi slt, %sub3A_107, %lt3A_108 : i32
      %convert_element_type3A_110 = arith.extui %lt3A_109 : i1 to i32
      %cond3A_111 = arith.constant 0 : i32
      %cond3A_112 = arith.cmpi ne, %convert_element_type3A_110, %cond3A_111 : i32
      scf.if %cond3A_112 {
        %dma_start3A_214 = arith.constant 0 : i32
        %dma_start3A_215 = tpu.memref_slice %arg6[%sub3A_107, %dma_start3A_214] : memref<80x128xi32, #tpu.memory_space<vmem>> -> memref<1x128xi32, #tpu.memory_space<vmem>>
        %dma_start3A_216 = tpu.memref_squeeze %dma_start3A_215 : memref<1x128xi32, #tpu.memory_space<vmem>> -> memref<128xi32, #tpu.memory_space<vmem>>
        %dma_start3A_217 = arith.constant 0 : i32
        %dma_start3A_218 = arith.constant 0 : i32
        %dma_start3A_219 = tpu.memref_slice %arg2[%dma_start3A_217, %dma_start3A_218] : memref<10240x32xf32, #tpu.memory_space<hbm>> -> memref<10240x32xf32, #tpu.memory_space<hbm>>
        tpu.enqueue_indirect_dma source(%dma_start3A_219 : memref<10240x32xf32, #tpu.memory_space<hbm>>) target(%arg9 : memref<128x32xf32, #tpu.memory_space<vmem>>) offsets(%dma_start3A_216 : memref<128xi32, #tpu.memory_space<vmem>>) semaphore(%arg17 : memref<!tpu.dma_semaphore, #tpu.memory_space<semaphore_mem>>)
      } else {
      }
      %dma_wait3A_113 = arith.constant 0 : i32
      %dma_wait3A_114 = tpu.memref_slice %arg6[%add3A_103, %dma_wait3A_113] : memref<80x128xi32, #tpu.memory_space<vmem>> -> memref<1x128xi32, #tpu.memory_space<vmem>>
      %dma_wait3A_115 = tpu.memref_squeeze %dma_wait3A_114 : memref<1x128xi32, #tpu.memory_space<vmem>> -> memref<128xi32, #tpu.memory_space<vmem>>
      %dma_wait3A_116 = arith.constant 0 : i32
      %dma_wait3A_117 = arith.constant 0 : i32
      %dma_wait3A_118 = tpu.memref_slice %arg2[%dma_wait3A_116, %dma_wait3A_117] : memref<10240x32xf32, #tpu.memory_space<hbm>> -> memref<10240x32xf32, #tpu.memory_space<hbm>>
      tpu.wait_indirect_dma semaphore(%arg18 : memref<!tpu.dma_semaphore, #tpu.memory_space<semaphore_mem>>) src(%dma_wait3A_118 : memref<10240x32xf32, #tpu.memory_space<hbm>>) dst(%arg10 : memref<128x32xf32, #tpu.memory_space<vmem>>)
      "tpu.region"() ({
        %run_scoped3A_214 = tpu.sem_alloc : memref<!tpu.dma_semaphore, #tpu.memory_space<semaphore_mem>>
        %dma_start3A_215 = arith.constant 0 : i32
        %dma_start3A_216 = tpu.memref_slice %arg7[%add3A_103, %dma_start3A_215] : memref<80x128xi32, #tpu.memory_space<vmem>> -> memref<1x128xi32, #tpu.memory_space<vmem>>
        %dma_start3A_217 = tpu.memref_squeeze %dma_start3A_216 : memref<1x128xi32, #tpu.memory_space<vmem>> -> memref<128xi32, #tpu.memory_space<vmem>>
        %dma_start3A_218 = arith.constant 0 : i32
        %dma_start3A_219 = arith.constant 0 : i32
        %dma_start3A_220 = tpu.memref_slice %arg24[%dma_start3A_218, %dma_start3A_219] : memref<10240x32xf32, #tpu.memory_space<vmem_shared>> -> memref<10240x32xf32, #tpu.memory_space<vmem_shared>>
        tpu.enqueue_indirect_dma source(%arg10 : memref<128x32xf32, #tpu.memory_space<vmem>>) target(%dma_start3A_220 : memref<10240x32xf32, #tpu.memory_space<vmem_shared>>) offsets(%dma_start3A_217 : memref<128xi32, #tpu.memory_space<vmem>>) semaphore(%run_scoped3A_214 : memref<!tpu.dma_semaphore, #tpu.memory_space<semaphore_mem>>) {add = true}
        %dma_wait3A_221 = arith.constant 0 : i32
        %dma_wait3A_222 = tpu.memref_slice %arg7[%add3A_103, %dma_wait3A_221] : memref<80x128xi32, #tpu.memory_space<vmem>> -> memref<1x128xi32, #tpu.memory_space<vmem>>
        %dma_wait3A_223 = tpu.memref_squeeze %dma_wait3A_222 : memref<1x128xi32, #tpu.memory_space<vmem>> -> memref<128xi32, #tpu.memory_space<vmem>>
        %dma_wait3A_224 = arith.constant 0 : i32
        %dma_wait3A_225 = arith.constant 0 : i32
        %dma_wait3A_226 = tpu.memref_slice %arg24[%dma_wait3A_224, %dma_wait3A_225] : memref<10240x32xf32, #tpu.memory_space<vmem_shared>> -> memref<10240x32xf32, #tpu.memory_space<vmem_shared>>
        tpu.wait_indirect_dma semaphore(%run_scoped3A_214 : memref<!tpu.dma_semaphore, #tpu.memory_space<semaphore_mem>>) src(%arg10 : memref<128x32xf32, #tpu.memory_space<vmem>>) dst(%dma_wait3A_226 : memref<10240x32xf32, #tpu.memory_space<vmem_shared>>)
        tpu.yield
      }) : () -> ()
      %mul3A_119 = arith.constant 8 : i32
      %mul3A_120 = arith.muli %mul3A_119, %scan3A_66 : i32
      %add3A_121 = arith.constant 3 : i32
      %add3A_122 = arith.addi %mul3A_120, %add3A_121 : i32
      %add3A_123 = arith.constant 8 : i32
      %add3A_124 = arith.addi %add3A_122, %add3A_123 : i32
      %sub3A_125 = arith.constant 1 : i32
      %sub3A_126 = arith.subi %add3A_124, %sub3A_125 : i32
      %lt3A_127 = arith.constant 80 : i32
      %lt3A_128 = arith.cmpi slt, %sub3A_126, %lt3A_127 : i32
      %convert_element_type3A_129 = arith.extui %lt3A_128 : i1 to i32
      %cond3A_130 = arith.constant 0 : i32
      %cond3A_131 = arith.cmpi ne, %convert_element_type3A_129, %cond3A_130 : i32
      scf.if %cond3A_131 {
        %dma_start3A_214 = arith.constant 0 : i32
        %dma_start3A_215 = tpu.memref_slice %arg6[%sub3A_126, %dma_start3A_214] : memref<80x128xi32, #tpu.memory_space<vmem>> -> memref<1x128xi32, #tpu.memory_space<vmem>>
        %dma_start3A_216 = tpu.memref_squeeze %dma_start3A_215 : memref<1x128xi32, #tpu.memory_space<vmem>> -> memref<128xi32, #tpu.memory_space<vmem>>
        %dma_start3A_217 = arith.constant 0 : i32
        %dma_start3A_218 = arith.constant 0 : i32
        %dma_start3A_219 = tpu.memref_slice %arg2[%dma_start3A_217, %dma_start3A_218] : memref<10240x32xf32, #tpu.memory_space<hbm>> -> memref<10240x32xf32, #tpu.memory_space<hbm>>
        tpu.enqueue_indirect_dma source(%dma_start3A_219 : memref<10240x32xf32, #tpu.memory_space<hbm>>) target(%arg10 : memref<128x32xf32, #tpu.memory_space<vmem>>) offsets(%dma_start3A_216 : memref<128xi32, #tpu.memory_space<vmem>>) semaphore(%arg18 : memref<!tpu.dma_semaphore, #tpu.memory_space<semaphore_mem>>)
      } else {
      }
      %dma_wait3A_132 = arith.constant 0 : i32
      %dma_wait3A_133 = tpu.memref_slice %arg6[%add3A_122, %dma_wait3A_132] : memref<80x128xi32, #tpu.memory_space<vmem>> -> memref<1x128xi32, #tpu.memory_space<vmem>>
      %dma_wait3A_134 = tpu.memref_squeeze %dma_wait3A_133 : memref<1x128xi32, #tpu.memory_space<vmem>> -> memref<128xi32, #tpu.memory_space<vmem>>
      %dma_wait3A_135 = arith.constant 0 : i32
      %dma_wait3A_136 = arith.constant 0 : i32
      %dma_wait3A_137 = tpu.memref_slice %arg2[%dma_wait3A_135, %dma_wait3A_136] : memref<10240x32xf32, #tpu.memory_space<hbm>> -> memref<10240x32xf32, #tpu.memory_space<hbm>>
      tpu.wait_indirect_dma semaphore(%arg19 : memref<!tpu.dma_semaphore, #tpu.memory_space<semaphore_mem>>) src(%dma_wait3A_137 : memref<10240x32xf32, #tpu.memory_space<hbm>>) dst(%arg11 : memref<128x32xf32, #tpu.memory_space<vmem>>)
      "tpu.region"() ({
        %run_scoped3A_214 = tpu.sem_alloc : memref<!tpu.dma_semaphore, #tpu.memory_space<semaphore_mem>>
        %dma_start3A_215 = arith.constant 0 : i32
        %dma_start3A_216 = tpu.memref_slice %arg7[%add3A_122, %dma_start3A_215] : memref<80x128xi32, #tpu.memory_space<vmem>> -> memref<1x128xi32, #tpu.memory_space<vmem>>
        %dma_start3A_217 = tpu.memref_squeeze %dma_start3A_216 : memref<1x128xi32, #tpu.memory_space<vmem>> -> memref<128xi32, #tpu.memory_space<vmem>>
        %dma_start3A_218 = arith.constant 0 : i32
        %dma_start3A_219 = arith.constant 0 : i32
        %dma_start3A_220 = tpu.memref_slice %arg24[%dma_start3A_218, %dma_start3A_219] : memref<10240x32xf32, #tpu.memory_space<vmem_shared>> -> memref<10240x32xf32, #tpu.memory_space<vmem_shared>>
        tpu.enqueue_indirect_dma source(%arg11 : memref<128x32xf32, #tpu.memory_space<vmem>>) target(%dma_start3A_220 : memref<10240x32xf32, #tpu.memory_space<vmem_shared>>) offsets(%dma_start3A_217 : memref<128xi32, #tpu.memory_space<vmem>>) semaphore(%run_scoped3A_214 : memref<!tpu.dma_semaphore, #tpu.memory_space<semaphore_mem>>) {add = true}
        %dma_wait3A_221 = arith.constant 0 : i32
        %dma_wait3A_222 = tpu.memref_slice %arg7[%add3A_122, %dma_wait3A_221] : memref<80x128xi32, #tpu.memory_space<vmem>> -> memref<1x128xi32, #tpu.memory_space<vmem>>
        %dma_wait3A_223 = tpu.memref_squeeze %dma_wait3A_222 : memref<1x128xi32, #tpu.memory_space<vmem>> -> memref<128xi32, #tpu.memory_space<vmem>>
        %dma_wait3A_224 = arith.constant 0 : i32
        %dma_wait3A_225 = arith.constant 0 : i32
        %dma_wait3A_226 = tpu.memref_slice %arg24[%dma_wait3A_224, %dma_wait3A_225] : memref<10240x32xf32, #tpu.memory_space<vmem_shared>> -> memref<10240x32xf32, #tpu.memory_space<vmem_shared>>
        tpu.wait_indirect_dma semaphore(%run_scoped3A_214 : memref<!tpu.dma_semaphore, #tpu.memory_space<semaphore_mem>>) src(%arg11 : memref<128x32xf32, #tpu.memory_space<vmem>>) dst(%dma_wait3A_226 : memref<10240x32xf32, #tpu.memory_space<vmem_shared>>)
        tpu.yield
      }) : () -> ()
      %mul3A_138 = arith.constant 8 : i32
      %mul3A_139 = arith.muli %mul3A_138, %scan3A_66 : i32
      %add3A_140 = arith.constant 4 : i32
      %add3A_141 = arith.addi %mul3A_139, %add3A_140 : i32
      %add3A_142 = arith.constant 8 : i32
      %add3A_143 = arith.addi %add3A_141, %add3A_142 : i32
      %sub3A_144 = arith.constant 1 : i32
      %sub3A_145 = arith.subi %add3A_143, %sub3A_144 : i32
      %lt3A_146 = arith.constant 80 : i32
      %lt3A_147 = arith.cmpi slt, %sub3A_145, %lt3A_146 : i32
      %convert_element_type3A_148 = arith.extui %lt3A_147 : i1 to i32
      %cond3A_149 = arith.constant 0 : i32
      %cond3A_150 = arith.cmpi ne, %convert_element_type3A_148, %cond3A_149 : i32
      scf.if %cond3A_150 {
        %dma_start3A_214 = arith.constant 0 : i32
        %dma_start3A_215 = tpu.memref_slice %arg6[%sub3A_145, %dma_start3A_214] : memref<80x128xi32, #tpu.memory_space<vmem>> -> memref<1x128xi32, #tpu.memory_space<vmem>>
        %dma_start3A_216 = tpu.memref_squeeze %dma_start3A_215 : memref<1x128xi32, #tpu.memory_space<vmem>> -> memref<128xi32, #tpu.memory_space<vmem>>
        %dma_start3A_217 = arith.constant 0 : i32
        %dma_start3A_218 = arith.constant 0 : i32
        %dma_start3A_219 = tpu.memref_slice %arg2[%dma_start3A_217, %dma_start3A_218] : memref<10240x32xf32, #tpu.memory_space<hbm>> -> memref<10240x32xf32, #tpu.memory_space<hbm>>
        tpu.enqueue_indirect_dma source(%dma_start3A_219 : memref<10240x32xf32, #tpu.memory_space<hbm>>) target(%arg11 : memref<128x32xf32, #tpu.memory_space<vmem>>) offsets(%dma_start3A_216 : memref<128xi32, #tpu.memory_space<vmem>>) semaphore(%arg19 : memref<!tpu.dma_semaphore, #tpu.memory_space<semaphore_mem>>)
      } else {
      }
      %dma_wait3A_151 = arith.constant 0 : i32
      %dma_wait3A_152 = tpu.memref_slice %arg6[%add3A_141, %dma_wait3A_151] : memref<80x128xi32, #tpu.memory_space<vmem>> -> memref<1x128xi32, #tpu.memory_space<vmem>>
      %dma_wait3A_153 = tpu.memref_squeeze %dma_wait3A_152 : memref<1x128xi32, #tpu.memory_space<vmem>> -> memref<128xi32, #tpu.memory_space<vmem>>
      %dma_wait3A_154 = arith.constant 0 : i32
      %dma_wait3A_155 = arith.constant 0 : i32
      %dma_wait3A_156 = tpu.memref_slice %arg2[%dma_wait3A_154, %dma_wait3A_155] : memref<10240x32xf32, #tpu.memory_space<hbm>> -> memref<10240x32xf32, #tpu.memory_space<hbm>>
      tpu.wait_indirect_dma semaphore(%arg20 : memref<!tpu.dma_semaphore, #tpu.memory_space<semaphore_mem>>) src(%dma_wait3A_156 : memref<10240x32xf32, #tpu.memory_space<hbm>>) dst(%arg12 : memref<128x32xf32, #tpu.memory_space<vmem>>)
      "tpu.region"() ({
        %run_scoped3A_214 = tpu.sem_alloc : memref<!tpu.dma_semaphore, #tpu.memory_space<semaphore_mem>>
        %dma_start3A_215 = arith.constant 0 : i32
        %dma_start3A_216 = tpu.memref_slice %arg7[%add3A_141, %dma_start3A_215] : memref<80x128xi32, #tpu.memory_space<vmem>> -> memref<1x128xi32, #tpu.memory_space<vmem>>
        %dma_start3A_217 = tpu.memref_squeeze %dma_start3A_216 : memref<1x128xi32, #tpu.memory_space<vmem>> -> memref<128xi32, #tpu.memory_space<vmem>>
        %dma_start3A_218 = arith.constant 0 : i32
        %dma_start3A_219 = arith.constant 0 : i32
        %dma_start3A_220 = tpu.memref_slice %arg24[%dma_start3A_218, %dma_start3A_219] : memref<10240x32xf32, #tpu.memory_space<vmem_shared>> -> memref<10240x32xf32, #tpu.memory_space<vmem_shared>>
        tpu.enqueue_indirect_dma source(%arg12 : memref<128x32xf32, #tpu.memory_space<vmem>>) target(%dma_start3A_220 : memref<10240x32xf32, #tpu.memory_space<vmem_shared>>) offsets(%dma_start3A_217 : memref<128xi32, #tpu.memory_space<vmem>>) semaphore(%run_scoped3A_214 : memref<!tpu.dma_semaphore, #tpu.memory_space<semaphore_mem>>) {add = true}
        %dma_wait3A_221 = arith.constant 0 : i32
        %dma_wait3A_222 = tpu.memref_slice %arg7[%add3A_141, %dma_wait3A_221] : memref<80x128xi32, #tpu.memory_space<vmem>> -> memref<1x128xi32, #tpu.memory_space<vmem>>
        %dma_wait3A_223 = tpu.memref_squeeze %dma_wait3A_222 : memref<1x128xi32, #tpu.memory_space<vmem>> -> memref<128xi32, #tpu.memory_space<vmem>>
        %dma_wait3A_224 = arith.constant 0 : i32
        %dma_wait3A_225 = arith.constant 0 : i32
        %dma_wait3A_226 = tpu.memref_slice %arg24[%dma_wait3A_224, %dma_wait3A_225] : memref<10240x32xf32, #tpu.memory_space<vmem_shared>> -> memref<10240x32xf32, #tpu.memory_space<vmem_shared>>
        tpu.wait_indirect_dma semaphore(%run_scoped3A_214 : memref<!tpu.dma_semaphore, #tpu.memory_space<semaphore_mem>>) src(%arg12 : memref<128x32xf32, #tpu.memory_space<vmem>>) dst(%dma_wait3A_226 : memref<10240x32xf32, #tpu.memory_space<vmem_shared>>)
        tpu.yield
      }) : () -> ()
      %mul3A_157 = arith.constant 8 : i32
      %mul3A_158 = arith.muli %mul3A_157, %scan3A_66 : i32
      %add3A_159 = arith.constant 5 : i32
      %add3A_160 = arith.addi %mul3A_158, %add3A_159 : i32
      %add3A_161 = arith.constant 8 : i32
      %add3A_162 = arith.addi %add3A_160, %add3A_161 : i32
      %sub3A_163 = arith.constant 1 : i32
      %sub3A_164 = arith.subi %add3A_162, %sub3A_163 : i32
      %lt3A_165 = arith.constant 80 : i32
      %lt3A_166 = arith.cmpi slt, %sub3A_164, %lt3A_165 : i32
      %convert_element_type3A_167 = arith.extui %lt3A_166 : i1 to i32
      %cond3A_168 = arith.constant 0 : i32
      %cond3A_169 = arith.cmpi ne, %convert_element_type3A_167, %cond3A_168 : i32
      scf.if %cond3A_169 {
        %dma_start3A_214 = arith.constant 0 : i32
        %dma_start3A_215 = tpu.memref_slice %arg6[%sub3A_164, %dma_start3A_214] : memref<80x128xi32, #tpu.memory_space<vmem>> -> memref<1x128xi32, #tpu.memory_space<vmem>>
        %dma_start3A_216 = tpu.memref_squeeze %dma_start3A_215 : memref<1x128xi32, #tpu.memory_space<vmem>> -> memref<128xi32, #tpu.memory_space<vmem>>
        %dma_start3A_217 = arith.constant 0 : i32
        %dma_start3A_218 = arith.constant 0 : i32
        %dma_start3A_219 = tpu.memref_slice %arg2[%dma_start3A_217, %dma_start3A_218] : memref<10240x32xf32, #tpu.memory_space<hbm>> -> memref<10240x32xf32, #tpu.memory_space<hbm>>
        tpu.enqueue_indirect_dma source(%dma_start3A_219 : memref<10240x32xf32, #tpu.memory_space<hbm>>) target(%arg12 : memref<128x32xf32, #tpu.memory_space<vmem>>) offsets(%dma_start3A_216 : memref<128xi32, #tpu.memory_space<vmem>>) semaphore(%arg20 : memref<!tpu.dma_semaphore, #tpu.memory_space<semaphore_mem>>)
      } else {
      }
      %dma_wait3A_170 = arith.constant 0 : i32
      %dma_wait3A_171 = tpu.memref_slice %arg6[%add3A_160, %dma_wait3A_170] : memref<80x128xi32, #tpu.memory_space<vmem>> -> memref<1x128xi32, #tpu.memory_space<vmem>>
      %dma_wait3A_172 = tpu.memref_squeeze %dma_wait3A_171 : memref<1x128xi32, #tpu.memory_space<vmem>> -> memref<128xi32, #tpu.memory_space<vmem>>
      %dma_wait3A_173 = arith.constant 0 : i32
      %dma_wait3A_174 = arith.constant 0 : i32
      %dma_wait3A_175 = tpu.memref_slice %arg2[%dma_wait3A_173, %dma_wait3A_174] : memref<10240x32xf32, #tpu.memory_space<hbm>> -> memref<10240x32xf32, #tpu.memory_space<hbm>>
      tpu.wait_indirect_dma semaphore(%arg21 : memref<!tpu.dma_semaphore, #tpu.memory_space<semaphore_mem>>) src(%dma_wait3A_175 : memref<10240x32xf32, #tpu.memory_space<hbm>>) dst(%arg13 : memref<128x32xf32, #tpu.memory_space<vmem>>)
      "tpu.region"() ({
        %run_scoped3A_214 = tpu.sem_alloc : memref<!tpu.dma_semaphore, #tpu.memory_space<semaphore_mem>>
        %dma_start3A_215 = arith.constant 0 : i32
        %dma_start3A_216 = tpu.memref_slice %arg7[%add3A_160, %dma_start3A_215] : memref<80x128xi32, #tpu.memory_space<vmem>> -> memref<1x128xi32, #tpu.memory_space<vmem>>
        %dma_start3A_217 = tpu.memref_squeeze %dma_start3A_216 : memref<1x128xi32, #tpu.memory_space<vmem>> -> memref<128xi32, #tpu.memory_space<vmem>>
        %dma_start3A_218 = arith.constant 0 : i32
        %dma_start3A_219 = arith.constant 0 : i32
        %dma_start3A_220 = tpu.memref_slice %arg24[%dma_start3A_218, %dma_start3A_219] : memref<10240x32xf32, #tpu.memory_space<vmem_shared>> -> memref<10240x32xf32, #tpu.memory_space<vmem_shared>>
        tpu.enqueue_indirect_dma source(%arg13 : memref<128x32xf32, #tpu.memory_space<vmem>>) target(%dma_start3A_220 : memref<10240x32xf32, #tpu.memory_space<vmem_shared>>) offsets(%dma_start3A_217 : memref<128xi32, #tpu.memory_space<vmem>>) semaphore(%run_scoped3A_214 : memref<!tpu.dma_semaphore, #tpu.memory_space<semaphore_mem>>) {add = true}
        %dma_wait3A_221 = arith.constant 0 : i32
        %dma_wait3A_222 = tpu.memref_slice %arg7[%add3A_160, %dma_wait3A_221] : memref<80x128xi32, #tpu.memory_space<vmem>> -> memref<1x128xi32, #tpu.memory_space<vmem>>
        %dma_wait3A_223 = tpu.memref_squeeze %dma_wait3A_222 : memref<1x128xi32, #tpu.memory_space<vmem>> -> memref<128xi32, #tpu.memory_space<vmem>>
        %dma_wait3A_224 = arith.constant 0 : i32
        %dma_wait3A_225 = arith.constant 0 : i32
        %dma_wait3A_226 = tpu.memref_slice %arg24[%dma_wait3A_224, %dma_wait3A_225] : memref<10240x32xf32, #tpu.memory_space<vmem_shared>> -> memref<10240x32xf32, #tpu.memory_space<vmem_shared>>
        tpu.wait_indirect_dma semaphore(%run_scoped3A_214 : memref<!tpu.dma_semaphore, #tpu.memory_space<semaphore_mem>>) src(%arg13 : memref<128x32xf32, #tpu.memory_space<vmem>>) dst(%dma_wait3A_226 : memref<10240x32xf32, #tpu.memory_space<vmem_shared>>)
        tpu.yield
      }) : () -> ()
      %mul3A_176 = arith.constant 8 : i32
      %mul3A_177 = arith.muli %mul3A_176, %scan3A_66 : i32
      %add3A_178 = arith.constant 6 : i32
      %add3A_179 = arith.addi %mul3A_177, %add3A_178 : i32
      %add3A_180 = arith.constant 8 : i32
      %add3A_181 = arith.addi %add3A_179, %add3A_180 : i32
      %sub3A_182 = arith.constant 1 : i32
      %sub3A_183 = arith.subi %add3A_181, %sub3A_182 : i32
      %lt3A_184 = arith.constant 80 : i32
      %lt3A_185 = arith.cmpi slt, %sub3A_183, %lt3A_184 : i32
      %convert_element_type3A_186 = arith.extui %lt3A_185 : i1 to i32
      %cond3A_187 = arith.constant 0 : i32
      %cond3A_188 = arith.cmpi ne, %convert_element_type3A_186, %cond3A_187 : i32
      scf.if %cond3A_188 {
        %dma_start3A_214 = arith.constant 0 : i32
        %dma_start3A_215 = tpu.memref_slice %arg6[%sub3A_183, %dma_start3A_214] : memref<80x128xi32, #tpu.memory_space<vmem>> -> memref<1x128xi32, #tpu.memory_space<vmem>>
        %dma_start3A_216 = tpu.memref_squeeze %dma_start3A_215 : memref<1x128xi32, #tpu.memory_space<vmem>> -> memref<128xi32, #tpu.memory_space<vmem>>
        %dma_start3A_217 = arith.constant 0 : i32
        %dma_start3A_218 = arith.constant 0 : i32
        %dma_start3A_219 = tpu.memref_slice %arg2[%dma_start3A_217, %dma_start3A_218] : memref<10240x32xf32, #tpu.memory_space<hbm>> -> memref<10240x32xf32, #tpu.memory_space<hbm>>
        tpu.enqueue_indirect_dma source(%dma_start3A_219 : memref<10240x32xf32, #tpu.memory_space<hbm>>) target(%arg13 : memref<128x32xf32, #tpu.memory_space<vmem>>) offsets(%dma_start3A_216 : memref<128xi32, #tpu.memory_space<vmem>>) semaphore(%arg21 : memref<!tpu.dma_semaphore, #tpu.memory_space<semaphore_mem>>)
      } else {
      }
      %dma_wait3A_189 = arith.constant 0 : i32
      %dma_wait3A_190 = tpu.memref_slice %arg6[%add3A_179, %dma_wait3A_189] : memref<80x128xi32, #tpu.memory_space<vmem>> -> memref<1x128xi32, #tpu.memory_space<vmem>>
      %dma_wait3A_191 = tpu.memref_squeeze %dma_wait3A_190 : memref<1x128xi32, #tpu.memory_space<vmem>> -> memref<128xi32, #tpu.memory_space<vmem>>
      %dma_wait3A_192 = arith.constant 0 : i32
      %dma_wait3A_193 = arith.constant 0 : i32
      %dma_wait3A_194 = tpu.memref_slice %arg2[%dma_wait3A_192, %dma_wait3A_193] : memref<10240x32xf32, #tpu.memory_space<hbm>> -> memref<10240x32xf32, #tpu.memory_space<hbm>>
      tpu.wait_indirect_dma semaphore(%arg22 : memref<!tpu.dma_semaphore, #tpu.memory_space<semaphore_mem>>) src(%dma_wait3A_194 : memref<10240x32xf32, #tpu.memory_space<hbm>>) dst(%arg14 : memref<128x32xf32, #tpu.memory_space<vmem>>)
      "tpu.region"() ({
        %run_scoped3A_214 = tpu.sem_alloc : memref<!tpu.dma_semaphore, #tpu.memory_space<semaphore_mem>>
        %dma_start3A_215 = arith.constant 0 : i32
        %dma_start3A_216 = tpu.memref_slice %arg7[%add3A_179, %dma_start3A_215] : memref<80x128xi32, #tpu.memory_space<vmem>> -> memref<1x128xi32, #tpu.memory_space<vmem>>
        %dma_start3A_217 = tpu.memref_squeeze %dma_start3A_216 : memref<1x128xi32, #tpu.memory_space<vmem>> -> memref<128xi32, #tpu.memory_space<vmem>>
        %dma_start3A_218 = arith.constant 0 : i32
        %dma_start3A_219 = arith.constant 0 : i32
        %dma_start3A_220 = tpu.memref_slice %arg24[%dma_start3A_218, %dma_start3A_219] : memref<10240x32xf32, #tpu.memory_space<vmem_shared>> -> memref<10240x32xf32, #tpu.memory_space<vmem_shared>>
        tpu.enqueue_indirect_dma source(%arg14 : memref<128x32xf32, #tpu.memory_space<vmem>>) target(%dma_start3A_220 : memref<10240x32xf32, #tpu.memory_space<vmem_shared>>) offsets(%dma_start3A_217 : memref<128xi32, #tpu.memory_space<vmem>>) semaphore(%run_scoped3A_214 : memref<!tpu.dma_semaphore, #tpu.memory_space<semaphore_mem>>) {add = true}
        %dma_wait3A_221 = arith.constant 0 : i32
        %dma_wait3A_222 = tpu.memref_slice %arg7[%add3A_179, %dma_wait3A_221] : memref<80x128xi32, #tpu.memory_space<vmem>> -> memref<1x128xi32, #tpu.memory_space<vmem>>
        %dma_wait3A_223 = tpu.memref_squeeze %dma_wait3A_222 : memref<1x128xi32, #tpu.memory_space<vmem>> -> memref<128xi32, #tpu.memory_space<vmem>>
        %dma_wait3A_224 = arith.constant 0 : i32
        %dma_wait3A_225 = arith.constant 0 : i32
        %dma_wait3A_226 = tpu.memref_slice %arg24[%dma_wait3A_224, %dma_wait3A_225] : memref<10240x32xf32, #tpu.memory_space<vmem_shared>> -> memref<10240x32xf32, #tpu.memory_space<vmem_shared>>
        tpu.wait_indirect_dma semaphore(%run_scoped3A_214 : memref<!tpu.dma_semaphore, #tpu.memory_space<semaphore_mem>>) src(%arg14 : memref<128x32xf32, #tpu.memory_space<vmem>>) dst(%dma_wait3A_226 : memref<10240x32xf32, #tpu.memory_space<vmem_shared>>)
        tpu.yield
      }) : () -> ()
      %mul3A_195 = arith.constant 8 : i32
      %mul3A_196 = arith.muli %mul3A_195, %scan3A_66 : i32
      %add3A_197 = arith.constant 7 : i32
      %add3A_198 = arith.addi %mul3A_196, %add3A_197 : i32
      %add3A_199 = arith.constant 8 : i32
      %add3A_200 = arith.addi %add3A_198, %add3A_199 : i32
      %sub3A_201 = arith.constant 1 : i32
      %sub3A_202 = arith.subi %add3A_200, %sub3A_201 : i32
      %lt3A_203 = arith.constant 80 : i32
      %lt3A_204 = arith.cmpi slt, %sub3A_202, %lt3A_203 : i32
      %convert_element_type3A_205 = arith.extui %lt3A_204 : i1 to i32
      %cond3A_206 = arith.constant 0 : i32
      %cond3A_207 = arith.cmpi ne, %convert_element_type3A_205, %cond3A_206 : i32
      scf.if %cond3A_207 {
        %dma_start3A_214 = arith.constant 0 : i32
        %dma_start3A_215 = tpu.memref_slice %arg6[%sub3A_202, %dma_start3A_214] : memref<80x128xi32, #tpu.memory_space<vmem>> -> memref<1x128xi32, #tpu.memory_space<vmem>>
        %dma_start3A_216 = tpu.memref_squeeze %dma_start3A_215 : memref<1x128xi32, #tpu.memory_space<vmem>> -> memref<128xi32, #tpu.memory_space<vmem>>
        %dma_start3A_217 = arith.constant 0 : i32
        %dma_start3A_218 = arith.constant 0 : i32
        %dma_start3A_219 = tpu.memref_slice %arg2[%dma_start3A_217, %dma_start3A_218] : memref<10240x32xf32, #tpu.memory_space<hbm>> -> memref<10240x32xf32, #tpu.memory_space<hbm>>
        tpu.enqueue_indirect_dma source(%dma_start3A_219 : memref<10240x32xf32, #tpu.memory_space<hbm>>) target(%arg14 : memref<128x32xf32, #tpu.memory_space<vmem>>) offsets(%dma_start3A_216 : memref<128xi32, #tpu.memory_space<vmem>>) semaphore(%arg22 : memref<!tpu.dma_semaphore, #tpu.memory_space<semaphore_mem>>)
      } else {
      }
      %dma_wait3A_208 = arith.constant 0 : i32
      %dma_wait3A_209 = tpu.memref_slice %arg6[%add3A_198, %dma_wait3A_208] : memref<80x128xi32, #tpu.memory_space<vmem>> -> memref<1x128xi32, #tpu.memory_space<vmem>>
      %dma_wait3A_210 = tpu.memref_squeeze %dma_wait3A_209 : memref<1x128xi32, #tpu.memory_space<vmem>> -> memref<128xi32, #tpu.memory_space<vmem>>
      %dma_wait3A_211 = arith.constant 0 : i32
      %dma_wait3A_212 = arith.constant 0 : i32
      %dma_wait3A_213 = tpu.memref_slice %arg2[%dma_wait3A_211, %dma_wait3A_212] : memref<10240x32xf32, #tpu.memory_space<hbm>> -> memref<10240x32xf32, #tpu.memory_space<hbm>>
      tpu.wait_indirect_dma semaphore(%arg23 : memref<!tpu.dma_semaphore, #tpu.memory_space<semaphore_mem>>) src(%dma_wait3A_213 : memref<10240x32xf32, #tpu.memory_space<hbm>>) dst(%arg15 : memref<128x32xf32, #tpu.memory_space<vmem>>)
      "tpu.region"() ({
        %run_scoped3A_214 = tpu.sem_alloc : memref<!tpu.dma_semaphore, #tpu.memory_space<semaphore_mem>>
        %dma_start3A_215 = arith.constant 0 : i32
        %dma_start3A_216 = tpu.memref_slice %arg7[%add3A_198, %dma_start3A_215] : memref<80x128xi32, #tpu.memory_space<vmem>> -> memref<1x128xi32, #tpu.memory_space<vmem>>
        %dma_start3A_217 = tpu.memref_squeeze %dma_start3A_216 : memref<1x128xi32, #tpu.memory_space<vmem>> -> memref<128xi32, #tpu.memory_space<vmem>>
        %dma_start3A_218 = arith.constant 0 : i32
        %dma_start3A_219 = arith.constant 0 : i32
        %dma_start3A_220 = tpu.memref_slice %arg24[%dma_start3A_218, %dma_start3A_219] : memref<10240x32xf32, #tpu.memory_space<vmem_shared>> -> memref<10240x32xf32, #tpu.memory_space<vmem_shared>>
        tpu.enqueue_indirect_dma source(%arg15 : memref<128x32xf32, #tpu.memory_space<vmem>>) target(%dma_start3A_220 : memref<10240x32xf32, #tpu.memory_space<vmem_shared>>) offsets(%dma_start3A_217 : memref<128xi32, #tpu.memory_space<vmem>>) semaphore(%run_scoped3A_214 : memref<!tpu.dma_semaphore, #tpu.memory_space<semaphore_mem>>) {add = true}
        %dma_wait3A_221 = arith.constant 0 : i32
        %dma_wait3A_222 = tpu.memref_slice %arg7[%add3A_198, %dma_wait3A_221] : memref<80x128xi32, #tpu.memory_space<vmem>> -> memref<1x128xi32, #tpu.memory_space<vmem>>
        %dma_wait3A_223 = tpu.memref_squeeze %dma_wait3A_222 : memref<1x128xi32, #tpu.memory_space<vmem>> -> memref<128xi32, #tpu.memory_space<vmem>>
        %dma_wait3A_224 = arith.constant 0 : i32
        %dma_wait3A_225 = arith.constant 0 : i32
        %dma_wait3A_226 = tpu.memref_slice %arg24[%dma_wait3A_224, %dma_wait3A_225] : memref<10240x32xf32, #tpu.memory_space<vmem_shared>> -> memref<10240x32xf32, #tpu.memory_space<vmem_shared>>
        tpu.wait_indirect_dma semaphore(%run_scoped3A_214 : memref<!tpu.dma_semaphore, #tpu.memory_space<semaphore_mem>>) src(%arg15 : memref<128x32xf32, #tpu.memory_space<vmem>>) dst(%dma_wait3A_226 : memref<10240x32xf32, #tpu.memory_space<vmem_shared>>)
        tpu.yield
      }) : () -> ()
    }
    %scan3A_60 = arith.constant 10 : i32
    %barrier3A_61 = arith.constant 0 : index
    tpu.barrier barrier_id(%barrier3A_61)
    %mul3A_62 = arith.constant 640 : i32
    %mul3A_63 = arith.muli %arg1, %mul3A_62 : i32
    %mul3A_64 = arith.constant 640 : i32
    %mul3A_65 = arith.muli %arg1, %mul3A_64 : i32
    "tpu.region"() ({
      %run_scoped3A_66 = tpu.sem_alloc : memref<!tpu.dma_semaphore, #tpu.memory_space<semaphore_mem>>
      %dma_start3A_67 = arith.constant 0 : i32
      %dma_start3A_68 = tpu.memref_slice %arg5[%arg0, %mul3A_65, %dma_start3A_67] : memref<2x10240x32xf32, #tpu.memory_space<hbm>> -> memref<1x640x32xf32, #tpu.memory_space<hbm>>
      %dma_start3A_69 = tpu.memref_squeeze %dma_start3A_68 : memref<1x640x32xf32, #tpu.memory_space<hbm>> -> memref<640x32xf32, #tpu.memory_space<hbm>>
      %dma_start3A_70 = arith.constant 0 : i32
      %dma_start3A_71 = tpu.memref_slice %arg24[%mul3A_63, %dma_start3A_70] : memref<10240x32xf32, #tpu.memory_space<vmem_shared>> -> memref<640x32xf32, #tpu.memory_space<vmem_shared>>
      tpu.enqueue_dma source(%dma_start3A_71 : memref<640x32xf32, #tpu.memory_space<vmem_shared>>) target(%dma_start3A_69 : memref<640x32xf32, #tpu.memory_space<hbm>>) target_semaphore(%run_scoped3A_66 : memref<!tpu.dma_semaphore, #tpu.memory_space<semaphore_mem>>)
      %dma_wait3A = arith.constant 0 : i32
      %dma_wait3A_72 = tpu.memref_slice %arg5[%arg0, %mul3A_65, %dma_wait3A] : memref<2x10240x32xf32, #tpu.memory_space<hbm>> -> memref<1x640x32xf32, #tpu.memory_space<hbm>>
      %dma_wait3A_73 = tpu.memref_squeeze %dma_wait3A_72 : memref<1x640x32xf32, #tpu.memory_space<hbm>> -> memref<640x32xf32, #tpu.memory_space<hbm>>
      %dma_wait3A_74 = arith.constant 0 : i32
      %dma_wait3A_75 = tpu.memref_slice %arg24[%mul3A_63, %dma_wait3A_74] : memref<10240x32xf32, #tpu.memory_space<vmem_shared>> -> memref<640x32xf32, #tpu.memory_space<vmem_shared>>
      tpu.wait_dma2 semaphore(%run_scoped3A_66 : memref<!tpu.dma_semaphore, #tpu.memory_space<semaphore_mem>>) src(%dma_wait3A_75 : memref<640x32xf32, #tpu.memory_space<vmem_shared>>) dst(%dma_wait3A_73 : memref<640x32xf32, #tpu.memory_space<hbm>>)
      tpu.yield
    }) : () -> ()
    return
  }
}

module attributes {stable_mosaic.version = 14 : i64} {
  func.func @body(%arg0: memref<2560x512xf32, #tpu.memory_space<vmem>>, %arg1: memref<512x128xf32, #tpu.memory_space<vmem>>, %arg2: memref<2560x128xf32, #tpu.memory_space<vmem>>, %arg3: memref<2560x128xf32, #tpu.memory_space<vmem>>) attributes {dimension_semantics = [], scalar_prefetch = 0 : i64, scratch_operands = 0 : i64, tpu.core_type = #tpu.core_type<tc>} {
    %get3A = arith.constant 0 : index
    %get3A_0 = arith.constant 0 : index
    %get3A_1 = vector.load %arg0[%get3A, %get3A_0] : memref<2560x512xf32, #tpu.memory_space<vmem>>, vector<2560x512xf32>
    %get3A_2 = arith.constant 0 : index
    %get3A_3 = arith.constant 0 : index
    %get3A_4 = vector.load %arg1[%get3A_2, %get3A_3] : memref<512x128xf32, #tpu.memory_space<vmem>>, vector<512x128xf32>
    %dot_general3A = arith.constant dense<0.000000e+00> : vector<2560x128xf32>
    %dot_general3A_5 = tpu.matmul %get3A_1, %get3A_4, %dot_general3A {dimension_numbers = #tpu.dot_dimension_numbers<[1], [0], [0], [1], [0, 0, 1, 1], [], []>, transpose_lhs_hint = false} : vector<2560x512xf32>, vector<512x128xf32>, vector<2560x128xf32> -> vector<2560x128xf32>
    %get3A_6 = arith.constant 0 : index
    %get3A_7 = arith.constant 0 : index
    %get3A_8 = vector.load %arg2[%get3A_6, %get3A_7] : memref<2560x128xf32, #tpu.memory_space<vmem>>, vector<2560x128xf32>
    %mul3A = arith.mulf %get3A_8, %dot_general3A_5 : vector<2560x128xf32>
    %swap3A = arith.constant 0 : index
    %swap3A_9 = arith.constant 0 : index
    %swap3A_10 = vector.load %arg3[%swap3A, %swap3A_9] : memref<2560x128xf32, #tpu.memory_space<vmem>>, vector<2560x128xf32>
    tpu.vector_store %arg3[%swap3A, %swap3A_9], %mul3A {strides = array<i32>} : memref<2560x128xf32, #tpu.memory_space<vmem>>, vector<2560x128xf32>,
    return
  }
}

module attributes {stable_mosaic.version = 14 : i64} {
  func.func @body(%arg0: memref<5120x128xf32, #tpu.memory_space<vmem>>, %arg1: memref<2560x128xf32, #tpu.memory_space<vmem>>, %arg2: memref<2560x128xf32, #tpu.memory_space<vmem>>, %arg3: memref<1x128xf32, #tpu.memory_space<vmem>>, %arg4: memref<128x128xf32, #tpu.memory_space<vmem>>, %arg5: memref<2560x128xf32, #tpu.memory_space<vmem>>) attributes {dimension_semantics = [], scalar_prefetch = 0 : i64, scratch_operands = 0 : i64, tpu.core_type = #tpu.core_type<tc>} {
    %get3A = arith.constant 0 : index
    %get3A_0 = arith.constant 0 : index
    %get3A_1 = vector.load %arg2[%get3A, %get3A_0] : memref<2560x128xf32, #tpu.memory_space<vmem>>, vector<2560x128xf32>
    %get3A_2 = arith.constant 0 : index
    %get3A_3 = arith.constant 0 : index
    %get3A_4 = vector.load %arg0[%get3A_2, %get3A_3] : memref<5120x128xf32, #tpu.memory_space<vmem>>, vector<2560x128xf32>
    %get3A_5 = arith.constant 2560 : index
    %get3A_6 = arith.constant 0 : index
    %get3A_7 = vector.load %arg0[%get3A_5, %get3A_6] : memref<5120x128xf32, #tpu.memory_space<vmem>>, vector<2560x128xf32>
    %add3A = arith.addf %get3A_4, %get3A_7 : vector<2560x128xf32>
    %get3A_8 = arith.constant 0 : index
    %get3A_9 = arith.constant 0 : index
    %get3A_10 = vector.load %arg1[%get3A_8, %get3A_9] : memref<2560x128xf32, #tpu.memory_space<vmem>>, vector<2560x128xf32>
    %add3A_11 = arith.addf %add3A, %get3A_10 : vector<2560x128xf32>
    %mul3A = arith.mulf %get3A_1, %add3A_11 : vector<2560x128xf32>
    %get3A_12 = arith.constant 0 : index
    %get3A_13 = arith.constant 0 : index
    %get3A_14 = vector.load %arg3[%get3A_12, %get3A_13] : memref<1x128xf32, #tpu.memory_space<vmem>>, vector<1x128xf32>
    %add3A_15 = vector.broadcast %get3A_14 : vector<1x128xf32> to vector<2560x128xf32>
    %add3A_16 = arith.addf %mul3A, %add3A_15 : vector<2560x128xf32>
    %max3A = arith.constant 0.000000e+00 : f32
    %max3A_17 = vector.broadcast %max3A : f32 to vector<2560x128xf32>
    %max3A_18 = arith.maximumf %add3A_16, %max3A_17 : vector<2560x128xf32>
    %get3A_19 = arith.constant 0 : index
    %get3A_20 = arith.constant 0 : index
    %get3A_21 = vector.load %arg4[%get3A_19, %get3A_20] : memref<128x128xf32, #tpu.memory_space<vmem>>, vector<128x128xf32>
    %dot_general3A = arith.constant dense<0.000000e+00> : vector<2560x128xf32>
    %dot_general3A_22 = tpu.matmul %max3A_18, %get3A_21, %dot_general3A {dimension_numbers = #tpu.dot_dimension_numbers<[1], [0], [0], [1], [0, 0, 1, 1], [], []>, transpose_lhs_hint = false} : vector<2560x128xf32>, vector<128x128xf32>, vector<2560x128xf32> -> vector<2560x128xf32>
    %mul3A_23 = arith.mulf %get3A_1, %dot_general3A_22 : vector<2560x128xf32>
    %swap3A = arith.constant 0 : index
    %swap3A_24 = arith.constant 0 : index
    %swap3A_25 = vector.load %arg5[%swap3A, %swap3A_24] : memref<2560x128xf32, #tpu.memory_space<vmem>>, vector<2560x128xf32>
    tpu.vector_store %arg5[%swap3A, %swap3A_24], %mul3A_23 {strides = array<i32>} : memref<2560x128xf32, #tpu.memory_space<vmem>>, vector<2560x128xf32>,
    return
  }
}

module attributes {stable_mosaic.version = 14 : i64} {
  func.func @body(%arg0: memref<5120x128xf32, #tpu.memory_space<vmem>>, %arg1: memref<2560x128xf32, #tpu.memory_space<vmem>>, %arg2: memref<2560x128xf32, #tpu.memory_space<vmem>>, %arg3: memref<1x128xf32, #tpu.memory_space<vmem>>, %arg4: memref<128x4xf32, #tpu.memory_space<vmem>>, %arg5: memref<1x4xf32, #tpu.memory_space<vmem>>, %arg6: memref<2560x4xf32, #tpu.memory_space<vmem>>) attributes {dimension_semantics = [], scalar_prefetch = 0 : i64, scratch_operands = 0 : i64, tpu.core_type = #tpu.core_type<tc>} {
    %get3A = arith.constant 0 : index
    %get3A_0 = arith.constant 0 : index
    %get3A_1 = vector.load %arg0[%get3A, %get3A_0] : memref<5120x128xf32, #tpu.memory_space<vmem>>, vector<2560x128xf32>
    %get3A_2 = arith.constant 2560 : index
    %get3A_3 = arith.constant 0 : index
    %get3A_4 = vector.load %arg0[%get3A_2, %get3A_3] : memref<5120x128xf32, #tpu.memory_space<vmem>>, vector<2560x128xf32>
    %add3A = arith.addf %get3A_1, %get3A_4 : vector<2560x128xf32>
    %get3A_5 = arith.constant 0 : index
    %get3A_6 = arith.constant 0 : index
    %get3A_7 = vector.load %arg1[%get3A_5, %get3A_6] : memref<2560x128xf32, #tpu.memory_space<vmem>>, vector<2560x128xf32>
    %add3A_8 = arith.addf %add3A, %get3A_7 : vector<2560x128xf32>
    %get3A_9 = arith.constant 0 : index
    %get3A_10 = arith.constant 0 : index
    %get3A_11 = vector.load %arg2[%get3A_9, %get3A_10] : memref<2560x128xf32, #tpu.memory_space<vmem>>, vector<2560x128xf32>
    %mul3A = arith.mulf %get3A_11, %add3A_8 : vector<2560x128xf32>
    %get3A_12 = arith.constant 0 : index
    %get3A_13 = arith.constant 0 : index
    %get3A_14 = vector.load %arg3[%get3A_12, %get3A_13] : memref<1x128xf32, #tpu.memory_space<vmem>>, vector<1x128xf32>
    %add3A_15 = vector.broadcast %get3A_14 : vector<1x128xf32> to vector<2560x128xf32>
    %add3A_16 = arith.addf %mul3A, %add3A_15 : vector<2560x128xf32>
    %max3A = arith.constant 0.000000e+00 : f32
    %max3A_17 = vector.broadcast %max3A : f32 to vector<2560x128xf32>
    %max3A_18 = arith.maximumf %add3A_16, %max3A_17 : vector<2560x128xf32>
    %get3A_19 = arith.constant 0 : index
    %get3A_20 = arith.constant 0 : index
    %get3A_21 = vector.load %arg4[%get3A_19, %get3A_20] : memref<128x4xf32, #tpu.memory_space<vmem>>, vector<128x4xf32>
    %dot_general3A = arith.constant dense<0.000000e+00> : vector<2560x4xf32>
    %dot_general3A_22 = tpu.matmul %max3A_18, %get3A_21, %dot_general3A {dimension_numbers = #tpu.dot_dimension_numbers<[1], [0], [0], [1], [0, 0, 1, 1], [], []>, transpose_lhs_hint = false} : vector<2560x128xf32>, vector<128x4xf32>, vector<2560x4xf32> -> vector<2560x4xf32>
    %get3A_23 = arith.constant 0 : index
    %get3A_24 = arith.constant 0 : index
    %get3A_25 = vector.load %arg5[%get3A_23, %get3A_24] : memref<1x4xf32, #tpu.memory_space<vmem>>, vector<1x4xf32>
    %add3A_26 = vector.broadcast %get3A_25 : vector<1x4xf32> to vector<2560x4xf32>
    %add3A_27 = arith.addf %dot_general3A_22, %add3A_26 : vector<2560x4xf32>
    %swap3A = arith.constant 0 : index
    %swap3A_28 = arith.constant 0 : index
    %swap3A_29 = vector.load %arg6[%swap3A, %swap3A_28] : memref<2560x4xf32, #tpu.memory_space<vmem>>, vector<2560x4xf32>
    tpu.vector_store %arg6[%swap3A, %swap3A_28], %add3A_27 {strides = array<i32>} : memref<2560x4xf32, #tpu.memory_space<vmem>>, vector<2560x4xf32>,
    return
  }
}

</mosaic_0001>

<sc_bundles>
// kernel: kernel.11.cloned.1.call-start
scs
__scs_entry_jumppad:
0x0: {  	(pc) =	sbr.rel $0x88, $3  }
0x1: {  	(tag) =	ssettag $0x0;
	lr =	simm.s32 $0x1  }
0x2: {  	[smem:$0x3F99] =	sst lr;
	_ =	strace $0xD0000000  }
0x3: {  	_ = 	snop  }
0x4: {  	_ = 	snop  }
0x5: {  	_ = 	snop  }
0x6: {  	_ = 	snop  }
0x7: {  	_ = 	snop  }
__scs_overlays_trampoline_lowered:
0x8: {  	[smem:$0x3FA8] =	sst s0  }
0x9: {  	[smem:$0x3FA9] =	sst s1  }
0xa: {  	[smem:$0x3FAA] =	sst s2  }
0xb: {  	[smem:$0x3FAB] =	sst s3  }
0xc: {  	[smem:$0x3FAC] =	sst s4  }
0xd: {  	[smem:$0x3FAD] =	sst s5  }
0xe: {  	[smem:$0x3FAE] =	sst s6  }
0xf: {  	[smem:$0x3FAF] =	sst s7  }
0x10: {  	[smem:$0x3FB0] =	sst s8  }
0x11: {  	[smem:$0x3FB1] =	sst s9;
	s0 =	simm.s32 @!p0 $0x0  }
0x12: {  	s1 =	sld [smem:$0x3F97];
	s0 =	simm.s32 @p0 $0x1  }
0x13: {  	[smem:$0x3FB2] =	sst s0;
	s0 =	simm.s32 @!p1 $0x0  }
0x14: {  	s2 =	sld [smem:$0x3F96];
	s0 =	simm.s32 @p1 $0x1  }
0x15: {  	[smem:$0x3FB3] =	sst s0;
	s0 =	simm.s32 @!p2 $0x0  }
0x16: {  	s3 =	sld [smem:$0x3FDB];
	s0 =	simm.s32 @p2 $0x1  }
0x17: {  	s4 =	simm.s32 $0x1BF5;
	[smem:$0x3FB5] =	sst s0  }
0x18: {  	s0 =	sld [smem:$0x3F98];
	_ =	swait.ge [sflag:s4], $0x0  }
0x19: {  	s7 =	sld [smem:$0x3F99]  }
0x1a: {  	s8 =	sadd.s32 $0xFFFFE003, lr  }
0x1b: {  	s9 =	sadd.s32 $0xFFFFFEF7, lr;
	s5 =	simm.s32 $0xFFFFFFFF;
	p2 =	slt.u32 s8, $0xFFFFF086  }
0x1c: {  	p1 =	slt.u32 s9, $0xF7A;
	s5 =	simm.s32 @!p2 $0x0  }
0x1d: {  	s5 =	simm.s32 @p1 $0x1;
	p0 =	seq.s32 s7, s2  }
0x1e: {  	s7 =	smul.u32 @!p0 $0xF7A, s2;
	p2 =	seq.s32 @!p0 s5, $0x0  }
0x1f: {  	s9 =	smul.u32 $0xF7A, s1;
	s8 =	simm.s32 @!p0 $0x1BF5;
	p2 =	por !p2, p0  }
0x20: {  	[sflag:s8] =	ssyncset.s32 @!p0 $0xFFFFF086;
	s6 =	sadd.s32 @!p0 s3, s7;
	s7 =	simm.s32 @!p0 $0x108  }
0x21: {  	s3 =	sadd.s32 s3, s9;
	s6 =	sadd.s32 @!p0 $0x88, s6;
	s7 =	simm.s32 @p2 $0x1082  }
0x22: {  	[simem:s7], [sflag:s8] =	dma.local @!p0 [hbm:s6], $0xF7A  }
0x23: {  	s9 =	sor.u32 $0xD0000000, s2;
	s6 =	simm.s32 $0x108;
	_ =	swait.ge @!p0 [sflag:s8], $0x0  }
0x24: {  	s3 =	sadd.s32 $0x88, s3;
	s6 =	simm.s32 @!p1 $0x1082;
	[sflag:s4] =	ssyncset.s32 $0xFFFFF086  }
0x25: {  	[simem:s6], [sflag:s4] =	dma.local [hbm:s3], $0xF7A  }
0x26: {  	[smem:$0x3F99] =	sst s1;
	(tag) =	ssettag s2;
	_ =	strace s9  }
0x27: {  	s1 =	sld [smem:$0x3FA9]  }
0x28: {  	s2 =	sld [smem:$0x3FAA]  }
0x29: {  	s4 =	sld [smem:$0x3FAC]  }
0x2a: {  	p0 =	seq.s32 s5, $0x0;
	s5 =	sld [smem:$0x3FAD]  }
0x2b: {  	s6 =	sld [smem:$0x3FAE]  }
0x2c: {  	s7 =	sld [smem:$0x3FAF]  }
0x2d: {  	s3 =	simm.s32 $0x108;
	s8 =	sld [smem:$0x3FB0]  }
0x2e: {  	s3 =	simm.s32 @!p0 $0x1082;
	s9 =	sld [smem:$0x3FB1]  }
0x2f: {  	lr =	sadd.s32 s0, s3;
	s0 =	sld [smem:$0x3FA8]  }
0x30: {  	s3 =	sld [smem:$0x3FAB]  }
0x31: {  	[smem:$0x3FB4] =	sst s10  }
0x32: {  	s10 =	sld [smem:$0x3FB2];
	_ =	sdelay $0x3  }
0x33: {  	p0 =	seq.s32 s10, $0x1;
	s10 =	sld [smem:$0x3FB4];
	_ =	sdelay $0x3  }
0x34: {  	[smem:$0x3FB4] =	sst s10  }
0x35: {  	s10 =	sld [smem:$0x3FB3];
	_ =	sdelay $0x3  }
0x36: {  	p1 =	seq.s32 s10, $0x1;
	s10 =	sld [smem:$0x3FB4];
	_ =	sdelay $0x3  }
0x37: {  	[smem:$0x3FB4] =	sst s10  }
0x38: {  	s10 =	sld [smem:$0x3FB5]  }
0x39: {  	_ = 	snop;
	(pc) =	sbr.ind lr, $3  }
0x3a: {  	_ = 	snop  }
0x3b: {  	_ = 	snop  }
0x3c: {  	p2 =	seq.s32 s10, $0x1;
	s10 =	sld [smem:$0x3FB4]  }
0x3d: {  	_ =	shalt  }
0x3e: {  	_ =	shalt  }
0x3f: {  	_ =	shalt  }
0x40: {  	_ =	shalt  }
0x41: {  	_ =	shalt  }
0x42: {  	_ =	shalt  }
0x43: {  	_ =	shalt  }
0x44: {  	_ =	shalt  }
0x45: {  	_ =	shalt  }
0x46: {  	_ =	shalt  }
0x47: {  	_ =	shalt  }
0x48: {  	_ =	shalt  }
0x49: {  	_ =	shalt  }
0x4a: {  	_ =	shalt  }
0x4b: {  	_ =	shalt  }
0x4c: {  	_ =	shalt  }
0x4d: {  	_ =	shalt  }
0x4e: {  	_ =	shalt  }
0x4f: {  	_ =	shalt  }
0x50: {  	_ =	shalt  }
0x51: {  	_ =	shalt  }
0x52: {  	_ =	shalt  }
0x53: {  	_ =	shalt  }
0x54: {  	_ =	shalt  }
0x55: {  	_ =	shalt  }
0x56: {  	_ =	shalt  }
0x57: {  	_ =	shalt  }
0x58: {  	_ =	shalt  }
0x59: {  	_ =	shalt  }
0x5a: {  	_ =	shalt  }
0x5b: {  	_ =	shalt  }
0x5c: {  	_ =	shalt  }
0x5d: {  	_ =	shalt  }
0x5e: {  	_ =	shalt  }
0x5f: {  	_ =	shalt  }
0x60: {  	_ =	shalt  }
0x61: {  	_ =	shalt  }
0x62: {  	_ =	shalt  }
0x63: {  	_ =	shalt  }
0x64: {  	_ =	shalt  }
0x65: {  	_ =	shalt  }
0x66: {  	_ =	shalt  }
0x67: {  	_ =	shalt  }
0x68: {  	_ =	shalt  }
0x69: {  	_ =	shalt  }
0x6a: {  	_ =	shalt  }
0x6b: {  	_ =	shalt  }
0x6c: {  	_ =	shalt  }
0x6d: {  	_ =	shalt  }
0x6e: {  	_ =	shalt  }
0x6f: {  	_ =	shalt  }
0x70: {  	_ =	shalt  }
0x71: {  	_ =	shalt  }
0x72: {  	_ =	shalt  }
0x73: {  	_ =	shalt  }
0x74: {  	_ =	shalt  }
0x75: {  	_ =	shalt  }
0x76: {  	_ =	shalt  }
0x77: {  	_ =	shalt  }
0x78: {  	_ =	shalt  }
0x79: {  	_ =	shalt  }
0x7a: {  	_ =	shalt  }
0x7b: {  	_ =	shalt  }
0x7c: {  	_ =	shalt  }
0x7d: {  	_ =	shalt  }
0x7e: {  	_ =	shalt  }
0x7f: {  	_ =	shalt  }
0x80: {  	_ =	shalt  }
0x81: {  	_ =	shalt  }
0x82: {  	_ =	shalt  }
0x83: {  	_ =	shalt  }
0x84: {  	_ =	shalt  }
0x85: {  	_ =	shalt  }
0x86: {  	_ =	shalt  }
0x87: {  	_ =	shalt  }
.Lfunc_end0:
.L_simem_size_0:
called_computation.1_lowered:
.L_overlay_start_0:
0x88: {  	s2 =	sld [smem:$0x3FD9]  }
0x89: {  	s3 =	sld [smem:$0x3FFE];
	_ =	sdelay $0x1  }
0x8a: {  	s1 =	srdreg.scid  }
0x8b: {  	s0 =	sand.u32 $0x1, s1  }
0x8c: {  	s16 =	sshll.u32 s0, $0xA;
	s2 =	sadd.s32 s3, s2  }
0x8d: {  	s2 =	sadd.s32 s2, s16  }
0x8e: {  	[smem:$0x3FC0] =	sst s2  }
0x8f: {  	_ = 	snop  }
0x90: {  	(tm) =	ssettm $0x1  }
0x91: {  	s17 =	sld [smem:$0x3FFB];
	_ =	sdelay $0x3  }
0x92: {  	_ =	strace s17  }
0x93: {  	s2 =	sld [smem:$0x3FFC];
	_ =	sdelay $0x3  }
0x94: {  	_ =	strace s2  }
0x95: {  	s2 =	sld [smem:$0x3FFD];
	_ =	sdelay $0x3  }
0x96: {  	_ =	strace s2  }
0x97: {  	_ =	strace $0x8FFFFFFF  }
0x98: {  	s18 =	sld [smem:$0x3FDB];
	_ =	sdelay $0x1  }
0x99: {  	s19 =	simm.s32 $_scs_section_size  }
0x9a: {  	s4 =	simm.s32 $_size__tile_overlayer_lowered;
	s5 =	simm.s32 $_tile_overlayer_lowered  }
0x9b: {  	s22 =	simm.s32 $0x1BFF;
	s21 =	sshll.u32 s5, $0x1;
	s2 =	sadd.s32 s19, s18  }
0x9c: {  	s6 =	simm.s32 $0x0;
	s20 =	sshll.u32 s4, $0x1;
	s4 =	sadd.s32 s21, s2  }
0x9d: {  	[timem:s6], [sflag:s22] =	dma.local [hbm:s4], s20  }
0x9e: {  	_ =	swait.ge [sflag:s22], s20  }
0x9f: {  	s3 =	ssub.s32 $0x0, s20;
	[sflag:s22] =	ssyncset.done $0x0  }
0xa0: {  	[sflag:s22] =	ssyncadd.s32 s3;
	_ =	sdelay $0x1  }
0xa1: {  	s23 =	simm.s32 $0x1B8B  }
0xa2: {  	_ =	swait.ge [sflag:s23], $0x1  }
0xa3: {  	[sflag:s23] =	ssyncset.done $0x0  }
0xa4: {  	s25 =	simm.s32 $0x1B8E;
	s24 =	sld [smem:$0x3FFE];
	[sflag:s23] =	ssyncadd.s32 $0xFFFFFFFF  }
0xa5: {  	s26 =	simm.s32 $execute0_lowered;
	[smem:$0x3FD2] =	sst s25  }
0xa6: {  	s4 =	sshll.u32 s26, $0x1;
	_ =	strace $0x80000049;
	[dreg:$0x1] =	wrdreg $0xFFFFFFFF  }
0xa7: {  	s28 =	simm.s32 $_size_execute0_lowered;
	s2 =	sadd.s32 s2, s4;
	[dreg:$0x0] =	wrdreg $0x0  }
0xa8: {  	s4 =	sshll.u32 s28, $0x1;
	[dreg:$0x2] =	wrdreg s2  }
0xa9: {  	[dreg:$0x3] =	wrdreg s4  }
0xaa: {  	[dreg:$0x4] =	wrdreg $0xC0  }
0xab: {  	_ =	task [dreg:s6], $0x5FFFF  }
0xac: {  	[dreg:$0x1] =	wrdreg $0xFFFFFFFF  }
0xad: {  	[dreg:$0x0] =	wrdreg $0x60  }
0xae: {  	[dreg:$0x2] =	wrdreg s24  }
0xaf: {  	[dreg:$0x3] =	wrdreg $0xD0000  }
0xb0: {  	[dreg:$0x4] =	wrdreg $0x9  }
0xb1: {  	_ =	task.clear_ibuf [dreg:s6], $0x5FFFF;
	_ =	strace $0x90000049  }
0xb2: {  	s29 =	simm.s32 $0x9;
	_ =	strace $0x8000004B  }
0xb3: {  	_ =	swait.ge [sflag:s29], $0x1  }
0xb4: {  	[sflag:s29] =	ssyncadd.s32 $0xFFFFFFFF  }
0xb5: {  	_ =	strace $0x9000004B  }
0xb6: {  	_ =	sfence  }
0xb7: {  	s30 =	sld [smem:$0x0];
	_ =	sdelay $0x2  }
0xb8: {  	s31 =	sshll.u32 s1, $0xD;
	s1 =	sshrl.u32 s1, $0x2  }
0xb9: {  	s3 =	sand.u32 $0x4000, s31;
	s1 =	sadd.s32 s1, s30  }
0xba: {  	s0 =	sor.u32 s3, s0;
	s1 =	sshll.u32 s1, $0x11  }
0xbb: {  	s0 =	sor.u32 s1, s0  }
0xbc: {  	s0 =	sadd.s32 $0x8F2B, s0  }
0xbd: {  	[sflag:s0] =	ssyncadd.remote.s32 $0x1  }
0xbe: {  	_ =	sfence.sel $0xFFFF  }
0xbf: {  	[dreg:$0x0] =	wrdreg $0xFFFFFFFF;
	(pc) =	sbr.abs _section_cstart, $3  }
0xc0: {  	[dreg:$0x1] =	wrdreg $0xFFFFFFFF  }
0xc1: {  	_ =	task.clear_ibuf [dreg:s6], $0x2FFFF;
	_ =	strace $0x9FFFFFFF  }
0xc2: {  	(tm) =	ssettm $0x7FFFFFFF  }
0xc3: {  	_ =	shalt  }
tec
execute0_lowered:
.L_overlay_start_1:
0x0: {  	(tag) =	ssettag $0x1  }
0x1: {  	s0 =	srdreg.scid  }
0x2: {  	s1 =	rddreg [dreg:$0x0];
	s9 =	stileid.u32  }
0x3: {  	s2 =	rddreg [dreg:$0x1];
	s6 =	simm.s32 $0x0;
	s10 =	simm.s32 $0x9  }
0x4: {  	s14 =	simm.s32 $0x80;
	s28 =	simm.s32 $0xC000;
	s4 =	smul.u32 $0x50, s9  }
0x5: {  	s29 =	simm.s32 $0x1;
	s0 =	sand.u32 $0x1, s0;
	s5 =	smul.u32 $0x5000, s9  }
0x6: {  	s30 =	simm.s32 $0x3;
	s31 =	simm.s32 $0x5;
	s3 =	smul.u32 $0x500, s0  }
0x7: {  	[smem:$0x7FF] =	sst s6;
	s26 =	sshll.u32 s9, $0x6;
	s22 =	smul.u32 $0x50000, s0  }
0x8: {  	_ =	strace $0x8000004A;
	s0 =	ssub.s32 $0x2, s0;
	s7 =	sshrl.u32 s5, $0x3  }
0x9: {  	s8 =	sshrl.u32 s0, $0x1;
	s24 =	sadd.s32 s5, s2;
	s3 =	sadd.s32 s4, s3  }
0xa: {  	s4 =	sadd.s32 $0x16C00, s1;
	s6 =	sadd.s32 s5, s22;
	s7 =	sadd.s32 s7, s1  }
0xb: {  	s0 =	ssub.s32 s0, s8;
	s8 =	sshrl.u32 s24, $0x3;
	s5 =	simm.s32 $0x0  }
0xc: {  	s22 =	simm.s32 $0x5000;
	s25 =	sadd.s32 $0x20C00, s7;
	[dreg:$0x9] =	wrdreg s8  }
0xd: {  	s3 =	sshll.u32 s3, $0x4;
	s0 =	smax.u32 s0, $0x1;
	[dreg:$0x5] =	wrdreg s25  }
0xe: {  	s7 =	sor.u32 $0x1C09, s26;
	s3 =	sadd.s32 s3, s1;
	[dreg:$0x7] =	wrdreg s0  }
0xf: {  	s6 =	sshrl.u32 s6, $0x3;
	[dreg:$0x8] =	wrdreg s7;
	s23 =	sadd.s32 $0x2C00, s3  }
0x10: {  	s1 =	sadd.s32 s6, s1;
	s3 =	sadd.s32 $0xCC00, s3;
	[dreg:$0x3] =	wrdreg s23  }
0x11: {  	s26 =	simm.s32 $0x7000;
	s1 =	sadd.s32 $0x2AC00, s1;
	[dreg:$0x4] =	wrdreg s3  }
0x12: {  	s0 =	simm.s32 $0x8;
	[dreg:$0x6] =	wrdreg s1;
	s1 =	simm.s32 $0x7  }
.LBB2_1:
0x13: {  	[dreg:$0xa] =	wrdreg s5  }
0x14: {  	s3 =	simm.s32 $0x0;
	s24 =	rddreg [dreg:$0x3]  }
0x15: {  	[tilespmem:s3], [sflag:$0x9] =	stream.linear.gather [hbm4b:s24+s3], $0x2800, $0x38;
	[tilespmem:$0x12000] =	vst v63  }
0x16: {  	_ =	swait.ge [sflag:s10], $0x2800  }
0x17: {  	[sflag:s10] =	ssyncset.done $0x0  }
0x18: {  	s6 =	simm.s32 $0x2800;
	s25 =	rddreg [dreg:$0x4];
	[sflag:s10] =	ssyncadd.s32 $0xFFFFD800  }
0x19: {  	[tilespmem:s6], [sflag:$0x9] =	stream.linear.gather [hbm4b:s25+s3], $0x2800, $0x38;
	[tilespmem:$0x12000] =	vst v63  }
0x1a: {  	_ =	swait.ge [sflag:s10], $0x2800  }
0x1b: {  	[sflag:s10] =	ssyncset.done $0x0  }
0x1c: {  	s6 =	rddreg [dreg:$0x5];
	[sflag:s10] =	ssyncadd.s32 $0xFFFFD800  }
0x1d: {  	[spmem:s8], [sflag:s7] =	dma.local [hbm:s6], $0xA00  }
0x1e: {  	_ =	swait.ge [sflag:s10], $0xA00  }
0x1f: {  	[sflag:s10] =	ssyncset.done $0x0  }
0x20: {  	[sflag:s10] =	ssyncadd.s32 $0xFFFFF600  }
0x21: {  	s7 =	simm.s32 $0x5000;
	[bflag:$0x0] =	sbarrier.arrive $0xFFFF  }
0x22: {  	[tilespmem:s7], [sflag:$0x1] =	stream.indirect.gather [hbm4b:s4+s14], $0x20, s3, s14, $0xb8;
	[tilespmem:$0x12000] =	vst v63  }
0x23: {  	s8 =	simm.s32 $0x6000  }
0x24: {  	[tilespmem:s8], [sflag:$0x2] =	stream.indirect.gather [hbm4b:s4+s14], $0x20, s14, s14, $0xb8;
	[tilespmem:$0x12000] =	vst v63  }
0x25: {  	s9 =	simm.s32 $0x100;
	s11 =	simm.s32 $0x7000  }
0x26: {  	[tilespmem:s11], [sflag:$0x3] =	stream.indirect.gather [hbm4b:s4+s14], $0x20, s9, s14, $0xb8;
	[tilespmem:$0x12000] =	vst v63  }
0x27: {  	s12 =	simm.s32 $0x180;
	s13 =	simm.s32 $0x8000  }
0x28: {  	[tilespmem:s13], [sflag:$0x4] =	stream.indirect.gather [hbm4b:s4+s14], $0x20, s12, s14, $0xb8;
	[tilespmem:$0x12000] =	vst v63  }
0x29: {  	s15 =	simm.s32 $0x200;
	s12 =	simm.s32 $0x9000  }
0x2a: {  	[tilespmem:s12], [sflag:$0x5] =	stream.indirect.gather [hbm4b:s4+s14], $0x20, s15, s14, $0xb8;
	[tilespmem:$0x12000] =	vst v63  }
0x2b: {  	s16 =	simm.s32 $0x280;
	s17 =	simm.s32 $0xA000  }
0x2c: {  	[tilespmem:s17], [sflag:$0x6] =	stream.indirect.gather [hbm4b:s4+s14], $0x20, s16, s14, $0xb8;
	[tilespmem:$0x12000] =	vst v63  }
0x2d: {  	s18 =	simm.s32 $0x300;
	s13 =	simm.s32 $0xB000  }
0x2e: {  	[tilespmem:s13], [sflag:$0x7] =	stream.indirect.gather [hbm4b:s4+s14], $0x20, s18, s14, $0xb8;
	[tilespmem:$0x12000] =	vst v63  }
0x2f: {  	s19 =	simm.s32 $0x380  }
0x30: {  	[tilespmem:s28], [sflag:$0x8] =	stream.indirect.gather [hbm4b:s4+s14], $0x20, s19, s14, $0xb8;
	[tilespmem:$0x12000] =	vst v63  }
0x31: {  	_ =	swait.ge [sflag:s29], $0x1000  }
0x32: {  	[sflag:s29] =	ssyncset.done $0x0  }
0x33: {  	s20 =	simm.s32 $0x2800;
	[sflag:s29] =	ssyncadd.s32 $0xFFFFF000  }
0x34: {  	[spmem:s2] =	stream.indirect.scatter.add.f32 [tilespmem:s7], [sflag:$0x9], $0x20, s20, s14, $0xb8;
	[tilespmem:$0x12000] =	vst v63  }
0x35: {  	_ =	swait.ge [sflag:s10], $0x1000  }
0x36: {  	p0 =	por $0x0, $0x0;
	[sflag:s10] =	ssyncset.done $0x0  }
0x37: {  	s3 =	simm.s32 @p0 $0x2;
	[sflag:s10] =	ssyncadd.s32 $0xFFFFF000  }
0x38: {  	_ =	swait.ge @p0 [sflag:s3], $0x1000  }
0x39: {  	s5 =	simm.s32 @p0 $0x2880;
	s6 =	simm.s32 @p0 $0x9;
	[sflag:s3] =	ssyncset.done @p0 $0x0  }
0x3a: {  	s7 =	simm.s32 @p0 $0x6000;
	[sflag:s3] =	ssyncadd.s32 @p0 $0xFFFFF000;
	s3 =	simm.s32 @p0 $0x80  }
0x3b: {  	[spmem:s2] =	stream.indirect.scatter.add.f32 @p0 [tilespmem:s7], [sflag:$0x9], $0x20, s5, s3, $0xb8;
	[tilespmem:$0x12000] =	vst v63  }
0x3c: {  	_ =	swait.ge @p0 [sflag:s6], $0x1000  }
0x3d: {  	s8 =	simm.s32 @!p0 $0x2;
	s9 =	simm.s32 @!p0 $0x5000;
	[sflag:s6] =	ssyncset.done @p0 $0x0  }
0x3e: {  	s7 =	simm.s32 @!p0 $0x400;
	s5 =	simm.s32 @!p0 $0x80;
	[sflag:s6] =	ssyncadd.s32 @p0 $0xFFFFF000  }
0x3f: {  	[tilespmem:s9], [sflag:$0x1] =	stream.indirect.gather @!p0 [hbm4b:s4+s5], $0x20, s7, s5, $0xb8;
	[tilespmem:$0x12000] =	vst v63  }
0x40: {  	_ =	swait.ge @!p0 [sflag:s8], $0x1000  }
0x41: {  	s9 =	simm.s32 @!p0 $0x2880;
	[sflag:s8] =	ssyncset.done @!p0 $0x0  }
0x42: {  	s7 =	simm.s32 @!p0 $0x9;
	[sflag:s8] =	ssyncadd.s32 @!p0 $0xFFFFF000;
	s8 =	simm.s32 @!p0 $0x6000  }
0x43: {  	[spmem:s2] =	stream.indirect.scatter.add.f32 @!p0 [tilespmem:s8], [sflag:$0x9], $0x20, s9, s5, $0xb8;
	[tilespmem:$0x12000] =	vst v63  }
0x44: {  	_ =	swait.ge @!p0 [sflag:s7], $0x1000  }
0x45: {  	[sflag:s7] =	ssyncset.done @!p0 $0x0  }
0x46: {  	s9 =	simm.s32 @!p0 $0x480;
	[sflag:s7] =	ssyncadd.s32 @!p0 $0xFFFFF000  }
0x47: {  	[tilespmem:s8], [sflag:$0x2] =	stream.indirect.gather @!p0 [hbm4b:s4+s5], $0x20, s9, s5, $0xb8;
	[tilespmem:$0x12000] =	vst v63  }
0x48: {  	_ =	swait.ge [sflag:s30], $0x1000  }
0x49: {  	[sflag:s30] =	ssyncset.done $0x0  }
0x4a: {  	s21 =	simm.s32 $0x2900;
	[sflag:s30] =	ssyncadd.s32 $0xFFFFF000  }
0x4b: {  	[spmem:s2] =	stream.indirect.scatter.add.f32 [tilespmem:s11], [sflag:$0x9], $0x20, s21, s14, $0xb8;
	[tilespmem:$0x12000] =	vst v63  }
0x4c: {  	_ =	swait.ge [sflag:s10], $0x1000  }
0x4d: {  	[sflag:s10] =	ssyncset.done $0x0  }
0x4e: {  	s8 =	simm.s32 @p0 $0x4;
	[sflag:s10] =	ssyncadd.s32 $0xFFFFF000  }
0x4f: {  	_ =	swait.ge @p0 [sflag:s8], $0x1000  }
0x50: {  	[sflag:s8] =	ssyncset.done @p0 $0x0  }
0x51: {  	s9 =	simm.s32 @p0 $0x2980;
	[sflag:s8] =	ssyncadd.s32 @p0 $0xFFFFF000;
	s8 =	simm.s32 @p0 $0x8000  }
0x52: {  	[spmem:s2] =	stream.indirect.scatter.add.f32 @p0 [tilespmem:s8], [sflag:$0x9], $0x20, s9, s3, $0xb8;
	[tilespmem:$0x12000] =	vst v63  }
0x53: {  	_ =	swait.ge @p0 [sflag:s6], $0x1000  }
0x54: {  	[sflag:s6] =	ssyncset.done @p0 $0x0  }
0x55: {  	s8 =	simm.s32 @!p0 $0x500;
	s9 =	simm.s32 @!p0 $0x7000;
	[sflag:s6] =	ssyncadd.s32 @p0 $0xFFFFF000  }
0x56: {  	[tilespmem:s9], [sflag:$0x3] =	stream.indirect.gather @!p0 [hbm4b:s4+s5], $0x20, s8, s5, $0xb8;
	[tilespmem:$0x12000] =	vst v63  }
0x57: {  	s8 =	simm.s32 @!p0 $0x4  }
0x58: {  	_ =	swait.ge @!p0 [sflag:s8], $0x1000  }
0x59: {  	[sflag:s8] =	ssyncset.done @!p0 $0x0  }
0x5a: {  	s9 =	simm.s32 @!p0 $0x2980;
	[sflag:s8] =	ssyncadd.s32 @!p0 $0xFFFFF000;
	s8 =	simm.s32 @!p0 $0x8000  }
0x5b: {  	[spmem:s2] =	stream.indirect.scatter.add.f32 @!p0 [tilespmem:s8], [sflag:$0x9], $0x20, s9, s5, $0xb8;
	[tilespmem:$0x12000] =	vst v63  }
0x5c: {  	_ =	swait.ge @!p0 [sflag:s7], $0x1000  }
0x5d: {  	[sflag:s7] =	ssyncset.done @!p0 $0x0  }
0x5e: {  	s9 =	simm.s32 @!p0 $0x580;
	[sflag:s7] =	ssyncadd.s32 @!p0 $0xFFFFF000  }
0x5f: {  	[tilespmem:s8], [sflag:$0x4] =	stream.indirect.gather @!p0 [hbm4b:s4+s5], $0x20, s9, s5, $0xb8;
	[tilespmem:$0x12000] =	vst v63  }
0x60: {  	_ =	swait.ge [sflag:s31], $0x1000  }
0x61: {  	[sflag:s31] =	ssyncset.done $0x0  }
0x62: {  	s23 =	simm.s32 $0x2A00;
	[sflag:s31] =	ssyncadd.s32 $0xFFFFF000  }
0x63: {  	[spmem:s2] =	stream.indirect.scatter.add.f32 [tilespmem:s12], [sflag:$0x9], $0x20, s23, s14, $0xb8;
	[tilespmem:$0x12000] =	vst v63  }
0x64: {  	_ =	swait.ge [sflag:s10], $0x1000  }
0x65: {  	[sflag:s10] =	ssyncset.done $0x0  }
0x66: {  	s8 =	simm.s32 @p0 $0x6;
	[sflag:s10] =	ssyncadd.s32 $0xFFFFF000  }
0x67: {  	_ =	swait.ge @p0 [sflag:s8], $0x1000  }
0x68: {  	[sflag:s8] =	ssyncset.done @p0 $0x0  }
0x69: {  	s9 =	simm.s32 @p0 $0x2A80;
	[sflag:s8] =	ssyncadd.s32 @p0 $0xFFFFF000;
	s8 =	simm.s32 @p0 $0xA000  }
0x6a: {  	[spmem:s2] =	stream.indirect.scatter.add.f32 @p0 [tilespmem:s8], [sflag:$0x9], $0x20, s9, s3, $0xb8;
	[tilespmem:$0x12000] =	vst v63  }
0x6b: {  	_ =	swait.ge @p0 [sflag:s6], $0x1000  }
0x6c: {  	[sflag:s6] =	ssyncset.done @p0 $0x0  }
0x6d: {  	s3 =	simm.s32 @!p0 $0x600;
	[sflag:s6] =	ssyncadd.s32 @p0 $0xFFFFF000;
	s6 =	simm.s32 @!p0 $0x9000  }
0x6e: {  	[tilespmem:s6], [sflag:$0x5] =	stream.indirect.gather @!p0 [hbm4b:s4+s5], $0x20, s3, s5, $0xb8;
	[tilespmem:$0x12000] =	vst v63  }
0x6f: {  	s3 =	simm.s32 @!p0 $0x6  }
0x70: {  	_ =	swait.ge @!p0 [sflag:s3], $0x1000  }
0x71: {  	[sflag:s3] =	ssyncset.done @!p0 $0x0  }
0x72: {  	s6 =	simm.s32 @!p0 $0x2A80;
	[sflag:s3] =	ssyncadd.s32 @!p0 $0xFFFFF000;
	s3 =	simm.s32 @!p0 $0xA000  }
0x73: {  	[spmem:s2] =	stream.indirect.scatter.add.f32 @!p0 [tilespmem:s3], [sflag:$0x9], $0x20, s6, s5, $0xb8;
	[tilespmem:$0x12000] =	vst v63  }
0x74: {  	_ =	swait.ge @!p0 [sflag:s7], $0x1000  }
0x75: {  	[sflag:s7] =	ssyncset.done @!p0 $0x0  }
0x76: {  	s6 =	simm.s32 @!p0 $0x680;
	[sflag:s7] =	ssyncadd.s32 @!p0 $0xFFFFF000  }
0x77: {  	[tilespmem:s3], [sflag:$0x6] =	stream.indirect.gather @!p0 [hbm4b:s4+s5], $0x20, s6, s5, $0xb8;
	[tilespmem:$0x12000] =	vst v63  }
0x78: {  	_ =	swait.ge [sflag:s1], $0x1000  }
0x79: {  	[sflag:s1] =	ssyncset.done $0x0  }
0x7a: {  	s24 =	simm.s32 $0x2B00;
	[sflag:s1] =	ssyncadd.s32 $0xFFFFF000  }
0x7b: {  	[spmem:s2] =	stream.indirect.scatter.add.f32 [tilespmem:s13], [sflag:$0x9], $0x20, s24, s14, $0xb8;
	[tilespmem:$0x12000] =	vst v63  }
0x7c: {  	_ =	swait.ge [sflag:s10], $0x1000  }
0x7d: {  	[sflag:s10] =	ssyncset.done $0x0  }
0x7e: {  	s3 =	simm.s32 @!p0 $0x700;
	s6 =	simm.s32 @!p0 $0xB000;
	[sflag:s10] =	ssyncadd.s32 $0xFFFFF000  }
0x7f: {  	[tilespmem:s6], [sflag:$0x7] =	stream.indirect.gather @!p0 [hbm4b:s4+s5], $0x20, s3, s5, $0xb8;
	[tilespmem:$0x12000] =	vst v63  }
0x80: {  	_ =	swait.ge [sflag:s0], $0x1000  }
0x81: {  	[sflag:s0] =	ssyncset.done $0x0  }
0x82: {  	s25 =	simm.s32 $0x2B80;
	[sflag:s0] =	ssyncadd.s32 $0xFFFFF000  }
0x83: {  	[spmem:s2] =	stream.indirect.scatter.add.f32 [tilespmem:s28], [sflag:$0x9], $0x20, s25, s14, $0xb8;
	[tilespmem:$0x12000] =	vst v63  }
0x84: {  	s17 =	simm.s32 $0x2000;
	_ =	swait.ge [sflag:s10], $0x1000  }
0x85: {  	s16 =	simm.s32 $0x400;
	s19 =	simm.s32 $0x1000;
	[sflag:s10] =	ssyncset.done $0x0  }
.LBB2_2:
0x86: {  	s3 =	sadd.s32 $0x380, s16  }
0x87: {  	[sflag:s10] =	ssyncadd.s32 $0xFFFFF000;
	s9 =	smov.u32 s17;
	s17 =	sadd.s32 $0x1000, s17  }
0x88: {  	[tilespmem:s28], [sflag:$0x8] =	stream.indirect.gather [hbm4b:s4+s14], $0x20, s3, s14, $0xb8;
	[tilespmem:$0x12000] =	vst v63  }
0x89: {  	p0 =	sne.s32 s17, $0xA000;
	_ =	swait.ge [sflag:s29], $0x1000  }
0x8a: {  	[sflag:s29] =	ssyncset.done $0x0  }
0x8b: {  	s3 =	sadd.s32 $0x2800, s16;
	[sflag:s29] =	ssyncadd.s32 $0xFFFFF000  }
0x8c: {  	[spmem:s2] =	stream.indirect.scatter.add.f32 [tilespmem:s22], [sflag:$0x9], $0x20, s3, s14, $0xb8;
	[tilespmem:$0x12000] =	vst v63  }
0x8d: {  	_ =	swait.ge [sflag:s10], $0x1000  }
0x8e: {  	p1 =	seq.s32 s19, $0x9000;
	[sflag:s10] =	ssyncset.done $0x0  }
0x8f: {  	s5 =	sshra.s32 @p1 s19, $0x2;
	s3 =	simm.s32 @p1 $0x2;
	[sflag:s10] =	ssyncadd.s32 $0xFFFFF000  }
0x90: {  	s19 =	sshra.s32 @!p1 s19, $0x2;
	s6 =	sadd.s32 @p1 $0x2880, s5;
	_ =	swait.ge @p1 [sflag:s3], $0x1000  }
0x91: {  	s21 =	simm.s32 @p1 $0x9;
	s7 =	sadd.s32 @!p1 $0x400, s19;
	[sflag:s3] =	ssyncset.done @p1 $0x0  }
0x92: {  	s24 =	simm.s32 @p1 $0x80;
	[sflag:s3] =	ssyncadd.s32 @p1 $0xFFFFF000;
	s3 =	simm.s32 @p1 $0x6000  }
0x93: {  	[spmem:s2] =	stream.indirect.scatter.add.f32 @p1 [tilespmem:s3], [sflag:$0x9], $0x20, s6, s24, $0xb8;
	[tilespmem:$0x12000] =	vst v63  }
0x94: {  	s13 =	sadd.s32 @!p1 $0x480, s19;
	s6 =	sadd.s32 @!p1 $0x2880, s19;
	_ =	swait.ge @p1 [sflag:s21], $0x1000  }
0x95: {  	s23 =	simm.s32 @!p1 $0x2;
	s11 =	sadd.s32 @p1 $0x2980, s5;
	[sflag:s21] =	ssyncset.done @p1 $0x0  }
0x96: {  	s20 =	simm.s32 @!p1 $0x80;
	s3 =	simm.s32 @!p1 $0x5000;
	[sflag:s21] =	ssyncadd.s32 @p1 $0xFFFFF000  }
0x97: {  	[tilespmem:s3], [sflag:$0x1] =	stream.indirect.gather @!p1 [hbm4b:s4+s20], $0x20, s7, s20, $0xb8;
	[tilespmem:$0x12000] =	vst v63  }
0x98: {  	s15 =	sadd.s32 @!p1 $0x500, s19;
	s12 =	sadd.s32 @!p1 $0x2980, s19;
	_ =	swait.ge @!p1 [sflag:s23], $0x1000  }
0x99: {  	s8 =	sadd.s32 @p1 $0x2A80, s5;
	s3 =	sadd.s32 @!p1 $0x580, s19;
	[sflag:s23] =	ssyncset.done @!p1 $0x0  }
0x9a: {  	s18 =	simm.s32 @!p1 $0x6000;
	s25 =	simm.s32 @!p1 $0x9;
	[sflag:s23] =	ssyncadd.s32 @!p1 $0xFFFFF000  }
0x9b: {  	[spmem:s2] =	stream.indirect.scatter.add.f32 @!p1 [tilespmem:s18], [sflag:$0x9], $0x20, s6, s20, $0xb8;
	[tilespmem:$0x12000] =	vst v63  }
0x9c: {  	s7 =	sadd.s32 @!p1 $0x600, s19;
	s6 =	sadd.s32 @!p1 $0x2A80, s19;
	_ =	swait.ge @!p1 [sflag:s25], $0x1000  }
0x9d: {  	s5 =	sadd.s32 @!p1 $0x680, s19;
	s23 =	sadd.s32 @!p1 $0x700, s19;
	[sflag:s25] =	ssyncset.done @!p1 $0x0  }
0x9e: {  	s19 =	smov.u32 s9;
	[sflag:s25] =	ssyncadd.s32 @!p1 $0xFFFFF000  }
0x9f: {  	[tilespmem:s18], [sflag:$0x2] =	stream.indirect.gather @!p1 [hbm4b:s4+s20], $0x20, s13, s20, $0xb8;
	[tilespmem:$0x12000] =	vst v63  }
0xa0: {  	_ =	swait.ge [sflag:s30], $0x1000  }
0xa1: {  	[sflag:s30] =	ssyncset.done $0x0  }
0xa2: {  	s9 =	sadd.s32 $0x2900, s16;
	[sflag:s30] =	ssyncadd.s32 $0xFFFFF000  }
0xa3: {  	[spmem:s2] =	stream.indirect.scatter.add.f32 [tilespmem:s26], [sflag:$0x9], $0x20, s9, s14, $0xb8;
	[tilespmem:$0x12000] =	vst v63  }
0xa4: {  	_ =	swait.ge [sflag:s10], $0x1000  }
0xa5: {  	[sflag:s10] =	ssyncset.done $0x0  }
0xa6: {  	s9 =	simm.s32 @p1 $0x4;
	[sflag:s10] =	ssyncadd.s32 $0xFFFFF000  }
0xa7: {  	_ =	swait.ge @p1 [sflag:s9], $0x1000  }
0xa8: {  	[sflag:s9] =	ssyncset.done @p1 $0x0  }
0xa9: {  	[sflag:s9] =	ssyncadd.s32 @p1 $0xFFFFF000;
	s9 =	simm.s32 @p1 $0x8000  }
0xaa: {  	[spmem:s2] =	stream.indirect.scatter.add.f32 @p1 [tilespmem:s9], [sflag:$0x9], $0x20, s11, s24, $0xb8;
	[tilespmem:$0x12000] =	vst v63  }
0xab: {  	_ =	swait.ge @p1 [sflag:s21], $0x1000  }
0xac: {  	[sflag:s21] =	ssyncset.done @p1 $0x0  }
0xad: {  	s9 =	simm.s32 @!p1 $0x7000;
	s11 =	simm.s32 @!p1 $0x4;
	[sflag:s21] =	ssyncadd.s32 @p1 $0xFFFFF000  }
0xae: {  	[tilespmem:s9], [sflag:$0x3] =	stream.indirect.gather @!p1 [hbm4b:s4+s20], $0x20, s15, s20, $0xb8;
	[tilespmem:$0x12000] =	vst v63  }
0xaf: {  	_ =	swait.ge @!p1 [sflag:s11], $0x1000  }
0xb0: {  	[sflag:s11] =	ssyncset.done @!p1 $0x0  }
0xb1: {  	s9 =	simm.s32 @!p1 $0x8000;
	[sflag:s11] =	ssyncadd.s32 @!p1 $0xFFFFF000  }
0xb2: {  	[spmem:s2] =	stream.indirect.scatter.add.f32 @!p1 [tilespmem:s9], [sflag:$0x9], $0x20, s12, s20, $0xb8;
	[tilespmem:$0x12000] =	vst v63  }
0xb3: {  	_ =	swait.ge @!p1 [sflag:s25], $0x1000  }
0xb4: {  	[sflag:s25] =	ssyncset.done @!p1 $0x0  }
0xb5: {  	[sflag:s25] =	ssyncadd.s32 @!p1 $0xFFFFF000  }
0xb6: {  	[tilespmem:s9], [sflag:$0x4] =	stream.indirect.gather @!p1 [hbm4b:s4+s20], $0x20, s3, s20, $0xb8;
	[tilespmem:$0x12000] =	vst v63  }
0xb7: {  	_ =	swait.ge [sflag:s31], $0x1000  }
0xb8: {  	[sflag:s31] =	ssyncset.done $0x0  }
0xb9: {  	s3 =	sadd.s32 $0x2A00, s16;
	s9 =	simm.s32 $0x9000;
	[sflag:s31] =	ssyncadd.s32 $0xFFFFF000  }
0xba: {  	[spmem:s2] =	stream.indirect.scatter.add.f32 [tilespmem:s9], [sflag:$0x9], $0x20, s3, s14, $0xb8;
	[tilespmem:$0x12000] =	vst v63  }
0xbb: {  	_ =	swait.ge [sflag:s10], $0x1000  }
0xbc: {  	[sflag:s10] =	ssyncset.done $0x0  }
0xbd: {  	s3 =	simm.s32 @p1 $0x6;
	[sflag:s10] =	ssyncadd.s32 $0xFFFFF000  }
0xbe: {  	_ =	swait.ge @p1 [sflag:s3], $0x1000  }
0xbf: {  	[sflag:s3] =	ssyncset.done @p1 $0x0  }
0xc0: {  	[sflag:s3] =	ssyncadd.s32 @p1 $0xFFFFF000;
	s3 =	simm.s32 @p1 $0xA000  }
0xc1: {  	[spmem:s2] =	stream.indirect.scatter.add.f32 @p1 [tilespmem:s3], [sflag:$0x9], $0x20, s8, s24, $0xb8;
	[tilespmem:$0x12000] =	vst v63  }
0xc2: {  	_ =	swait.ge @p1 [sflag:s21], $0x1000  }
0xc3: {  	[sflag:s21] =	ssyncset.done @p1 $0x0  }
0xc4: {  	s3 =	simm.s32 @!p1 $0x9000;
	s8 =	simm.s32 @!p1 $0x6;
	[sflag:s21] =	ssyncadd.s32 @p1 $0xFFFFF000  }
0xc5: {  	[tilespmem:s3], [sflag:$0x5] =	stream.indirect.gather @!p1 [hbm4b:s4+s20], $0x20, s7, s20, $0xb8;
	[tilespmem:$0x12000] =	vst v63  }
0xc6: {  	_ =	swait.ge @!p1 [sflag:s8], $0x1000  }
0xc7: {  	[sflag:s8] =	ssyncset.done @!p1 $0x0  }
0xc8: {  	s3 =	simm.s32 @!p1 $0xA000;
	[sflag:s8] =	ssyncadd.s32 @!p1 $0xFFFFF000  }
0xc9: {  	[spmem:s2] =	stream.indirect.scatter.add.f32 @!p1 [tilespmem:s3], [sflag:$0x9], $0x20, s6, s20, $0xb8;
	[tilespmem:$0x12000] =	vst v63  }
0xca: {  	_ =	swait.ge @!p1 [sflag:s25], $0x1000  }
0xcb: {  	[sflag:s25] =	ssyncset.done @!p1 $0x0  }
0xcc: {  	[sflag:s25] =	ssyncadd.s32 @!p1 $0xFFFFF000  }
0xcd: {  	[tilespmem:s3], [sflag:$0x6] =	stream.indirect.gather @!p1 [hbm4b:s4+s20], $0x20, s5, s20, $0xb8;
	[tilespmem:$0x12000] =	vst v63  }
0xce: {  	_ =	swait.ge [sflag:s1], $0x1000  }
0xcf: {  	[sflag:s1] =	ssyncset.done $0x0  }
0xd0: {  	s3 =	sadd.s32 $0x2B00, s16;
	s5 =	simm.s32 $0xB000;
	[sflag:s1] =	ssyncadd.s32 $0xFFFFF000  }
0xd1: {  	[spmem:s2] =	stream.indirect.scatter.add.f32 [tilespmem:s5], [sflag:$0x9], $0x20, s3, s14, $0xb8;
	[tilespmem:$0x12000] =	vst v63  }
0xd2: {  	_ =	swait.ge [sflag:s10], $0x1000  }
0xd3: {  	[sflag:s10] =	ssyncset.done $0x0  }
0xd4: {  	s3 =	simm.s32 @!p1 $0xB000;
	[sflag:s10] =	ssyncadd.s32 $0xFFFFF000  }
0xd5: {  	[tilespmem:s3], [sflag:$0x7] =	stream.indirect.gather @!p1 [hbm4b:s4+s20], $0x20, s23, s20, $0xb8;
	[tilespmem:$0x12000] =	vst v63  }
0xd6: {  	_ =	swait.ge [sflag:s0], $0x1000  }
.Ltmp0:
0xd7: {  	[sflag:s0] =	ssyncset.done $0x0;
	(pc) =	sbr.rel @p0 .LBB2_2-.Ltmp0, $4  }
0xd8: {  	s3 =	sadd.s32 $0x2B80, s16;
	[sflag:s0] =	ssyncadd.s32 $0xFFFFF000  }
0xd9: {  	[spmem:s2] =	stream.indirect.scatter.add.f32 [tilespmem:s28], [sflag:$0x9], $0x20, s3, s14, $0xb8;
	[tilespmem:$0x12000] =	vst v63  }
0xda: {  	_ =	swait.ge [sflag:s10], $0x1000  }
0xdb: {  	s16 =	sshra.s32 s19, $0x2;
	[sflag:s10] =	ssyncset.done $0x0  }
0xdc: {  	s3 =	sadd.s32 $0x380, s16;
	[sflag:s10] =	ssyncadd.s32 $0xFFFFF000  }
0xdd: {  	[tilespmem:s28], [sflag:$0x8] =	stream.indirect.gather [hbm4b:s4+s14], $0x20, s3, s14, $0xb8;
	[tilespmem:$0x12000] =	vst v63  }
0xde: {  	_ =	swait.ge [sflag:s29], $0x1000  }
0xdf: {  	[sflag:s29] =	ssyncset.done $0x0  }
0xe0: {  	s13 =	sadd.s32 $0x2800, s16;
	[sflag:s29] =	ssyncadd.s32 $0xFFFFF000  }
0xe1: {  	[spmem:s2] =	stream.indirect.scatter.add.f32 [tilespmem:s22], [sflag:$0x9], $0x20, s13, s14, $0xb8;
	[tilespmem:$0x12000] =	vst v63  }
0xe2: {  	_ =	swait.ge [sflag:s10], $0x1000  }
0xe3: {  	p0 =	seq.s32 s19, $0x9000;
	[sflag:s10] =	ssyncset.done $0x0  }
0xe4: {  	s3 =	simm.s32 @p0 $0x2;
	[sflag:s10] =	ssyncadd.s32 $0xFFFFF000  }
0xe5: {  	s8 =	sshra.s32 @p0 s19, $0x2;
	_ =	swait.ge @p0 [sflag:s3], $0x1000  }
0xe6: {  	s7 =	simm.s32 @p0 $0x9;
	s6 =	simm.s32 @p0 $0x6000;
	[sflag:s3] =	ssyncset.done @p0 $0x0  }
0xe7: {  	s5 =	sadd.s32 @p0 $0x2880, s8;
	[sflag:s3] =	ssyncadd.s32 @p0 $0xFFFFF000;
	s3 =	simm.s32 @p0 $0x80  }
0xe8: {  	[spmem:s2] =	stream.indirect.scatter.add.f32 @p0 [tilespmem:s6], [sflag:$0x9], $0x20, s5, s3, $0xb8;
	[tilespmem:$0x12000] =	vst v63  }
0xe9: {  	s11 =	simm.s32 @!p0 $0x2;
	_ =	swait.ge @p0 [sflag:s7], $0x1000  }
0xea: {  	s12 =	simm.s32 @!p0 $0x5000;
	s5 =	sshra.s32 @!p0 s19, $0x2;
	[sflag:s7] =	ssyncset.done @p0 $0x0  }
0xeb: {  	s6 =	simm.s32 @!p0 $0x80;
	s9 =	sadd.s32 @!p0 $0x400, s5;
	[sflag:s7] =	ssyncadd.s32 @p0 $0xFFFFF000  }
0xec: {  	[tilespmem:s12], [sflag:$0x1] =	stream.indirect.gather @!p0 [hbm4b:s4+s6], $0x20, s9, s6, $0xb8;
	[tilespmem:$0x12000] =	vst v63  }
0xed: {  	_ =	swait.ge @!p0 [sflag:s11], $0x1000  }
0xee: {  	s12 =	sadd.s32 @!p0 $0x2880, s5;
	[sflag:s11] =	ssyncset.done @!p0 $0x0  }
0xef: {  	s9 =	simm.s32 @!p0 $0x9;
	[sflag:s11] =	ssyncadd.s32 @!p0 $0xFFFFF000;
	s11 =	simm.s32 @!p0 $0x6000  }
0xf0: {  	[spmem:s2] =	stream.indirect.scatter.add.f32 @!p0 [tilespmem:s11], [sflag:$0x9], $0x20, s12, s6, $0xb8;
	[tilespmem:$0x12000] =	vst v63  }
0xf1: {  	_ =	swait.ge @!p0 [sflag:s9], $0x1000  }
0xf2: {  	[sflag:s9] =	ssyncset.done @!p0 $0x0  }
0xf3: {  	s12 =	sadd.s32 @!p0 $0x480, s5;
	[sflag:s9] =	ssyncadd.s32 @!p0 $0xFFFFF000  }
0xf4: {  	[tilespmem:s11], [sflag:$0x2] =	stream.indirect.gather @!p0 [hbm4b:s4+s6], $0x20, s12, s6, $0xb8;
	[tilespmem:$0x12000] =	vst v63  }
0xf5: {  	_ =	swait.ge [sflag:s30], $0x1000  }
0xf6: {  	[sflag:s30] =	ssyncset.done $0x0  }
0xf7: {  	s15 =	sadd.s32 $0x2900, s16;
	[sflag:s30] =	ssyncadd.s32 $0xFFFFF000  }
0xf8: {  	[spmem:s2] =	stream.indirect.scatter.add.f32 [tilespmem:s26], [sflag:$0x9], $0x20, s15, s14, $0xb8;
	[tilespmem:$0x12000] =	vst v63  }
0xf9: {  	_ =	swait.ge [sflag:s10], $0x1000  }
0xfa: {  	[sflag:s10] =	ssyncset.done $0x0  }
0xfb: {  	s11 =	simm.s32 @p0 $0x4;
	[sflag:s10] =	ssyncadd.s32 $0xFFFFF000  }
0xfc: {  	_ =	swait.ge @p0 [sflag:s11], $0x1000  }
0xfd: {  	[sflag:s11] =	ssyncset.done @p0 $0x0  }
0xfe: {  	s12 =	sadd.s32 @p0 $0x2980, s8;
	[sflag:s11] =	ssyncadd.s32 @p0 $0xFFFFF000;
	s11 =	simm.s32 @p0 $0x8000  }
0xff: {  	[spmem:s2] =	stream.indirect.scatter.add.f32 @p0 [tilespmem:s11], [sflag:$0x9], $0x20, s12, s3, $0xb8;
	[tilespmem:$0x12000] =	vst v63  }
0x100: {  	_ =	swait.ge @p0 [sflag:s7], $0x1000  }
0x101: {  	[sflag:s7] =	ssyncset.done @p0 $0x0  }
0x102: {  	s11 =	sadd.s32 @!p0 $0x500, s5;
	s12 =	simm.s32 @!p0 $0x7000;
	[sflag:s7] =	ssyncadd.s32 @p0 $0xFFFFF000  }
0x103: {  	[tilespmem:s12], [sflag:$0x3] =	stream.indirect.gather @!p0 [hbm4b:s4+s6], $0x20, s11, s6, $0xb8;
	[tilespmem:$0x12000] =	vst v63  }
0x104: {  	s11 =	simm.s32 @!p0 $0x4  }
0x105: {  	_ =	swait.ge @!p0 [sflag:s11], $0x1000  }
0x106: {  	[sflag:s11] =	ssyncset.done @!p0 $0x0  }
0x107: {  	s12 =	sadd.s32 @!p0 $0x2980, s5;
	[sflag:s11] =	ssyncadd.s32 @!p0 $0xFFFFF000;
	s11 =	simm.s32 @!p0 $0x8000  }
0x108: {  	[spmem:s2] =	stream.indirect.scatter.add.f32 @!p0 [tilespmem:s11], [sflag:$0x9], $0x20, s12, s6, $0xb8;
	[tilespmem:$0x12000] =	vst v63  }
0x109: {  	_ =	swait.ge @!p0 [sflag:s9], $0x1000  }
0x10a: {  	[sflag:s9] =	ssyncset.done @!p0 $0x0  }
0x10b: {  	s12 =	sadd.s32 @!p0 $0x580, s5;
	[sflag:s9] =	ssyncadd.s32 @!p0 $0xFFFFF000  }
0x10c: {  	[tilespmem:s11], [sflag:$0x4] =	stream.indirect.gather @!p0 [hbm4b:s4+s6], $0x20, s12, s6, $0xb8;
	[tilespmem:$0x12000] =	vst v63  }
0x10d: {  	_ =	swait.ge [sflag:s31], $0x1000  }
0x10e: {  	[sflag:s31] =	ssyncset.done $0x0  }
0x10f: {  	s17 =	sadd.s32 $0x2A00, s16;
	s18 =	simm.s32 $0x9000;
	[sflag:s31] =	ssyncadd.s32 $0xFFFFF000  }
0x110: {  	[spmem:s2] =	stream.indirect.scatter.add.f32 [tilespmem:s18], [sflag:$0x9], $0x20, s17, s14, $0xb8;
	[tilespmem:$0x12000] =	vst v63  }
0x111: {  	_ =	swait.ge [sflag:s10], $0x1000  }
0x112: {  	[sflag:s10] =	ssyncset.done $0x0  }
0x113: {  	s11 =	simm.s32 @p0 $0x6;
	[sflag:s10] =	ssyncadd.s32 $0xFFFFF000  }
0x114: {  	_ =	swait.ge @p0 [sflag:s11], $0x1000  }
0x115: {  	[sflag:s11] =	ssyncset.done @p0 $0x0  }
0x116: {  	s8 =	sadd.s32 @p0 $0x2A80, s8;
	[sflag:s11] =	ssyncadd.s32 @p0 $0xFFFFF000;
	s11 =	simm.s32 @p0 $0xA000  }
0x117: {  	[spmem:s2] =	stream.indirect.scatter.add.f32 @p0 [tilespmem:s11], [sflag:$0x9], $0x20, s8, s3, $0xb8;
	[tilespmem:$0x12000] =	vst v63  }
0x118: {  	_ =	swait.ge @p0 [sflag:s7], $0x1000  }
0x119: {  	[sflag:s7] =	ssyncset.done @p0 $0x0  }
0x11a: {  	s3 =	sadd.s32 @!p0 $0x600, s5;
	[sflag:s7] =	ssyncadd.s32 @p0 $0xFFFFF000;
	s7 =	simm.s32 @!p0 $0x9000  }
0x11b: {  	[tilespmem:s7], [sflag:$0x5] =	stream.indirect.gather @!p0 [hbm4b:s4+s6], $0x20, s3, s6, $0xb8;
	[tilespmem:$0x12000] =	vst v63  }
0x11c: {  	s3 =	simm.s32 @!p0 $0x6  }
0x11d: {  	_ =	swait.ge @!p0 [sflag:s3], $0x1000  }
0x11e: {  	[sflag:s3] =	ssyncset.done @!p0 $0x0  }
0x11f: {  	s7 =	sadd.s32 @!p0 $0x2A80, s5;
	[sflag:s3] =	ssyncadd.s32 @!p0 $0xFFFFF000;
	s3 =	simm.s32 @!p0 $0xA000  }
0x120: {  	[spmem:s2] =	stream.indirect.scatter.add.f32 @!p0 [tilespmem:s3], [sflag:$0x9], $0x20, s7, s6, $0xb8;
	[tilespmem:$0x12000] =	vst v63  }
0x121: {  	_ =	swait.ge @!p0 [sflag:s9], $0x1000  }
0x122: {  	[sflag:s9] =	ssyncset.done @!p0 $0x0  }
0x123: {  	s7 =	sadd.s32 @!p0 $0x680, s5;
	[sflag:s9] =	ssyncadd.s32 @!p0 $0xFFFFF000  }
0x124: {  	[tilespmem:s3], [sflag:$0x6] =	stream.indirect.gather @!p0 [hbm4b:s4+s6], $0x20, s7, s6, $0xb8;
	[tilespmem:$0x12000] =	vst v63  }
0x125: {  	_ =	swait.ge [sflag:s1], $0x1000  }
0x126: {  	[sflag:s1] =	ssyncset.done $0x0  }
0x127: {  	s20 =	simm.s32 $0xB000;
	s19 =	sadd.s32 $0x2B00, s16;
	[sflag:s1] =	ssyncadd.s32 $0xFFFFF000  }
0x128: {  	[spmem:s2] =	stream.indirect.scatter.add.f32 [tilespmem:s20], [sflag:$0x9], $0x20, s19, s14, $0xb8;
	[tilespmem:$0x12000] =	vst v63  }
0x129: {  	_ =	swait.ge [sflag:s10], $0x1000  }
0x12a: {  	[sflag:s10] =	ssyncset.done $0x0  }
0x12b: {  	s3 =	sadd.s32 @!p0 $0x700, s5;
	s5 =	simm.s32 @!p0 $0xB000;
	[sflag:s10] =	ssyncadd.s32 $0xFFFFF000  }
0x12c: {  	[tilespmem:s5], [sflag:$0x7] =	stream.indirect.gather @!p0 [hbm4b:s4+s6], $0x20, s3, s6, $0xb8;
	[tilespmem:$0x12000] =	vst v63  }
0x12d: {  	_ =	swait.ge [sflag:s0], $0x1000  }
0x12e: {  	[sflag:s0] =	ssyncset.done $0x0  }
0x12f: {  	s21 =	sadd.s32 $0x2B80, s16;
	[sflag:s0] =	ssyncadd.s32 $0xFFFFF000  }
0x130: {  	[spmem:s2] =	stream.indirect.scatter.add.f32 [tilespmem:s28], [sflag:$0x9], $0x20, s21, s14, $0xb8;
	[tilespmem:$0x12000] =	vst v63  }
0x131: {  	_ =	swait.ge [sflag:s10], $0x1000  }
0x132: {  	[sflag:s10] =	ssyncset.done $0x0  }
0x133: {  	[sflag:s10] =	ssyncadd.s32 $0xFFFFF000  }
0x134: {  	[bflag:$0x0] =	sbarrier.arrive $0xFFFF  }
0x135: {  	s23 =	rddreg [dreg:$0x6]  }
0x136: {  	s7 =	rddreg [dreg:$0x8]  }
0x137: {  	s8 =	rddreg [dreg:$0x9]  }
0x138: {  	[hbm:s23], [sflag:s7] =	dma.local [spmem:s8], $0xA00  }
0x139: {  	_ =	swait.ge [sflag:s10], $0xA00  }
0x13a: {  	s24 =	rddreg [dreg:$0xa]  }
0x13b: {  	s25 =	rddreg [dreg:$0x7];
	s5 =	sadd.s32 $0x1, s24  }
0x13c: {  	p0 =	sne.s32 s5, s25  }
.Ltmp1:
0x13d: {  	_ = 	snop;
	(pc) =	sbr.rel @p0 .LBB2_1-.Ltmp1, $3  }
0x13e: {  	_ =	sdelay $0x1  }
0x13f: {  	[sflag:s10] =	ssyncset.done $0x0  }
0x140: {  	[sflag:s10] =	ssyncadd.s32 $0xFFFFF600  }
0x141: {  	_ =	sfence.sel $0x180000  }
0x142: {  	[bflag:$0x0] =	sbarrier.arrive $0xFFFF  }
0x143: {  	_ =	strace $0x9000004A  }
0x144: {  	s0 =	stileid.u32;
	[bflag:$0x2] =	sbarrier.arrive $0xFFFF  }
0x145: {  	p0 =	sne.s32 s0, $0x0;
	s0 =	rddreg [dreg:$0x2]  }
0x146: {  	s0 =	sadd.s32 @!p0 $0x100000, s0  }
0x147: {  	[sflag:s0] =	ssyncadd.tile.s32 @!p0 $0x1;
	_ =	shalt  }
.Lfunc_end2:
_tile_overlayer_lowered:
.L_overlay_start_2:
0x148: {  	(tag) =	ssettag $0x2  }
0x149: {  	s0 =	rddreg [dreg:$0x0];
	s2 =	stileid.u32  }
0x14a: {  	s1 =	rddreg [dreg:$0x1];
	p0 =	sne.s32 s2, $0x0  }
0x14b: {  	s3 =	rddreg [dreg:$0x2];
	[bflag:$0x3] =	sbarrier.arrive $0xFFFF;
	s2 =	simm.s32 @!p0 $0x1C09  }
0x14c: {  	[timem:s3], [sflag:s2] =	dma.local @!p0 [hbm:s0], s1  }
0x14d: {  	s0 =	simm.s32 @!p0 $0x9  }
0x14e: {  	_ =	swait.ge @!p0 [sflag:s0], s1  }
0x14f: {  	s1 =	ssub.s32 @!p0 $0x0, s1;
	[sflag:s0] =	ssyncset.done @!p0 $0x0  }
0x150: {  	[sflag:s0] =	ssyncadd.s32 @!p0 s1  }
0x151: {  	[bflag:$0x3] =	sbarrier.arrive $0xFFFF  }
0x152: {  	_ =	shalt  }

// kernel: kernel.14.cloned.1.call-start
scs
__scs_entry_jumppad:
0x0: {  	(pc) =	sbr.rel $0x88, $3  }
0x1: {  	(tag) =	ssettag $0x0;
	lr =	simm.s32 $0x1  }
0x2: {  	[smem:$0x3F99] =	sst lr;
	_ =	strace $0xD0000000  }
0x3: {  	_ = 	snop  }
0x4: {  	_ = 	snop  }
0x5: {  	_ = 	snop  }
0x6: {  	_ = 	snop  }
0x7: {  	_ = 	snop  }
__scs_overlays_trampoline_lowered:
0x8: {  	[smem:$0x3FA8] =	sst s0  }
0x9: {  	[smem:$0x3FA9] =	sst s1  }
0xa: {  	[smem:$0x3FAA] =	sst s2  }
0xb: {  	[smem:$0x3FAB] =	sst s3  }
0xc: {  	[smem:$0x3FAC] =	sst s4  }
0xd: {  	[smem:$0x3FAD] =	sst s5  }
0xe: {  	[smem:$0x3FAE] =	sst s6  }
0xf: {  	[smem:$0x3FAF] =	sst s7  }
0x10: {  	[smem:$0x3FB0] =	sst s8  }
0x11: {  	[smem:$0x3FB1] =	sst s9;
	s0 =	simm.s32 @!p0 $0x0  }
0x12: {  	s1 =	sld [smem:$0x3F97];
	s0 =	simm.s32 @p0 $0x1  }
0x13: {  	[smem:$0x3FB2] =	sst s0;
	s0 =	simm.s32 @!p1 $0x0  }
0x14: {  	s2 =	sld [smem:$0x3F96];
	s0 =	simm.s32 @p1 $0x1  }
0x15: {  	[smem:$0x3FB3] =	sst s0;
	s0 =	simm.s32 @!p2 $0x0  }
0x16: {  	s3 =	sld [smem:$0x3FDB];
	s0 =	simm.s32 @p2 $0x1  }
0x17: {  	s4 =	simm.s32 $0x1BF5;
	[smem:$0x3FB5] =	sst s0  }
0x18: {  	s0 =	sld [smem:$0x3F98];
	_ =	swait.ge [sflag:s4], $0x0  }
0x19: {  	s7 =	sld [smem:$0x3F99]  }
0x1a: {  	s8 =	sadd.s32 $0xFFFFE003, lr  }
0x1b: {  	s9 =	sadd.s32 $0xFFFFFEF7, lr;
	s5 =	simm.s32 $0xFFFFFFFF;
	p2 =	slt.u32 s8, $0xFFFFF086  }
0x1c: {  	p1 =	slt.u32 s9, $0xF7A;
	s5 =	simm.s32 @!p2 $0x0  }
0x1d: {  	s5 =	simm.s32 @p1 $0x1;
	p0 =	seq.s32 s7, s2  }
0x1e: {  	s7 =	smul.u32 @!p0 $0xF7A, s2;
	p2 =	seq.s32 @!p0 s5, $0x0  }
0x1f: {  	s9 =	smul.u32 $0xF7A, s1;
	s8 =	simm.s32 @!p0 $0x1BF5;
	p2 =	por !p2, p0  }
0x20: {  	[sflag:s8] =	ssyncset.s32 @!p0 $0xFFFFF086;
	s6 =	sadd.s32 @!p0 s3, s7;
	s7 =	simm.s32 @!p0 $0x108  }
0x21: {  	s3 =	sadd.s32 s3, s9;
	s6 =	sadd.s32 @!p0 $0x88, s6;
	s7 =	simm.s32 @p2 $0x1082  }
0x22: {  	[simem:s7], [sflag:s8] =	dma.local @!p0 [hbm:s6], $0xF7A  }
0x23: {  	s9 =	sor.u32 $0xD0000000, s2;
	s6 =	simm.s32 $0x108;
	_ =	swait.ge @!p0 [sflag:s8], $0x0  }
0x24: {  	s3 =	sadd.s32 $0x88, s3;
	s6 =	simm.s32 @!p1 $0x1082;
	[sflag:s4] =	ssyncset.s32 $0xFFFFF086  }
0x25: {  	[simem:s6], [sflag:s4] =	dma.local [hbm:s3], $0xF7A  }
0x26: {  	[smem:$0x3F99] =	sst s1;
	(tag) =	ssettag s2;
	_ =	strace s9  }
0x27: {  	s1 =	sld [smem:$0x3FA9]  }
0x28: {  	s2 =	sld [smem:$0x3FAA]  }
0x29: {  	s4 =	sld [smem:$0x3FAC]  }
0x2a: {  	p0 =	seq.s32 s5, $0x0;
	s5 =	sld [smem:$0x3FAD]  }
0x2b: {  	s6 =	sld [smem:$0x3FAE]  }
0x2c: {  	s7 =	sld [smem:$0x3FAF]  }
0x2d: {  	s3 =	simm.s32 $0x108;
	s8 =	sld [smem:$0x3FB0]  }
0x2e: {  	s3 =	simm.s32 @!p0 $0x1082;
	s9 =	sld [smem:$0x3FB1]  }
0x2f: {  	lr =	sadd.s32 s0, s3;
	s0 =	sld [smem:$0x3FA8]  }
0x30: {  	s3 =	sld [smem:$0x3FAB]  }
0x31: {  	[smem:$0x3FB4] =	sst s10  }
0x32: {  	s10 =	sld [smem:$0x3FB2];
	_ =	sdelay $0x3  }
0x33: {  	p0 =	seq.s32 s10, $0x1;
	s10 =	sld [smem:$0x3FB4];
	_ =	sdelay $0x3  }
0x34: {  	[smem:$0x3FB4] =	sst s10  }
0x35: {  	s10 =	sld [smem:$0x3FB3];
	_ =	sdelay $0x3  }
0x36: {  	p1 =	seq.s32 s10, $0x1;
	s10 =	sld [smem:$0x3FB4];
	_ =	sdelay $0x3  }
0x37: {  	[smem:$0x3FB4] =	sst s10  }
0x38: {  	s10 =	sld [smem:$0x3FB5]  }
0x39: {  	_ = 	snop;
	(pc) =	sbr.ind lr, $3  }
0x3a: {  	_ = 	snop  }
0x3b: {  	_ = 	snop  }
0x3c: {  	p2 =	seq.s32 s10, $0x1;
	s10 =	sld [smem:$0x3FB4]  }
0x3d: {  	_ =	shalt  }
0x3e: {  	_ =	shalt  }
0x3f: {  	_ =	shalt  }
0x40: {  	_ =	shalt  }
0x41: {  	_ =	shalt  }
0x42: {  	_ =	shalt  }
0x43: {  	_ =	shalt  }
0x44: {  	_ =	shalt  }
0x45: {  	_ =	shalt  }
0x46: {  	_ =	shalt  }
0x47: {  	_ =	shalt  }
0x48: {  	_ =	shalt  }
0x49: {  	_ =	shalt  }
0x4a: {  	_ =	shalt  }
0x4b: {  	_ =	shalt  }
0x4c: {  	_ =	shalt  }
0x4d: {  	_ =	shalt  }
0x4e: {  	_ =	shalt  }
0x4f: {  	_ =	shalt  }
0x50: {  	_ =	shalt  }
0x51: {  	_ =	shalt  }
0x52: {  	_ =	shalt  }
0x53: {  	_ =	shalt  }
0x54: {  	_ =	shalt  }
0x55: {  	_ =	shalt  }
0x56: {  	_ =	shalt  }
0x57: {  	_ =	shalt  }
0x58: {  	_ =	shalt  }
0x59: {  	_ =	shalt  }
0x5a: {  	_ =	shalt  }
0x5b: {  	_ =	shalt  }
0x5c: {  	_ =	shalt  }
0x5d: {  	_ =	shalt  }
0x5e: {  	_ =	shalt  }
0x5f: {  	_ =	shalt  }
0x60: {  	_ =	shalt  }
0x61: {  	_ =	shalt  }
0x62: {  	_ =	shalt  }
0x63: {  	_ =	shalt  }
0x64: {  	_ =	shalt  }
0x65: {  	_ =	shalt  }
0x66: {  	_ =	shalt  }
0x67: {  	_ =	shalt  }
0x68: {  	_ =	shalt  }
0x69: {  	_ =	shalt  }
0x6a: {  	_ =	shalt  }
0x6b: {  	_ =	shalt  }
0x6c: {  	_ =	shalt  }
0x6d: {  	_ =	shalt  }
0x6e: {  	_ =	shalt  }
0x6f: {  	_ =	shalt  }
0x70: {  	_ =	shalt  }
0x71: {  	_ =	shalt  }
0x72: {  	_ =	shalt  }
0x73: {  	_ =	shalt  }
0x74: {  	_ =	shalt  }
0x75: {  	_ =	shalt  }
0x76: {  	_ =	shalt  }
0x77: {  	_ =	shalt  }
0x78: {  	_ =	shalt  }
0x79: {  	_ =	shalt  }
0x7a: {  	_ =	shalt  }
0x7b: {  	_ =	shalt  }
0x7c: {  	_ =	shalt  }
0x7d: {  	_ =	shalt  }
0x7e: {  	_ =	shalt  }
0x7f: {  	_ =	shalt  }
0x80: {  	_ =	shalt  }
0x81: {  	_ =	shalt  }
0x82: {  	_ =	shalt  }
0x83: {  	_ =	shalt  }
0x84: {  	_ =	shalt  }
0x85: {  	_ =	shalt  }
0x86: {  	_ =	shalt  }
0x87: {  	_ =	shalt  }
.Lfunc_end0:
.L_simem_size_0:
called_computation.2_lowered:
.L_overlay_start_0:
0x88: {  	s2 =	sld [smem:$0x3FD9]  }
0x89: {  	s3 =	sld [smem:$0x3FFE];
	_ =	sdelay $0x1  }
0x8a: {  	s1 =	srdreg.scid  }
0x8b: {  	s0 =	sand.u32 $0x1, s1  }
0x8c: {  	s16 =	sshll.u32 s0, $0xA;
	s2 =	sadd.s32 s3, s2  }
0x8d: {  	s2 =	sadd.s32 s2, s16  }
0x8e: {  	[smem:$0x3FC0] =	sst s2  }
0x8f: {  	_ = 	snop  }
0x90: {  	(tm) =	ssettm $0x1  }
0x91: {  	s17 =	sld [smem:$0x3FFB];
	_ =	sdelay $0x3  }
0x92: {  	_ =	strace s17  }
0x93: {  	s2 =	sld [smem:$0x3FFC];
	_ =	sdelay $0x3  }
0x94: {  	_ =	strace s2  }
0x95: {  	s2 =	sld [smem:$0x3FFD];
	_ =	sdelay $0x3  }
0x96: {  	_ =	strace s2  }
0x97: {  	_ =	strace $0x8FFFFFFF  }
0x98: {  	s18 =	sld [smem:$0x3FDB];
	_ =	sdelay $0x1  }
0x99: {  	s19 =	simm.s32 $_scs_section_size  }
0x9a: {  	s4 =	simm.s32 $_size__tile_overlayer_lowered;
	s5 =	simm.s32 $_tile_overlayer_lowered  }
0x9b: {  	s22 =	simm.s32 $0x1BFF;
	s21 =	sshll.u32 s5, $0x1;
	s2 =	sadd.s32 s19, s18  }
0x9c: {  	s6 =	simm.s32 $0x0;
	s20 =	sshll.u32 s4, $0x1;
	s4 =	sadd.s32 s21, s2  }
0x9d: {  	[timem:s6], [sflag:s22] =	dma.local [hbm:s4], s20  }
0x9e: {  	_ =	swait.ge [sflag:s22], s20  }
0x9f: {  	s3 =	ssub.s32 $0x0, s20;
	[sflag:s22] =	ssyncset.done $0x0  }
0xa0: {  	[sflag:s22] =	ssyncadd.s32 s3;
	_ =	sdelay $0x1  }
0xa1: {  	s23 =	simm.s32 $0x1B8B  }
0xa2: {  	_ =	swait.ge [sflag:s23], $0x1  }
0xa3: {  	[sflag:s23] =	ssyncset.done $0x0  }
0xa4: {  	s25 =	simm.s32 $0x1B8E;
	s24 =	sld [smem:$0x3FFE];
	[sflag:s23] =	ssyncadd.s32 $0xFFFFFFFF  }
0xa5: {  	s26 =	simm.s32 $execute0_lowered;
	[smem:$0x3FD2] =	sst s25  }
0xa6: {  	s4 =	sshll.u32 s26, $0x1;
	_ =	strace $0x8000004C;
	[dreg:$0x1] =	wrdreg $0xFFFFFFFF  }
0xa7: {  	s28 =	simm.s32 $_size_execute0_lowered;
	s2 =	sadd.s32 s2, s4;
	[dreg:$0x0] =	wrdreg $0x0  }
0xa8: {  	s4 =	sshll.u32 s28, $0x1;
	[dreg:$0x2] =	wrdreg s2  }
0xa9: {  	[dreg:$0x3] =	wrdreg s4  }
0xaa: {  	[dreg:$0x4] =	wrdreg $0xC0  }
0xab: {  	_ =	task [dreg:s6], $0x5FFFF  }
0xac: {  	[dreg:$0x1] =	wrdreg $0xFFFFFFFF  }
0xad: {  	[dreg:$0x0] =	wrdreg $0x60  }
0xae: {  	[dreg:$0x2] =	wrdreg s24  }
0xaf: {  	[dreg:$0x3] =	wrdreg $0xD0000  }
0xb0: {  	[dreg:$0x4] =	wrdreg $0x9  }
0xb1: {  	_ =	task.clear_ibuf [dreg:s6], $0x5FFFF;
	_ =	strace $0x9000004C  }
0xb2: {  	s29 =	simm.s32 $0x9;
	_ =	strace $0x8000004E  }
0xb3: {  	_ =	swait.ge [sflag:s29], $0x1  }
0xb4: {  	[sflag:s29] =	ssyncadd.s32 $0xFFFFFFFF  }
0xb5: {  	_ =	strace $0x9000004E  }
0xb6: {  	_ =	sfence  }
0xb7: {  	s30 =	sld [smem:$0x0];
	_ =	sdelay $0x2  }
0xb8: {  	s31 =	sshll.u32 s1, $0xD;
	s1 =	sshrl.u32 s1, $0x2  }
0xb9: {  	s3 =	sand.u32 $0x4000, s31;
	s1 =	sadd.s32 s1, s30  }
0xba: {  	s0 =	sor.u32 s3, s0;
	s1 =	sshll.u32 s1, $0x11  }
0xbb: {  	s0 =	sor.u32 s1, s0  }
0xbc: {  	s0 =	sadd.s32 $0x8F2B, s0  }
0xbd: {  	[sflag:s0] =	ssyncadd.remote.s32 $0x1  }
0xbe: {  	_ =	sfence.sel $0xFFFF  }
0xbf: {  	[dreg:$0x0] =	wrdreg $0xFFFFFFFF;
	(pc) =	sbr.abs _section_cstart, $3  }
0xc0: {  	[dreg:$0x1] =	wrdreg $0xFFFFFFFF  }
0xc1: {  	_ =	task.clear_ibuf [dreg:s6], $0x2FFFF;
	_ =	strace $0x9FFFFFFF  }
0xc2: {  	(tm) =	ssettm $0x7FFFFFFF  }
0xc3: {  	_ =	shalt  }
tec
execute0_lowered:
.L_overlay_start_1:
0x0: {  	(tag) =	ssettag $0x1  }
0x1: {  	s0 =	srdreg.scid  }
0x2: {  	s1 =	rddreg [dreg:$0x0];
	s9 =	stileid.u32  }
0x3: {  	s2 =	rddreg [dreg:$0x1];
	s6 =	simm.s32 $0x0;
	s10 =	simm.s32 $0x9  }
0x4: {  	s14 =	simm.s32 $0x80;
	s28 =	simm.s32 $0xC000;
	s4 =	smul.u32 $0x50, s9  }
0x5: {  	s29 =	simm.s32 $0x1;
	s0 =	sand.u32 $0x1, s0;
	s5 =	smul.u32 $0x5000, s9  }
0x6: {  	s30 =	simm.s32 $0x3;
	s31 =	simm.s32 $0x5;
	s3 =	smul.u32 $0x500, s0  }
0x7: {  	[smem:$0x7FF] =	sst s6;
	s26 =	sshll.u32 s9, $0x6;
	s22 =	smul.u32 $0x50000, s0  }
0x8: {  	_ =	strace $0x8000004D;
	s0 =	ssub.s32 $0x2, s0;
	s7 =	sshrl.u32 s5, $0x3  }
0x9: {  	s8 =	sshrl.u32 s0, $0x1;
	s24 =	sadd.s32 s5, s2;
	s3 =	sadd.s32 s4, s3  }
0xa: {  	s4 =	sadd.s32 $0x16C00, s1;
	s6 =	sadd.s32 s5, s22;
	s7 =	sadd.s32 s7, s1  }
0xb: {  	s0 =	ssub.s32 s0, s8;
	s8 =	sshrl.u32 s24, $0x3;
	s5 =	simm.s32 $0x0  }
0xc: {  	s22 =	simm.s32 $0x5000;
	s25 =	sadd.s32 $0x20C00, s7;
	[dreg:$0x9] =	wrdreg s8  }
0xd: {  	s3 =	sshll.u32 s3, $0x4;
	s0 =	smax.u32 s0, $0x1;
	[dreg:$0x5] =	wrdreg s25  }
0xe: {  	s7 =	sor.u32 $0x1C09, s26;
	s3 =	sadd.s32 s3, s1;
	[dreg:$0x7] =	wrdreg s0  }
0xf: {  	s6 =	sshrl.u32 s6, $0x3;
	[dreg:$0x8] =	wrdreg s7;
	s23 =	sadd.s32 $0x2C00, s3  }
0x10: {  	s1 =	sadd.s32 s6, s1;
	s3 =	sadd.s32 $0xCC00, s3;
	[dreg:$0x3] =	wrdreg s23  }
0x11: {  	s26 =	simm.s32 $0x7000;
	s1 =	sadd.s32 $0x2AC00, s1;
	[dreg:$0x4] =	wrdreg s3  }
0x12: {  	s0 =	simm.s32 $0x8;
	[dreg:$0x6] =	wrdreg s1;
	s1 =	simm.s32 $0x7  }
.LBB2_1:
0x13: {  	[dreg:$0xa] =	wrdreg s5  }
0x14: {  	s3 =	simm.s32 $0x0;
	s24 =	rddreg [dreg:$0x3]  }
0x15: {  	[tilespmem:s3], [sflag:$0x9] =	stream.linear.gather [hbm4b:s24+s3], $0x2800, $0x38;
	[tilespmem:$0x12000] =	vst v63  }
0x16: {  	_ =	swait.ge [sflag:s10], $0x2800  }
0x17: {  	[sflag:s10] =	ssyncset.done $0x0  }
0x18: {  	s6 =	simm.s32 $0x2800;
	s25 =	rddreg [dreg:$0x4];
	[sflag:s10] =	ssyncadd.s32 $0xFFFFD800  }
0x19: {  	[tilespmem:s6], [sflag:$0x9] =	stream.linear.gather [hbm4b:s25+s3], $0x2800, $0x38;
	[tilespmem:$0x12000] =	vst v63  }
0x1a: {  	_ =	swait.ge [sflag:s10], $0x2800  }
0x1b: {  	[sflag:s10] =	ssyncset.done $0x0  }
0x1c: {  	s6 =	rddreg [dreg:$0x5];
	[sflag:s10] =	ssyncadd.s32 $0xFFFFD800  }
0x1d: {  	[spmem:s8], [sflag:s7] =	dma.local [hbm:s6], $0xA00  }
0x1e: {  	_ =	swait.ge [sflag:s10], $0xA00  }
0x1f: {  	[sflag:s10] =	ssyncset.done $0x0  }
0x20: {  	[sflag:s10] =	ssyncadd.s32 $0xFFFFF600  }
0x21: {  	s7 =	simm.s32 $0x5000;
	[bflag:$0x0] =	sbarrier.arrive $0xFFFF  }
0x22: {  	[tilespmem:s7], [sflag:$0x1] =	stream.indirect.gather [hbm4b:s4+s14], $0x20, s3, s14, $0xb8;
	[tilespmem:$0x12000] =	vst v63  }
0x23: {  	s8 =	simm.s32 $0x6000  }
0x24: {  	[tilespmem:s8], [sflag:$0x2] =	stream.indirect.gather [hbm4b:s4+s14], $0x20, s14, s14, $0xb8;
	[tilespmem:$0x12000] =	vst v63  }
0x25: {  	s9 =	simm.s32 $0x100;
	s11 =	simm.s32 $0x7000  }
0x26: {  	[tilespmem:s11], [sflag:$0x3] =	stream.indirect.gather [hbm4b:s4+s14], $0x20, s9, s14, $0xb8;
	[tilespmem:$0x12000] =	vst v63  }
0x27: {  	s12 =	simm.s32 $0x180;
	s13 =	simm.s32 $0x8000  }
0x28: {  	[tilespmem:s13], [sflag:$0x4] =	stream.indirect.gather [hbm4b:s4+s14], $0x20, s12, s14, $0xb8;
	[tilespmem:$0x12000] =	vst v63  }
0x29: {  	s15 =	simm.s32 $0x200;
	s12 =	simm.s32 $0x9000  }
0x2a: {  	[tilespmem:s12], [sflag:$0x5] =	stream.indirect.gather [hbm4b:s4+s14], $0x20, s15, s14, $0xb8;
	[tilespmem:$0x12000] =	vst v63  }
0x2b: {  	s16 =	simm.s32 $0x280;
	s17 =	simm.s32 $0xA000  }
0x2c: {  	[tilespmem:s17], [sflag:$0x6] =	stream.indirect.gather [hbm4b:s4+s14], $0x20, s16, s14, $0xb8;
	[tilespmem:$0x12000] =	vst v63  }
0x2d: {  	s18 =	simm.s32 $0x300;
	s13 =	simm.s32 $0xB000  }
0x2e: {  	[tilespmem:s13], [sflag:$0x7] =	stream.indirect.gather [hbm4b:s4+s14], $0x20, s18, s14, $0xb8;
	[tilespmem:$0x12000] =	vst v63  }
0x2f: {  	s19 =	simm.s32 $0x380  }
0x30: {  	[tilespmem:s28], [sflag:$0x8] =	stream.indirect.gather [hbm4b:s4+s14], $0x20, s19, s14, $0xb8;
	[tilespmem:$0x12000] =	vst v63  }
0x31: {  	_ =	swait.ge [sflag:s29], $0x1000  }
0x32: {  	[sflag:s29] =	ssyncset.done $0x0  }
0x33: {  	s20 =	simm.s32 $0x2800;
	[sflag:s29] =	ssyncadd.s32 $0xFFFFF000  }
0x34: {  	[spmem:s2] =	stream.indirect.scatter.add.f32 [tilespmem:s7], [sflag:$0x9], $0x20, s20, s14, $0xb8;
	[tilespmem:$0x12000] =	vst v63  }
0x35: {  	_ =	swait.ge [sflag:s10], $0x1000  }
0x36: {  	p0 =	por $0x0, $0x0;
	[sflag:s10] =	ssyncset.done $0x0  }
0x37: {  	s3 =	simm.s32 @p0 $0x2;
	[sflag:s10] =	ssyncadd.s32 $0xFFFFF000  }
0x38: {  	_ =	swait.ge @p0 [sflag:s3], $0x1000  }
0x39: {  	s5 =	simm.s32 @p0 $0x2880;
	s6 =	simm.s32 @p0 $0x9;
	[sflag:s3] =	ssyncset.done @p0 $0x0  }
0x3a: {  	s7 =	simm.s32 @p0 $0x6000;
	[sflag:s3] =	ssyncadd.s32 @p0 $0xFFFFF000;
	s3 =	simm.s32 @p0 $0x80  }
0x3b: {  	[spmem:s2] =	stream.indirect.scatter.add.f32 @p0 [tilespmem:s7], [sflag:$0x9], $0x20, s5, s3, $0xb8;
	[tilespmem:$0x12000] =	vst v63  }
0x3c: {  	_ =	swait.ge @p0 [sflag:s6], $0x1000  }
0x3d: {  	s8 =	simm.s32 @!p0 $0x2;
	s9 =	simm.s32 @!p0 $0x5000;
	[sflag:s6] =	ssyncset.done @p0 $0x0  }
0x3e: {  	s7 =	simm.s32 @!p0 $0x400;
	s5 =	simm.s32 @!p0 $0x80;
	[sflag:s6] =	ssyncadd.s32 @p0 $0xFFFFF000  }
0x3f: {  	[tilespmem:s9], [sflag:$0x1] =	stream.indirect.gather @!p0 [hbm4b:s4+s5], $0x20, s7, s5, $0xb8;
	[tilespmem:$0x12000] =	vst v63  }
0x40: {  	_ =	swait.ge @!p0 [sflag:s8], $0x1000  }
0x41: {  	s9 =	simm.s32 @!p0 $0x2880;
	[sflag:s8] =	ssyncset.done @!p0 $0x0  }
0x42: {  	s7 =	simm.s32 @!p0 $0x9;
	[sflag:s8] =	ssyncadd.s32 @!p0 $0xFFFFF000;
	s8 =	simm.s32 @!p0 $0x6000  }
0x43: {  	[spmem:s2] =	stream.indirect.scatter.add.f32 @!p0 [tilespmem:s8], [sflag:$0x9], $0x20, s9, s5, $0xb8;
	[tilespmem:$0x12000] =	vst v63  }
0x44: {  	_ =	swait.ge @!p0 [sflag:s7], $0x1000  }
0x45: {  	[sflag:s7] =	ssyncset.done @!p0 $0x0  }
0x46: {  	s9 =	simm.s32 @!p0 $0x480;
	[sflag:s7] =	ssyncadd.s32 @!p0 $0xFFFFF000  }
0x47: {  	[tilespmem:s8], [sflag:$0x2] =	stream.indirect.gather @!p0 [hbm4b:s4+s5], $0x20, s9, s5, $0xb8;
	[tilespmem:$0x12000] =	vst v63  }
0x48: {  	_ =	swait.ge [sflag:s30], $0x1000  }
0x49: {  	[sflag:s30] =	ssyncset.done $0x0  }
0x4a: {  	s21 =	simm.s32 $0x2900;
	[sflag:s30] =	ssyncadd.s32 $0xFFFFF000  }
0x4b: {  	[spmem:s2] =	stream.indirect.scatter.add.f32 [tilespmem:s11], [sflag:$0x9], $0x20, s21, s14, $0xb8;
	[tilespmem:$0x12000] =	vst v63  }
0x4c: {  	_ =	swait.ge [sflag:s10], $0x1000  }
0x4d: {  	[sflag:s10] =	ssyncset.done $0x0  }
0x4e: {  	s8 =	simm.s32 @p0 $0x4;
	[sflag:s10] =	ssyncadd.s32 $0xFFFFF000  }
0x4f: {  	_ =	swait.ge @p0 [sflag:s8], $0x1000  }
0x50: {  	[sflag:s8] =	ssyncset.done @p0 $0x0  }
0x51: {  	s9 =	simm.s32 @p0 $0x2980;
	[sflag:s8] =	ssyncadd.s32 @p0 $0xFFFFF000;
	s8 =	simm.s32 @p0 $0x8000  }
0x52: {  	[spmem:s2] =	stream.indirect.scatter.add.f32 @p0 [tilespmem:s8], [sflag:$0x9], $0x20, s9, s3, $0xb8;
	[tilespmem:$0x12000] =	vst v63  }
0x53: {  	_ =	swait.ge @p0 [sflag:s6], $0x1000  }
0x54: {  	[sflag:s6] =	ssyncset.done @p0 $0x0  }
0x55: {  	s8 =	simm.s32 @!p0 $0x500;
	s9 =	simm.s32 @!p0 $0x7000;
	[sflag:s6] =	ssyncadd.s32 @p0 $0xFFFFF000  }
0x56: {  	[tilespmem:s9], [sflag:$0x3] =	stream.indirect.gather @!p0 [hbm4b:s4+s5], $0x20, s8, s5, $0xb8;
	[tilespmem:$0x12000] =	vst v63  }
0x57: {  	s8 =	simm.s32 @!p0 $0x4  }
0x58: {  	_ =	swait.ge @!p0 [sflag:s8], $0x1000  }
0x59: {  	[sflag:s8] =	ssyncset.done @!p0 $0x0  }
0x5a: {  	s9 =	simm.s32 @!p0 $0x2980;
	[sflag:s8] =	ssyncadd.s32 @!p0 $0xFFFFF000;
	s8 =	simm.s32 @!p0 $0x8000  }
0x5b: {  	[spmem:s2] =	stream.indirect.scatter.add.f32 @!p0 [tilespmem:s8], [sflag:$0x9], $0x20, s9, s5, $0xb8;
	[tilespmem:$0x12000] =	vst v63  }
0x5c: {  	_ =	swait.ge @!p0 [sflag:s7], $0x1000  }
0x5d: {  	[sflag:s7] =	ssyncset.done @!p0 $0x0  }
0x5e: {  	s9 =	simm.s32 @!p0 $0x580;
	[sflag:s7] =	ssyncadd.s32 @!p0 $0xFFFFF000  }
0x5f: {  	[tilespmem:s8], [sflag:$0x4] =	stream.indirect.gather @!p0 [hbm4b:s4+s5], $0x20, s9, s5, $0xb8;
	[tilespmem:$0x12000] =	vst v63  }
0x60: {  	_ =	swait.ge [sflag:s31], $0x1000  }
0x61: {  	[sflag:s31] =	ssyncset.done $0x0  }
0x62: {  	s23 =	simm.s32 $0x2A00;
	[sflag:s31] =	ssyncadd.s32 $0xFFFFF000  }
0x63: {  	[spmem:s2] =	stream.indirect.scatter.add.f32 [tilespmem:s12], [sflag:$0x9], $0x20, s23, s14, $0xb8;
	[tilespmem:$0x12000] =	vst v63  }
0x64: {  	_ =	swait.ge [sflag:s10], $0x1000  }
0x65: {  	[sflag:s10] =	ssyncset.done $0x0  }
0x66: {  	s8 =	simm.s32 @p0 $0x6;
	[sflag:s10] =	ssyncadd.s32 $0xFFFFF000  }
0x67: {  	_ =	swait.ge @p0 [sflag:s8], $0x1000  }
0x68: {  	[sflag:s8] =	ssyncset.done @p0 $0x0  }
0x69: {  	s9 =	simm.s32 @p0 $0x2A80;
	[sflag:s8] =	ssyncadd.s32 @p0 $0xFFFFF000;
	s8 =	simm.s32 @p0 $0xA000  }
0x6a: {  	[spmem:s2] =	stream.indirect.scatter.add.f32 @p0 [tilespmem:s8], [sflag:$0x9], $0x20, s9, s3, $0xb8;
	[tilespmem:$0x12000] =	vst v63  }
0x6b: {  	_ =	swait.ge @p0 [sflag:s6], $0x1000  }
0x6c: {  	[sflag:s6] =	ssyncset.done @p0 $0x0  }
0x6d: {  	s3 =	simm.s32 @!p0 $0x600;
	[sflag:s6] =	ssyncadd.s32 @p0 $0xFFFFF000;
	s6 =	simm.s32 @!p0 $0x9000  }
0x6e: {  	[tilespmem:s6], [sflag:$0x5] =	stream.indirect.gather @!p0 [hbm4b:s4+s5], $0x20, s3, s5, $0xb8;
	[tilespmem:$0x12000] =	vst v63  }
0x6f: {  	s3 =	simm.s32 @!p0 $0x6  }
0x70: {  	_ =	swait.ge @!p0 [sflag:s3], $0x1000  }
0x71: {  	[sflag:s3] =	ssyncset.done @!p0 $0x0  }
0x72: {  	s6 =	simm.s32 @!p0 $0x2A80;
	[sflag:s3] =	ssyncadd.s32 @!p0 $0xFFFFF000;
	s3 =	simm.s32 @!p0 $0xA000  }
0x73: {  	[spmem:s2] =	stream.indirect.scatter.add.f32 @!p0 [tilespmem:s3], [sflag:$0x9], $0x20, s6, s5, $0xb8;
	[tilespmem:$0x12000] =	vst v63  }
0x74: {  	_ =	swait.ge @!p0 [sflag:s7], $0x1000  }
0x75: {  	[sflag:s7] =	ssyncset.done @!p0 $0x0  }
0x76: {  	s6 =	simm.s32 @!p0 $0x680;
	[sflag:s7] =	ssyncadd.s32 @!p0 $0xFFFFF000  }
0x77: {  	[tilespmem:s3], [sflag:$0x6] =	stream.indirect.gather @!p0 [hbm4b:s4+s5], $0x20, s6, s5, $0xb8;
	[tilespmem:$0x12000] =	vst v63  }
0x78: {  	_ =	swait.ge [sflag:s1], $0x1000  }
0x79: {  	[sflag:s1] =	ssyncset.done $0x0  }
0x7a: {  	s24 =	simm.s32 $0x2B00;
	[sflag:s1] =	ssyncadd.s32 $0xFFFFF000  }
0x7b: {  	[spmem:s2] =	stream.indirect.scatter.add.f32 [tilespmem:s13], [sflag:$0x9], $0x20, s24, s14, $0xb8;
	[tilespmem:$0x12000] =	vst v63  }
0x7c: {  	_ =	swait.ge [sflag:s10], $0x1000  }
0x7d: {  	[sflag:s10] =	ssyncset.done $0x0  }
0x7e: {  	s3 =	simm.s32 @!p0 $0x700;
	s6 =	simm.s32 @!p0 $0xB000;
	[sflag:s10] =	ssyncadd.s32 $0xFFFFF000  }
0x7f: {  	[tilespmem:s6], [sflag:$0x7] =	stream.indirect.gather @!p0 [hbm4b:s4+s5], $0x20, s3, s5, $0xb8;
	[tilespmem:$0x12000] =	vst v63  }
0x80: {  	_ =	swait.ge [sflag:s0], $0x1000  }
0x81: {  	[sflag:s0] =	ssyncset.done $0x0  }
0x82: {  	s25 =	simm.s32 $0x2B80;
	[sflag:s0] =	ssyncadd.s32 $0xFFFFF000  }
0x83: {  	[spmem:s2] =	stream.indirect.scatter.add.f32 [tilespmem:s28], [sflag:$0x9], $0x20, s25, s14, $0xb8;
	[tilespmem:$0x12000] =	vst v63  }
0x84: {  	s17 =	simm.s32 $0x2000;
	_ =	swait.ge [sflag:s10], $0x1000  }
0x85: {  	s16 =	simm.s32 $0x400;
	s19 =	simm.s32 $0x1000;
	[sflag:s10] =	ssyncset.done $0x0  }
.LBB2_2:
0x86: {  	s3 =	sadd.s32 $0x380, s16  }
0x87: {  	[sflag:s10] =	ssyncadd.s32 $0xFFFFF000;
	s9 =	smov.u32 s17;
	s17 =	sadd.s32 $0x1000, s17  }
0x88: {  	[tilespmem:s28], [sflag:$0x8] =	stream.indirect.gather [hbm4b:s4+s14], $0x20, s3, s14, $0xb8;
	[tilespmem:$0x12000] =	vst v63  }
0x89: {  	p0 =	sne.s32 s17, $0xA000;
	_ =	swait.ge [sflag:s29], $0x1000  }
0x8a: {  	[sflag:s29] =	ssyncset.done $0x0  }
0x8b: {  	s3 =	sadd.s32 $0x2800, s16;
	[sflag:s29] =	ssyncadd.s32 $0xFFFFF000  }
0x8c: {  	[spmem:s2] =	stream.indirect.scatter.add.f32 [tilespmem:s22], [sflag:$0x9], $0x20, s3, s14, $0xb8;
	[tilespmem:$0x12000] =	vst v63  }
0x8d: {  	_ =	swait.ge [sflag:s10], $0x1000  }
0x8e: {  	p1 =	seq.s32 s19, $0x9000;
	[sflag:s10] =	ssyncset.done $0x0  }
0x8f: {  	s5 =	sshra.s32 @p1 s19, $0x2;
	s3 =	simm.s32 @p1 $0x2;
	[sflag:s10] =	ssyncadd.s32 $0xFFFFF000  }
0x90: {  	s19 =	sshra.s32 @!p1 s19, $0x2;
	s6 =	sadd.s32 @p1 $0x2880, s5;
	_ =	swait.ge @p1 [sflag:s3], $0x1000  }
0x91: {  	s21 =	simm.s32 @p1 $0x9;
	s7 =	sadd.s32 @!p1 $0x400, s19;
	[sflag:s3] =	ssyncset.done @p1 $0x0  }
0x92: {  	s24 =	simm.s32 @p1 $0x80;
	[sflag:s3] =	ssyncadd.s32 @p1 $0xFFFFF000;
	s3 =	simm.s32 @p1 $0x6000  }
0x93: {  	[spmem:s2] =	stream.indirect.scatter.add.f32 @p1 [tilespmem:s3], [sflag:$0x9], $0x20, s6, s24, $0xb8;
	[tilespmem:$0x12000] =	vst v63  }
0x94: {  	s13 =	sadd.s32 @!p1 $0x480, s19;
	s6 =	sadd.s32 @!p1 $0x2880, s19;
	_ =	swait.ge @p1 [sflag:s21], $0x1000  }
0x95: {  	s23 =	simm.s32 @!p1 $0x2;
	s11 =	sadd.s32 @p1 $0x2980, s5;
	[sflag:s21] =	ssyncset.done @p1 $0x0  }
0x96: {  	s20 =	simm.s32 @!p1 $0x80;
	s3 =	simm.s32 @!p1 $0x5000;
	[sflag:s21] =	ssyncadd.s32 @p1 $0xFFFFF000  }
0x97: {  	[tilespmem:s3], [sflag:$0x1] =	stream.indirect.gather @!p1 [hbm4b:s4+s20], $0x20, s7, s20, $0xb8;
	[tilespmem:$0x12000] =	vst v63  }
0x98: {  	s15 =	sadd.s32 @!p1 $0x500, s19;
	s12 =	sadd.s32 @!p1 $0x2980, s19;
	_ =	swait.ge @!p1 [sflag:s23], $0x1000  }
0x99: {  	s8 =	sadd.s32 @p1 $0x2A80, s5;
	s3 =	sadd.s32 @!p1 $0x580, s19;
	[sflag:s23] =	ssyncset.done @!p1 $0x0  }
0x9a: {  	s18 =	simm.s32 @!p1 $0x6000;
	s25 =	simm.s32 @!p1 $0x9;
	[sflag:s23] =	ssyncadd.s32 @!p1 $0xFFFFF000  }
0x9b: {  	[spmem:s2] =	stream.indirect.scatter.add.f32 @!p1 [tilespmem:s18], [sflag:$0x9], $0x20, s6, s20, $0xb8;
	[tilespmem:$0x12000] =	vst v63  }
0x9c: {  	s7 =	sadd.s32 @!p1 $0x600, s19;
	s6 =	sadd.s32 @!p1 $0x2A80, s19;
	_ =	swait.ge @!p1 [sflag:s25], $0x1000  }
0x9d: {  	s5 =	sadd.s32 @!p1 $0x680, s19;
	s23 =	sadd.s32 @!p1 $0x700, s19;
	[sflag:s25] =	ssyncset.done @!p1 $0x0  }
0x9e: {  	s19 =	smov.u32 s9;
	[sflag:s25] =	ssyncadd.s32 @!p1 $0xFFFFF000  }
0x9f: {  	[tilespmem:s18], [sflag:$0x2] =	stream.indirect.gather @!p1 [hbm4b:s4+s20], $0x20, s13, s20, $0xb8;
	[tilespmem:$0x12000] =	vst v63  }
0xa0: {  	_ =	swait.ge [sflag:s30], $0x1000  }
0xa1: {  	[sflag:s30] =	ssyncset.done $0x0  }
0xa2: {  	s9 =	sadd.s32 $0x2900, s16;
	[sflag:s30] =	ssyncadd.s32 $0xFFFFF000  }
0xa3: {  	[spmem:s2] =	stream.indirect.scatter.add.f32 [tilespmem:s26], [sflag:$0x9], $0x20, s9, s14, $0xb8;
	[tilespmem:$0x12000] =	vst v63  }
0xa4: {  	_ =	swait.ge [sflag:s10], $0x1000  }
0xa5: {  	[sflag:s10] =	ssyncset.done $0x0  }
0xa6: {  	s9 =	simm.s32 @p1 $0x4;
	[sflag:s10] =	ssyncadd.s32 $0xFFFFF000  }
0xa7: {  	_ =	swait.ge @p1 [sflag:s9], $0x1000  }
0xa8: {  	[sflag:s9] =	ssyncset.done @p1 $0x0  }
0xa9: {  	[sflag:s9] =	ssyncadd.s32 @p1 $0xFFFFF000;
	s9 =	simm.s32 @p1 $0x8000  }
0xaa: {  	[spmem:s2] =	stream.indirect.scatter.add.f32 @p1 [tilespmem:s9], [sflag:$0x9], $0x20, s11, s24, $0xb8;
	[tilespmem:$0x12000] =	vst v63  }
0xab: {  	_ =	swait.ge @p1 [sflag:s21], $0x1000  }
0xac: {  	[sflag:s21] =	ssyncset.done @p1 $0x0  }
0xad: {  	s9 =	simm.s32 @!p1 $0x7000;
	s11 =	simm.s32 @!p1 $0x4;
	[sflag:s21] =	ssyncadd.s32 @p1 $0xFFFFF000  }
0xae: {  	[tilespmem:s9], [sflag:$0x3] =	stream.indirect.gather @!p1 [hbm4b:s4+s20], $0x20, s15, s20, $0xb8;
	[tilespmem:$0x12000] =	vst v63  }
0xaf: {  	_ =	swait.ge @!p1 [sflag:s11], $0x1000  }
0xb0: {  	[sflag:s11] =	ssyncset.done @!p1 $0x0  }
0xb1: {  	s9 =	simm.s32 @!p1 $0x8000;
	[sflag:s11] =	ssyncadd.s32 @!p1 $0xFFFFF000  }
0xb2: {  	[spmem:s2] =	stream.indirect.scatter.add.f32 @!p1 [tilespmem:s9], [sflag:$0x9], $0x20, s12, s20, $0xb8;
	[tilespmem:$0x12000] =	vst v63  }
0xb3: {  	_ =	swait.ge @!p1 [sflag:s25], $0x1000  }
0xb4: {  	[sflag:s25] =	ssyncset.done @!p1 $0x0  }
0xb5: {  	[sflag:s25] =	ssyncadd.s32 @!p1 $0xFFFFF000  }
0xb6: {  	[tilespmem:s9], [sflag:$0x4] =	stream.indirect.gather @!p1 [hbm4b:s4+s20], $0x20, s3, s20, $0xb8;
	[tilespmem:$0x12000] =	vst v63  }
0xb7: {  	_ =	swait.ge [sflag:s31], $0x1000  }
0xb8: {  	[sflag:s31] =	ssyncset.done $0x0  }
0xb9: {  	s3 =	sadd.s32 $0x2A00, s16;
	s9 =	simm.s32 $0x9000;
	[sflag:s31] =	ssyncadd.s32 $0xFFFFF000  }
0xba: {  	[spmem:s2] =	stream.indirect.scatter.add.f32 [tilespmem:s9], [sflag:$0x9], $0x20, s3, s14, $0xb8;
	[tilespmem:$0x12000] =	vst v63  }
0xbb: {  	_ =	swait.ge [sflag:s10], $0x1000  }
0xbc: {  	[sflag:s10] =	ssyncset.done $0x0  }
0xbd: {  	s3 =	simm.s32 @p1 $0x6;
	[sflag:s10] =	ssyncadd.s32 $0xFFFFF000  }
0xbe: {  	_ =	swait.ge @p1 [sflag:s3], $0x1000  }
0xbf: {  	[sflag:s3] =	ssyncset.done @p1 $0x0  }
0xc0: {  	[sflag:s3] =	ssyncadd.s32 @p1 $0xFFFFF000;
	s3 =	simm.s32 @p1 $0xA000  }
0xc1: {  	[spmem:s2] =	stream.indirect.scatter.add.f32 @p1 [tilespmem:s3], [sflag:$0x9], $0x20, s8, s24, $0xb8;
	[tilespmem:$0x12000] =	vst v63  }
0xc2: {  	_ =	swait.ge @p1 [sflag:s21], $0x1000  }
0xc3: {  	[sflag:s21] =	ssyncset.done @p1 $0x0  }
0xc4: {  	s3 =	simm.s32 @!p1 $0x9000;
	s8 =	simm.s32 @!p1 $0x6;
	[sflag:s21] =	ssyncadd.s32 @p1 $0xFFFFF000  }
0xc5: {  	[tilespmem:s3], [sflag:$0x5] =	stream.indirect.gather @!p1 [hbm4b:s4+s20], $0x20, s7, s20, $0xb8;
	[tilespmem:$0x12000] =	vst v63  }
0xc6: {  	_ =	swait.ge @!p1 [sflag:s8], $0x1000  }
0xc7: {  	[sflag:s8] =	ssyncset.done @!p1 $0x0  }
0xc8: {  	s3 =	simm.s32 @!p1 $0xA000;
	[sflag:s8] =	ssyncadd.s32 @!p1 $0xFFFFF000  }
0xc9: {  	[spmem:s2] =	stream.indirect.scatter.add.f32 @!p1 [tilespmem:s3], [sflag:$0x9], $0x20, s6, s20, $0xb8;
	[tilespmem:$0x12000] =	vst v63  }
0xca: {  	_ =	swait.ge @!p1 [sflag:s25], $0x1000  }
0xcb: {  	[sflag:s25] =	ssyncset.done @!p1 $0x0  }
0xcc: {  	[sflag:s25] =	ssyncadd.s32 @!p1 $0xFFFFF000  }
0xcd: {  	[tilespmem:s3], [sflag:$0x6] =	stream.indirect.gather @!p1 [hbm4b:s4+s20], $0x20, s5, s20, $0xb8;
	[tilespmem:$0x12000] =	vst v63  }
0xce: {  	_ =	swait.ge [sflag:s1], $0x1000  }
0xcf: {  	[sflag:s1] =	ssyncset.done $0x0  }
0xd0: {  	s3 =	sadd.s32 $0x2B00, s16;
	s5 =	simm.s32 $0xB000;
	[sflag:s1] =	ssyncadd.s32 $0xFFFFF000  }
0xd1: {  	[spmem:s2] =	stream.indirect.scatter.add.f32 [tilespmem:s5], [sflag:$0x9], $0x20, s3, s14, $0xb8;
	[tilespmem:$0x12000] =	vst v63  }
0xd2: {  	_ =	swait.ge [sflag:s10], $0x1000  }
0xd3: {  	[sflag:s10] =	ssyncset.done $0x0  }
0xd4: {  	s3 =	simm.s32 @!p1 $0xB000;
	[sflag:s10] =	ssyncadd.s32 $0xFFFFF000  }
0xd5: {  	[tilespmem:s3], [sflag:$0x7] =	stream.indirect.gather @!p1 [hbm4b:s4+s20], $0x20, s23, s20, $0xb8;
	[tilespmem:$0x12000] =	vst v63  }
0xd6: {  	_ =	swait.ge [sflag:s0], $0x1000  }
.Ltmp0:
0xd7: {  	[sflag:s0] =	ssyncset.done $0x0;
	(pc) =	sbr.rel @p0 .LBB2_2-.Ltmp0, $4  }
0xd8: {  	s3 =	sadd.s32 $0x2B80, s16;
	[sflag:s0] =	ssyncadd.s32 $0xFFFFF000  }
0xd9: {  	[spmem:s2] =	stream.indirect.scatter.add.f32 [tilespmem:s28], [sflag:$0x9], $0x20, s3, s14, $0xb8;
	[tilespmem:$0x12000] =	vst v63  }
0xda: {  	_ =	swait.ge [sflag:s10], $0x1000  }
0xdb: {  	s16 =	sshra.s32 s19, $0x2;
	[sflag:s10] =	ssyncset.done $0x0  }
0xdc: {  	s3 =	sadd.s32 $0x380, s16;
	[sflag:s10] =	ssyncadd.s32 $0xFFFFF000  }
0xdd: {  	[tilespmem:s28], [sflag:$0x8] =	stream.indirect.gather [hbm4b:s4+s14], $0x20, s3, s14, $0xb8;
	[tilespmem:$0x12000] =	vst v63  }
0xde: {  	_ =	swait.ge [sflag:s29], $0x1000  }
0xdf: {  	[sflag:s29] =	ssyncset.done $0x0  }
0xe0: {  	s13 =	sadd.s32 $0x2800, s16;
	[sflag:s29] =	ssyncadd.s32 $0xFFFFF000  }
0xe1: {  	[spmem:s2] =	stream.indirect.scatter.add.f32 [tilespmem:s22], [sflag:$0x9], $0x20, s13, s14, $0xb8;
	[tilespmem:$0x12000] =	vst v63  }
0xe2: {  	_ =	swait.ge [sflag:s10], $0x1000  }
0xe3: {  	p0 =	seq.s32 s19, $0x9000;
	[sflag:s10] =	ssyncset.done $0x0  }
0xe4: {  	s3 =	simm.s32 @p0 $0x2;
	[sflag:s10] =	ssyncadd.s32 $0xFFFFF000  }
0xe5: {  	s8 =	sshra.s32 @p0 s19, $0x2;
	_ =	swait.ge @p0 [sflag:s3], $0x1000  }
0xe6: {  	s7 =	simm.s32 @p0 $0x9;
	s6 =	simm.s32 @p0 $0x6000;
	[sflag:s3] =	ssyncset.done @p0 $0x0  }
0xe7: {  	s5 =	sadd.s32 @p0 $0x2880, s8;
	[sflag:s3] =	ssyncadd.s32 @p0 $0xFFFFF000;
	s3 =	simm.s32 @p0 $0x80  }
0xe8: {  	[spmem:s2] =	stream.indirect.scatter.add.f32 @p0 [tilespmem:s6], [sflag:$0x9], $0x20, s5, s3, $0xb8;
	[tilespmem:$0x12000] =	vst v63  }
0xe9: {  	s11 =	simm.s32 @!p0 $0x2;
	_ =	swait.ge @p0 [sflag:s7], $0x1000  }
0xea: {  	s12 =	simm.s32 @!p0 $0x5000;
	s5 =	sshra.s32 @!p0 s19, $0x2;
	[sflag:s7] =	ssyncset.done @p0 $0x0  }
0xeb: {  	s6 =	simm.s32 @!p0 $0x80;
	s9 =	sadd.s32 @!p0 $0x400, s5;
	[sflag:s7] =	ssyncadd.s32 @p0 $0xFFFFF000  }
0xec: {  	[tilespmem:s12], [sflag:$0x1] =	stream.indirect.gather @!p0 [hbm4b:s4+s6], $0x20, s9, s6, $0xb8;
	[tilespmem:$0x12000] =	vst v63  }
0xed: {  	_ =	swait.ge @!p0 [sflag:s11], $0x1000  }
0xee: {  	s12 =	sadd.s32 @!p0 $0x2880, s5;
	[sflag:s11] =	ssyncset.done @!p0 $0x0  }
0xef: {  	s9 =	simm.s32 @!p0 $0x9;
	[sflag:s11] =	ssyncadd.s32 @!p0 $0xFFFFF000;
	s11 =	simm.s32 @!p0 $0x6000  }
0xf0: {  	[spmem:s2] =	stream.indirect.scatter.add.f32 @!p0 [tilespmem:s11], [sflag:$0x9], $0x20, s12, s6, $0xb8;
	[tilespmem:$0x12000] =	vst v63  }
0xf1: {  	_ =	swait.ge @!p0 [sflag:s9], $0x1000  }
0xf2: {  	[sflag:s9] =	ssyncset.done @!p0 $0x0  }
0xf3: {  	s12 =	sadd.s32 @!p0 $0x480, s5;
	[sflag:s9] =	ssyncadd.s32 @!p0 $0xFFFFF000  }
0xf4: {  	[tilespmem:s11], [sflag:$0x2] =	stream.indirect.gather @!p0 [hbm4b:s4+s6], $0x20, s12, s6, $0xb8;
	[tilespmem:$0x12000] =	vst v63  }
0xf5: {  	_ =	swait.ge [sflag:s30], $0x1000  }
0xf6: {  	[sflag:s30] =	ssyncset.done $0x0  }
0xf7: {  	s15 =	sadd.s32 $0x2900, s16;
	[sflag:s30] =	ssyncadd.s32 $0xFFFFF000  }
0xf8: {  	[spmem:s2] =	stream.indirect.scatter.add.f32 [tilespmem:s26], [sflag:$0x9], $0x20, s15, s14, $0xb8;
	[tilespmem:$0x12000] =	vst v63  }
0xf9: {  	_ =	swait.ge [sflag:s10], $0x1000  }
0xfa: {  	[sflag:s10] =	ssyncset.done $0x0  }
0xfb: {  	s11 =	simm.s32 @p0 $0x4;
	[sflag:s10] =	ssyncadd.s32 $0xFFFFF000  }
0xfc: {  	_ =	swait.ge @p0 [sflag:s11], $0x1000  }
0xfd: {  	[sflag:s11] =	ssyncset.done @p0 $0x0  }
0xfe: {  	s12 =	sadd.s32 @p0 $0x2980, s8;
	[sflag:s11] =	ssyncadd.s32 @p0 $0xFFFFF000;
	s11 =	simm.s32 @p0 $0x8000  }
0xff: {  	[spmem:s2] =	stream.indirect.scatter.add.f32 @p0 [tilespmem:s11], [sflag:$0x9], $0x20, s12, s3, $0xb8;
	[tilespmem:$0x12000] =	vst v63  }
0x100: {  	_ =	swait.ge @p0 [sflag:s7], $0x1000  }
0x101: {  	[sflag:s7] =	ssyncset.done @p0 $0x0  }
0x102: {  	s11 =	sadd.s32 @!p0 $0x500, s5;
	s12 =	simm.s32 @!p0 $0x7000;
	[sflag:s7] =	ssyncadd.s32 @p0 $0xFFFFF000  }
0x103: {  	[tilespmem:s12], [sflag:$0x3] =	stream.indirect.gather @!p0 [hbm4b:s4+s6], $0x20, s11, s6, $0xb8;
	[tilespmem:$0x12000] =	vst v63  }
0x104: {  	s11 =	simm.s32 @!p0 $0x4  }
0x105: {  	_ =	swait.ge @!p0 [sflag:s11], $0x1000  }
0x106: {  	[sflag:s11] =	ssyncset.done @!p0 $0x0  }
0x107: {  	s12 =	sadd.s32 @!p0 $0x2980, s5;
	[sflag:s11] =	ssyncadd.s32 @!p0 $0xFFFFF000;
	s11 =	simm.s32 @!p0 $0x8000  }
0x108: {  	[spmem:s2] =	stream.indirect.scatter.add.f32 @!p0 [tilespmem:s11], [sflag:$0x9], $0x20, s12, s6, $0xb8;
	[tilespmem:$0x12000] =	vst v63  }
0x109: {  	_ =	swait.ge @!p0 [sflag:s9], $0x1000  }
0x10a: {  	[sflag:s9] =	ssyncset.done @!p0 $0x0  }
0x10b: {  	s12 =	sadd.s32 @!p0 $0x580, s5;
	[sflag:s9] =	ssyncadd.s32 @!p0 $0xFFFFF000  }
0x10c: {  	[tilespmem:s11], [sflag:$0x4] =	stream.indirect.gather @!p0 [hbm4b:s4+s6], $0x20, s12, s6, $0xb8;
	[tilespmem:$0x12000] =	vst v63  }
0x10d: {  	_ =	swait.ge [sflag:s31], $0x1000  }
0x10e: {  	[sflag:s31] =	ssyncset.done $0x0  }
0x10f: {  	s17 =	sadd.s32 $0x2A00, s16;
	s18 =	simm.s32 $0x9000;
	[sflag:s31] =	ssyncadd.s32 $0xFFFFF000  }
0x110: {  	[spmem:s2] =	stream.indirect.scatter.add.f32 [tilespmem:s18], [sflag:$0x9], $0x20, s17, s14, $0xb8;
	[tilespmem:$0x12000] =	vst v63  }
0x111: {  	_ =	swait.ge [sflag:s10], $0x1000  }
0x112: {  	[sflag:s10] =	ssyncset.done $0x0  }
0x113: {  	s11 =	simm.s32 @p0 $0x6;
	[sflag:s10] =	ssyncadd.s32 $0xFFFFF000  }
0x114: {  	_ =	swait.ge @p0 [sflag:s11], $0x1000  }
0x115: {  	[sflag:s11] =	ssyncset.done @p0 $0x0  }
0x116: {  	s8 =	sadd.s32 @p0 $0x2A80, s8;
	[sflag:s11] =	ssyncadd.s32 @p0 $0xFFFFF000;
	s11 =	simm.s32 @p0 $0xA000  }
0x117: {  	[spmem:s2] =	stream.indirect.scatter.add.f32 @p0 [tilespmem:s11], [sflag:$0x9], $0x20, s8, s3, $0xb8;
	[tilespmem:$0x12000] =	vst v63  }
0x118: {  	_ =	swait.ge @p0 [sflag:s7], $0x1000  }
0x119: {  	[sflag:s7] =	ssyncset.done @p0 $0x0  }
0x11a: {  	s3 =	sadd.s32 @!p0 $0x600, s5;
	[sflag:s7] =	ssyncadd.s32 @p0 $0xFFFFF000;
	s7 =	simm.s32 @!p0 $0x9000  }
0x11b: {  	[tilespmem:s7], [sflag:$0x5] =	stream.indirect.gather @!p0 [hbm4b:s4+s6], $0x20, s3, s6, $0xb8;
	[tilespmem:$0x12000] =	vst v63  }
0x11c: {  	s3 =	simm.s32 @!p0 $0x6  }
0x11d: {  	_ =	swait.ge @!p0 [sflag:s3], $0x1000  }
0x11e: {  	[sflag:s3] =	ssyncset.done @!p0 $0x0  }
0x11f: {  	s7 =	sadd.s32 @!p0 $0x2A80, s5;
	[sflag:s3] =	ssyncadd.s32 @!p0 $0xFFFFF000;
	s3 =	simm.s32 @!p0 $0xA000  }
0x120: {  	[spmem:s2] =	stream.indirect.scatter.add.f32 @!p0 [tilespmem:s3], [sflag:$0x9], $0x20, s7, s6, $0xb8;
	[tilespmem:$0x12000] =	vst v63  }
0x121: {  	_ =	swait.ge @!p0 [sflag:s9], $0x1000  }
0x122: {  	[sflag:s9] =	ssyncset.done @!p0 $0x0  }
0x123: {  	s7 =	sadd.s32 @!p0 $0x680, s5;
	[sflag:s9] =	ssyncadd.s32 @!p0 $0xFFFFF000  }
0x124: {  	[tilespmem:s3], [sflag:$0x6] =	stream.indirect.gather @!p0 [hbm4b:s4+s6], $0x20, s7, s6, $0xb8;
	[tilespmem:$0x12000] =	vst v63  }
0x125: {  	_ =	swait.ge [sflag:s1], $0x1000  }
0x126: {  	[sflag:s1] =	ssyncset.done $0x0  }
0x127: {  	s20 =	simm.s32 $0xB000;
	s19 =	sadd.s32 $0x2B00, s16;
	[sflag:s1] =	ssyncadd.s32 $0xFFFFF000  }
0x128: {  	[spmem:s2] =	stream.indirect.scatter.add.f32 [tilespmem:s20], [sflag:$0x9], $0x20, s19, s14, $0xb8;
	[tilespmem:$0x12000] =	vst v63  }
0x129: {  	_ =	swait.ge [sflag:s10], $0x1000  }
0x12a: {  	[sflag:s10] =	ssyncset.done $0x0  }
0x12b: {  	s3 =	sadd.s32 @!p0 $0x700, s5;
	s5 =	simm.s32 @!p0 $0xB000;
	[sflag:s10] =	ssyncadd.s32 $0xFFFFF000  }
0x12c: {  	[tilespmem:s5], [sflag:$0x7] =	stream.indirect.gather @!p0 [hbm4b:s4+s6], $0x20, s3, s6, $0xb8;
	[tilespmem:$0x12000] =	vst v63  }
0x12d: {  	_ =	swait.ge [sflag:s0], $0x1000  }
0x12e: {  	[sflag:s0] =	ssyncset.done $0x0  }
0x12f: {  	s21 =	sadd.s32 $0x2B80, s16;
	[sflag:s0] =	ssyncadd.s32 $0xFFFFF000  }
0x130: {  	[spmem:s2] =	stream.indirect.scatter.add.f32 [tilespmem:s28], [sflag:$0x9], $0x20, s21, s14, $0xb8;
	[tilespmem:$0x12000] =	vst v63  }
0x131: {  	_ =	swait.ge [sflag:s10], $0x1000  }
0x132: {  	[sflag:s10] =	ssyncset.done $0x0  }
0x133: {  	[sflag:s10] =	ssyncadd.s32 $0xFFFFF000  }
0x134: {  	[bflag:$0x0] =	sbarrier.arrive $0xFFFF  }
0x135: {  	s23 =	rddreg [dreg:$0x6]  }
0x136: {  	s7 =	rddreg [dreg:$0x8]  }
0x137: {  	s8 =	rddreg [dreg:$0x9]  }
0x138: {  	[hbm:s23], [sflag:s7] =	dma.local [spmem:s8], $0xA00  }
0x139: {  	_ =	swait.ge [sflag:s10], $0xA00  }
0x13a: {  	s24 =	rddreg [dreg:$0xa]  }
0x13b: {  	s25 =	rddreg [dreg:$0x7];
	s5 =	sadd.s32 $0x1, s24  }
0x13c: {  	p0 =	sne.s32 s5, s25  }
.Ltmp1:
0x13d: {  	_ = 	snop;
	(pc) =	sbr.rel @p0 .LBB2_1-.Ltmp1, $3  }
0x13e: {  	_ =	sdelay $0x1  }
0x13f: {  	[sflag:s10] =	ssyncset.done $0x0  }
0x140: {  	[sflag:s10] =	ssyncadd.s32 $0xFFFFF600  }
0x141: {  	_ =	sfence.sel $0x180000  }
0x142: {  	[bflag:$0x0] =	sbarrier.arrive $0xFFFF  }
0x143: {  	_ =	strace $0x9000004D  }
0x144: {  	s0 =	stileid.u32;
	[bflag:$0x2] =	sbarrier.arrive $0xFFFF  }
0x145: {  	p0 =	sne.s32 s0, $0x0;
	s0 =	rddreg [dreg:$0x2]  }
0x146: {  	s0 =	sadd.s32 @!p0 $0x100000, s0  }
0x147: {  	[sflag:s0] =	ssyncadd.tile.s32 @!p0 $0x1;
	_ =	shalt  }
.Lfunc_end2:
_tile_overlayer_lowered:
.L_overlay_start_2:
0x148: {  	(tag) =	ssettag $0x2  }
0x149: {  	s0 =	rddreg [dreg:$0x0];
	s2 =	stileid.u32  }
0x14a: {  	s1 =	rddreg [dreg:$0x1];
	p0 =	sne.s32 s2, $0x0  }
0x14b: {  	s3 =	rddreg [dreg:$0x2];
	[bflag:$0x3] =	sbarrier.arrive $0xFFFF;
	s2 =	simm.s32 @!p0 $0x1C09  }
0x14c: {  	[timem:s3], [sflag:s2] =	dma.local @!p0 [hbm:s0], s1  }
0x14d: {  	s0 =	simm.s32 @!p0 $0x9  }
0x14e: {  	_ =	swait.ge @!p0 [sflag:s0], s1  }
0x14f: {  	s1 =	ssub.s32 @!p0 $0x0, s1;
	[sflag:s0] =	ssyncset.done @!p0 $0x0  }
0x150: {  	[sflag:s0] =	ssyncadd.s32 @!p0 s1  }
0x151: {  	[bflag:$0x3] =	sbarrier.arrive $0xFFFF  }
0x152: {  	_ =	shalt  }

// kernel: kernel.8.cloned.1.call-start
scs
__scs_entry_jumppad:
0x0: {  	(pc) =	sbr.rel $0x88, $3  }
0x1: {  	(tag) =	ssettag $0x0;
	lr =	simm.s32 $0x1  }
0x2: {  	[smem:$0x3F99] =	sst lr;
	_ =	strace $0xD0000000  }
0x3: {  	_ = 	snop  }
0x4: {  	_ = 	snop  }
0x5: {  	_ = 	snop  }
0x6: {  	_ = 	snop  }
0x7: {  	_ = 	snop  }
__scs_overlays_trampoline_lowered:
0x8: {  	[smem:$0x3FA8] =	sst s0  }
0x9: {  	[smem:$0x3FA9] =	sst s1  }
0xa: {  	[smem:$0x3FAA] =	sst s2  }
0xb: {  	[smem:$0x3FAB] =	sst s3  }
0xc: {  	[smem:$0x3FAC] =	sst s4  }
0xd: {  	[smem:$0x3FAD] =	sst s5  }
0xe: {  	[smem:$0x3FAE] =	sst s6  }
0xf: {  	[smem:$0x3FAF] =	sst s7  }
0x10: {  	[smem:$0x3FB0] =	sst s8  }
0x11: {  	[smem:$0x3FB1] =	sst s9;
	s0 =	simm.s32 @!p0 $0x0  }
0x12: {  	s1 =	sld [smem:$0x3F97];
	s0 =	simm.s32 @p0 $0x1  }
0x13: {  	[smem:$0x3FB2] =	sst s0;
	s0 =	simm.s32 @!p1 $0x0  }
0x14: {  	s2 =	sld [smem:$0x3F96];
	s0 =	simm.s32 @p1 $0x1  }
0x15: {  	[smem:$0x3FB3] =	sst s0;
	s0 =	simm.s32 @!p2 $0x0  }
0x16: {  	s3 =	sld [smem:$0x3FDB];
	s0 =	simm.s32 @p2 $0x1  }
0x17: {  	s4 =	simm.s32 $0x1BF5;
	[smem:$0x3FB5] =	sst s0  }
0x18: {  	s0 =	sld [smem:$0x3F98];
	_ =	swait.ge [sflag:s4], $0x0  }
0x19: {  	s7 =	sld [smem:$0x3F99]  }
0x1a: {  	s8 =	sadd.s32 $0xFFFFE003, lr  }
0x1b: {  	s9 =	sadd.s32 $0xFFFFFEF7, lr;
	s5 =	simm.s32 $0xFFFFFFFF;
	p2 =	slt.u32 s8, $0xFFFFF086  }
0x1c: {  	p1 =	slt.u32 s9, $0xF7A;
	s5 =	simm.s32 @!p2 $0x0  }
0x1d: {  	s5 =	simm.s32 @p1 $0x1;
	p0 =	seq.s32 s7, s2  }
0x1e: {  	s7 =	smul.u32 @!p0 $0xF7A, s2;
	p2 =	seq.s32 @!p0 s5, $0x0  }
0x1f: {  	s9 =	smul.u32 $0xF7A, s1;
	s8 =	simm.s32 @!p0 $0x1BF5;
	p2 =	por !p2, p0  }
0x20: {  	[sflag:s8] =	ssyncset.s32 @!p0 $0xFFFFF086;
	s6 =	sadd.s32 @!p0 s3, s7;
	s7 =	simm.s32 @!p0 $0x108  }
0x21: {  	s3 =	sadd.s32 s3, s9;
	s6 =	sadd.s32 @!p0 $0x88, s6;
	s7 =	simm.s32 @p2 $0x1082  }
0x22: {  	[simem:s7], [sflag:s8] =	dma.local @!p0 [hbm:s6], $0xF7A  }
0x23: {  	s9 =	sor.u32 $0xD0000000, s2;
	s6 =	simm.s32 $0x108;
	_ =	swait.ge @!p0 [sflag:s8], $0x0  }
0x24: {  	s3 =	sadd.s32 $0x88, s3;
	s6 =	simm.s32 @!p1 $0x1082;
	[sflag:s4] =	ssyncset.s32 $0xFFFFF086  }
0x25: {  	[simem:s6], [sflag:s4] =	dma.local [hbm:s3], $0xF7A  }
0x26: {  	[smem:$0x3F99] =	sst s1;
	(tag) =	ssettag s2;
	_ =	strace s9  }
0x27: {  	s1 =	sld [smem:$0x3FA9]  }
0x28: {  	s2 =	sld [smem:$0x3FAA]  }
0x29: {  	s4 =	sld [smem:$0x3FAC]  }
0x2a: {  	p0 =	seq.s32 s5, $0x0;
	s5 =	sld [smem:$0x3FAD]  }
0x2b: {  	s6 =	sld [smem:$0x3FAE]  }
0x2c: {  	s7 =	sld [smem:$0x3FAF]  }
0x2d: {  	s3 =	simm.s32 $0x108;
	s8 =	sld [smem:$0x3FB0]  }
0x2e: {  	s3 =	simm.s32 @!p0 $0x1082;
	s9 =	sld [smem:$0x3FB1]  }
0x2f: {  	lr =	sadd.s32 s0, s3;
	s0 =	sld [smem:$0x3FA8]  }
0x30: {  	s3 =	sld [smem:$0x3FAB]  }
0x31: {  	[smem:$0x3FB4] =	sst s10  }
0x32: {  	s10 =	sld [smem:$0x3FB2];
	_ =	sdelay $0x3  }
0x33: {  	p0 =	seq.s32 s10, $0x1;
	s10 =	sld [smem:$0x3FB4];
	_ =	sdelay $0x3  }
0x34: {  	[smem:$0x3FB4] =	sst s10  }
0x35: {  	s10 =	sld [smem:$0x3FB3];
	_ =	sdelay $0x3  }
0x36: {  	p1 =	seq.s32 s10, $0x1;
	s10 =	sld [smem:$0x3FB4];
	_ =	sdelay $0x3  }
0x37: {  	[smem:$0x3FB4] =	sst s10  }
0x38: {  	s10 =	sld [smem:$0x3FB5]  }
0x39: {  	_ = 	snop;
	(pc) =	sbr.ind lr, $3  }
0x3a: {  	_ = 	snop  }
0x3b: {  	_ = 	snop  }
0x3c: {  	p2 =	seq.s32 s10, $0x1;
	s10 =	sld [smem:$0x3FB4]  }
0x3d: {  	_ =	shalt  }
0x3e: {  	_ =	shalt  }
0x3f: {  	_ =	shalt  }
0x40: {  	_ =	shalt  }
0x41: {  	_ =	shalt  }
0x42: {  	_ =	shalt  }
0x43: {  	_ =	shalt  }
0x44: {  	_ =	shalt  }
0x45: {  	_ =	shalt  }
0x46: {  	_ =	shalt  }
0x47: {  	_ =	shalt  }
0x48: {  	_ =	shalt  }
0x49: {  	_ =	shalt  }
0x4a: {  	_ =	shalt  }
0x4b: {  	_ =	shalt  }
0x4c: {  	_ =	shalt  }
0x4d: {  	_ =	shalt  }
0x4e: {  	_ =	shalt  }
0x4f: {  	_ =	shalt  }
0x50: {  	_ =	shalt  }
0x51: {  	_ =	shalt  }
0x52: {  	_ =	shalt  }
0x53: {  	_ =	shalt  }
0x54: {  	_ =	shalt  }
0x55: {  	_ =	shalt  }
0x56: {  	_ =	shalt  }
0x57: {  	_ =	shalt  }
0x58: {  	_ =	shalt  }
0x59: {  	_ =	shalt  }
0x5a: {  	_ =	shalt  }
0x5b: {  	_ =	shalt  }
0x5c: {  	_ =	shalt  }
0x5d: {  	_ =	shalt  }
0x5e: {  	_ =	shalt  }
0x5f: {  	_ =	shalt  }
0x60: {  	_ =	shalt  }
0x61: {  	_ =	shalt  }
0x62: {  	_ =	shalt  }
0x63: {  	_ =	shalt  }
0x64: {  	_ =	shalt  }
0x65: {  	_ =	shalt  }
0x66: {  	_ =	shalt  }
0x67: {  	_ =	shalt  }
0x68: {  	_ =	shalt  }
0x69: {  	_ =	shalt  }
0x6a: {  	_ =	shalt  }
0x6b: {  	_ =	shalt  }
0x6c: {  	_ =	shalt  }
0x6d: {  	_ =	shalt  }
0x6e: {  	_ =	shalt  }
0x6f: {  	_ =	shalt  }
0x70: {  	_ =	shalt  }
0x71: {  	_ =	shalt  }
0x72: {  	_ =	shalt  }
0x73: {  	_ =	shalt  }
0x74: {  	_ =	shalt  }
0x75: {  	_ =	shalt  }
0x76: {  	_ =	shalt  }
0x77: {  	_ =	shalt  }
0x78: {  	_ =	shalt  }
0x79: {  	_ =	shalt  }
0x7a: {  	_ =	shalt  }
0x7b: {  	_ =	shalt  }
0x7c: {  	_ =	shalt  }
0x7d: {  	_ =	shalt  }
0x7e: {  	_ =	shalt  }
0x7f: {  	_ =	shalt  }
0x80: {  	_ =	shalt  }
0x81: {  	_ =	shalt  }
0x82: {  	_ =	shalt  }
0x83: {  	_ =	shalt  }
0x84: {  	_ =	shalt  }
0x85: {  	_ =	shalt  }
0x86: {  	_ =	shalt  }
0x87: {  	_ =	shalt  }
.Lfunc_end0:
.L_simem_size_0:
called_computation_lowered:
.L_overlay_start_0:
0x88: {  	s2 =	sld [smem:$0x3FD9]  }
0x89: {  	s3 =	sld [smem:$0x3FFE];
	_ =	sdelay $0x1  }
0x8a: {  	s1 =	srdreg.scid  }
0x8b: {  	s0 =	sand.u32 $0x1, s1  }
0x8c: {  	s17 =	sshll.u32 s0, $0xA;
	s2 =	sadd.s32 s3, s2  }
0x8d: {  	s2 =	sadd.s32 s2, s17  }
0x8e: {  	[smem:$0x3FC0] =	sst s2  }
0x8f: {  	_ = 	snop  }
0x90: {  	s2 =	sld [smem:$0x3FD0];
	(tm) =	ssettm $0x1  }
0x91: {  	s18 =	sld [smem:$0x3FFB];
	_ =	sdelay $0x3  }
0x92: {  	_ =	strace s18  }
0x93: {  	s3 =	sld [smem:$0x3FFC];
	_ =	sdelay $0x3  }
0x94: {  	_ =	strace s3  }
0x95: {  	s3 =	sld [smem:$0x3FFD];
	_ =	sdelay $0x3  }
0x96: {  	_ =	strace s3  }
0x97: {  	_ =	strace $0x8FFFFFFF  }
0x98: {  	s19 =	sld [smem:$0x3FDB];
	_ =	sdelay $0x1  }
0x99: {  	s4 =	simm.s32 $_scs_section_size  }
0x9a: {  	s5 =	simm.s32 $_size__tile_overlayer_lowered;
	s6 =	simm.s32 $_tile_overlayer_lowered  }
0x9b: {  	s22 =	simm.s32 $0x1BFF;
	s21 =	sshll.u32 s6, $0x1;
	s3 =	sadd.s32 s4, s19  }
0x9c: {  	s7 =	simm.s32 $0x0;
	s20 =	sshll.u32 s5, $0x1;
	s5 =	sadd.s32 s21, s3  }
0x9d: {  	[timem:s7], [sflag:s22] =	dma.local [hbm:s5], s20  }
0x9e: {  	_ =	swait.ge [sflag:s22], s20  }
0x9f: {  	s4 =	ssub.s32 $0x0, s20;
	[sflag:s22] =	ssyncset.done $0x0  }
0xa0: {  	[sflag:s22] =	ssyncadd.s32 s4;
	_ =	sdelay $0x1  }
0xa1: {  	s23 =	simm.s32 $0x1B8B  }
0xa2: {  	_ =	swait.ge [sflag:s23], $0x1  }
0xa3: {  	[sflag:s23] =	ssyncset.done $0x0  }
0xa4: {  	s25 =	simm.s32 $0x1B8E;
	s24 =	sld [smem:$0x3FFE];
	[sflag:s23] =	ssyncadd.s32 $0xFFFFFFFF  }
0xa5: {  	s26 =	simm.s32 $execute0_lowered;
	[smem:$0x3FD2] =	sst s25  }
0xa6: {  	s5 =	sshll.u32 s26, $0x1;
	_ =	strace $0x80000046;
	[dreg:$0x1] =	wrdreg $0xFFFFFFFF  }
0xa7: {  	s28 =	simm.s32 $_size_execute0_lowered;
	s3 =	sadd.s32 s3, s5;
	[dreg:$0x0] =	wrdreg $0x0  }
0xa8: {  	s5 =	sshll.u32 s28, $0x1;
	[dreg:$0x2] =	wrdreg s3  }
0xa9: {  	[dreg:$0x3] =	wrdreg s5  }
0xaa: {  	[dreg:$0x4] =	wrdreg $0xC0  }
0xab: {  	_ =	task [dreg:s7], $0x5FFFF  }
0xac: {  	[dreg:$0x1] =	wrdreg $0xFFFFFFFF  }
0xad: {  	[dreg:$0x0] =	wrdreg $0x60  }
0xae: {  	[dreg:$0x2] =	wrdreg s24  }
0xaf: {  	[dreg:$0x3] =	wrdreg s2  }
0xb0: {  	[dreg:$0x4] =	wrdreg $0xB5400  }
0xb1: {  	[dreg:$0x5] =	wrdreg $0x9  }
0xb2: {  	_ =	task.clear_ibuf [dreg:s7], $0x6FFFF;
	_ =	strace $0x90000046  }
0xb3: {  	s29 =	simm.s32 $0x9;
	_ =	strace $0x80000048  }
0xb4: {  	_ =	swait.ge [sflag:s29], $0x1  }
0xb5: {  	[sflag:s29] =	ssyncadd.s32 $0xFFFFFFFF  }
0xb6: {  	_ =	strace $0x90000048  }
0xb7: {  	_ =	sfence  }
0xb8: {  	s30 =	sld [smem:$0x0];
	_ =	sdelay $0x2  }
0xb9: {  	s31 =	sshll.u32 s1, $0xD;
	s1 =	sshrl.u32 s1, $0x2  }
0xba: {  	s3 =	sand.u32 $0x4000, s31;
	s1 =	sadd.s32 s1, s30  }
0xbb: {  	s0 =	sor.u32 s3, s0;
	s1 =	sshll.u32 s1, $0x11  }
0xbc: {  	s0 =	sor.u32 s1, s0  }
0xbd: {  	s0 =	sadd.s32 $0x8F2B, s0  }
0xbe: {  	[sflag:s0] =	ssyncadd.remote.s32 $0x1  }
0xbf: {  	_ =	sfence.sel $0xFFFF  }
0xc0: {  	[dreg:$0x0] =	wrdreg $0xFFFFFFFF;
	(pc) =	sbr.abs _section_cstart, $3  }
0xc1: {  	[dreg:$0x1] =	wrdreg $0xFFFFFFFF  }
0xc2: {  	_ =	task.clear_ibuf [dreg:s7], $0x2FFFF;
	_ =	strace $0x9FFFFFFF  }
0xc3: {  	(tm) =	ssettm $0x7FFFFFFF  }
tec
execute0_lowered:
.L_overlay_start_1:
0x0: {  	(tag) =	ssettag $0x1  }
0x1: {  	s4 =	rddreg [dreg:$0x0]  }
0x2: {  	s2 =	rddreg [dreg:$0x1]  }
0x3: {  	s0 =	srdreg.scid;
	s7 =	rddreg [dreg:$0x2]  }
0x4: {  	s1 =	rddreg [dreg:$0x3];
	s3 =	simm.s32 $0x0;
	s5 =	sand.u32 $0x1, s0  }
0x5: {  	s13 =	simm.s32 $0x7800;
	s0 =	stileid.u32;
	s6 =	smul.u32 $0x5000, s5  }
0x6: {  	s14 =	simm.s32 $0x8D40;
	s15 =	simm.s32 $0x0;
	s8 =	smul.u32 $0x500, s0  }
0x7: {  	[smem:$0x7FF] =	sst s3;
	s10 =	smul.u32 $0x5000, s0;
	s5 =	ssub.s32 $0x2, s5  }
0x8: {  	_ =	strace $0x80000047;
	s12 =	smul.u32 $0xA000, s0;
	s11 =	sshrl.u32 s5, $0x1  }
0x9: {  	s9 =	sadd.s32 s8, s6;
	s10 =	sshrl.u32 s10, $0x3;
	s11 =	ssub.s32 s5, s11  }
0xa: {  	s29 =	sshrl.u32 s6, $0x2;
	s30 =	sshrl.u32 s12, $0x2;
	s8 =	sshrl.u32 s8, $0x2  }
0xb: {  	s12 =	simm.s32 $0x2800;
	s9 =	sadd.s32 s9, s4;
	s4 =	sadd.s32 s4, s10  }
0xc: {  	s31 =	sadd.s32 s29, s7;
	s5 =	sadd.s32 s30, s7;
	s10 =	simm.s32 $0x5000  }
0xd: {  	s4 =	sadd.s32 $0xCC00, s4;
	s6 =	sadd.s32 s8, s31;
	s7 =	sadd.s32 $0x16C00, s9  }
0xe: {  	v0 =	vimm.f32 $1.000000000e+00;
	s8 =	smax.u32 s11, $0x1;
	s9 =	simm.s32 $0x1;
	s11 =	simm.s32 $0x140  }
.LBB2_1:
0xf: {  	[tilespmem:s3], [sflag:$0x1] =	stream.linear.gather [hbm4b:s4+s3], $0x5000, $0x38;
	[tilespmem:$0xDD40] =	vst v63  }
0x10: {  	_ =	swait.ge [sflag:s9], $0x5000  }
0x11: {  	[sflag:s9] =	ssyncset.done $0x0  }
0x12: {  	[sflag:s9] =	ssyncadd.s32 $0xFFFFB000  }
0x13: {  	[tilespmem:s10], [sflag:$0x1] =	stream.linear.gather [hbm4b:s2+s3], $0x2800, $0x38;
	[tilespmem:$0xDD40] =	vst v63  }
0x14: {  	_ =	swait.ge [sflag:s9], $0x2800  }
0x15: {  	[sflag:s9] =	ssyncset.done $0x0  }
0x16: {  	s16 =	simm.s32 $0x0;
	[sflag:s9] =	ssyncadd.s32 $0xFFFFD800  }
.LBB2_2:
0x17: {  	s17 =	sshra.s32 s16, $0x2  }
0x18: {  	v1 =	vld [tilespmem:s17+$0x0];
	_ =	sdelay $0x7  }
0x19: {  	[tilespmem:v1+s10+$0x0] =	vst.idx.add.f32.msk $0xffff, v0  }
0x1a: {  	v1 =	vld [tilespmem:s17+$0x10];
	_ =	sdelay $0x7  }
0x1b: {  	[tilespmem:v1+s10+$0x0] =	vst.idx.add.f32.msk $0xffff, v0  }
0x1c: {  	v1 =	vld [tilespmem:s17+$0x20];
	_ =	sdelay $0x7  }
0x1d: {  	[tilespmem:v1+s10+$0x0] =	vst.idx.add.f32.msk $0xffff, v0  }
0x1e: {  	v1 =	vld [tilespmem:s17+$0x30];
	_ =	sdelay $0x7  }
0x1f: {  	[tilespmem:v1+s10+$0x0] =	vst.idx.add.f32.msk $0xffff, v0  }
0x20: {  	v1 =	vld [tilespmem:s17+$0x40];
	_ =	sdelay $0x7  }
0x21: {  	[tilespmem:v1+s10+$0x0] =	vst.idx.add.f32.msk $0xffff, v0  }
0x22: {  	v1 =	vld [tilespmem:s17+$0x50];
	_ =	sdelay $0x7  }
0x23: {  	[tilespmem:v1+s10+$0x0] =	vst.idx.add.f32.msk $0xffff, v0  }
0x24: {  	v1 =	vld [tilespmem:s17+$0x60];
	_ =	sdelay $0x7  }
0x25: {  	[tilespmem:v1+s10+$0x0] =	vst.idx.add.f32.msk $0xffff, v0  }
0x26: {  	v1 =	vld [tilespmem:s17+$0x70];
	_ =	sdelay $0x2  }
0x27: {  	p0 =	sne.s32 s16, $0x13E00  }
.Ltmp0:
0x28: {  	_ = 	snop;
	(pc) =	sbr.rel @p0 .LBB2_2-.Ltmp0, $2  }
0x29: {  	_ =	sdelay $0x2  }
0x2a: {  	s16 =	sadd.s32 $0x200, s16;
	[tilespmem:v1+s10+$0x0] =	vst.idx.add.f32.msk $0xffff, v0  }
0x2b: {  	[spmem:s5] =	stream.linear.scatter [tilespmem:s10], [sflag:$0x1], $0x2800, $0x38;
	[tilespmem:$0xDD40] =	vst v63  }
0x2c: {  	_ =	swait.ge [sflag:s9], $0x2800  }
0x2d: {  	[sflag:s9] =	ssyncset.done $0x0  }
0x2e: {  	[sflag:s9] =	ssyncadd.s32 $0xFFFFD800  }
0x2f: {  	[bflag:$0x0] =	sbarrier.arrive $0xFFFF  }
0x30: {  	[tilespmem:s13], [sflag:$0x1] =	stream.strided.gather [spmem:s6], $0x1400, s12, s11, $0x38;
	[tilespmem:$0xDD40] =	vst v63  }
0x31: {  	_ =	swait.ge [sflag:s9], $0x1400  }
0x32: {  	[sflag:s9] =	ssyncset.done $0x0  }
0x33: {  	s18 =	simm.s32 $0x0;
	[sflag:s9] =	ssyncadd.s32 $0xFFFFEC00  }
0x34: {  	v1 =	vld [tilespmem:s18+$0x7800];
	_ =	sdelay $0x1  }
0x35: {  	v2 =	vld [tilespmem:s18+$0x7940];
	_ =	sdelay $0x1  }
0x36: {  	v3 =	vld [tilespmem:s18+$0x7A80]  }
0x37: {  	v1 =	vadd.f32 $1.000000000e+00, v1  }
0x38: {  	v4 =	vld [tilespmem:s18+$0x7BC0]  }
0x39: {  	v1 =	vadd.f32 v2, v1  }
0x3a: {  	v2 =	vld [tilespmem:s18+$0x7D00]  }
0x3b: {  	v1 =	vadd.f32 v3, v1  }
0x3c: {  	v3 =	vld [tilespmem:s18+$0x7E40]  }
0x3d: {  	v1 =	vadd.f32 v4, v1  }
0x3e: {  	v4 =	vld [tilespmem:s18+$0x7F80]  }
0x3f: {  	v5 =	vld [tilespmem:s18+$0x8200];
	v1 =	vadd.f32 v2, v1  }
0x40: {  	v2 =	vld [tilespmem:s18+$0x80C0]  }
0x41: {  	s17 =	simm.s32 $0x10;
	v6 =	vld [tilespmem:s18+$0x8340];
	v1 =	vadd.f32 v3, v1  }
0x42: {  	v3 =	vld [tilespmem:s17+$0x7800]  }
0x43: {  	v7 =	vld [tilespmem:s18+$0x8480];
	v1 =	vadd.f32 v4, v1  }
0x44: {  	v4 =	vld [tilespmem:s17+$0x7940]  }
0x45: {  	v8 =	vld [tilespmem:s18+$0x85C0];
	v1 =	vadd.f32 v2, v1  }
0x46: {  	v2 =	vld [tilespmem:s17+$0x7A80]  }
0x47: {  	v9 =	vld [tilespmem:s18+$0x8AC0];
	v3 =	vadd.f32 $1.000000000e+00, v3;
	v1 =	vadd.f32 v5, v1  }
0x48: {  	v5 =	vld [tilespmem:s17+$0x7BC0]  }
0x49: {  	v3 =	vadd.f32 v4, v3;
	v4 =	vld [tilespmem:s17+$0x7D00];
	v1 =	vadd.f32 v6, v1  }
0x4a: {  	v6 =	vld [tilespmem:s18+$0x8700]  }
0x4b: {  	v2 =	vadd.f32 v2, v3;
	v3 =	vld [tilespmem:s17+$0x7E40];
	v1 =	vadd.f32 v7, v1  }
0x4c: {  	v7 =	vld [tilespmem:s18+$0x8840]  }
0x4d: {  	v2 =	vadd.f32 v5, v2;
	v5 =	vld [tilespmem:s17+$0x7F80];
	v1 =	vadd.f32 v8, v1  }
0x4e: {  	s19 =	simm.s32 $0x20;
	v8 =	vld [tilespmem:s18+$0x8980]  }
0x4f: {  	v10 =	vld [tilespmem:s19+$0x7BC0];
	v2 =	vadd.f32 v4, v2;
	v1 =	vadd.f32 v6, v1  }
0x50: {  	v4 =	vld [tilespmem:s17+$0x80C0]  }
0x51: {  	v2 =	vadd.f32 v3, v2;
	v3 =	vld [tilespmem:s19+$0x7800];
	v1 =	vadd.f32 v7, v1  }
0x52: {  	v6 =	vld [tilespmem:s17+$0x8200]  }
0x53: {  	v2 =	vadd.f32 v5, v2;
	v5 =	vld [tilespmem:s19+$0x7940];
	v1 =	vadd.f32 v8, v1  }
0x54: {  	v7 =	vld [tilespmem:s17+$0x8340]  }
0x55: {  	v2 =	vadd.f32 v4, v2;
	v4 =	vld [tilespmem:s19+$0x7A80];
	v1 =	vadd.f32 v9, v1  }
0x56: {  	v8 =	vld [tilespmem:s17+$0x8480];
	v3 =	vadd.f32 $1.000000000e+00, v3  }
0x57: {  	v12 =	vld [tilespmem:s17+$0x8700];
	v6 =	vadd.f32 v6, v2;
	v11 =	vshra.s32 v1, $0x1;
	v2 =	vmul.f32 $5.000000000e-01, v1  }
0x58: {  	v9 =	vld [tilespmem:s17+$0x85C0];
	v3 =	vadd.f32 v5, v3;
	v5 =	vsub.s32 $0x5F3759DF, v11  }
0x59: {  	v6 =	vadd.f32 v7, v6;
	v7 =	vld [tilespmem:s19+$0x7D00];
	v11 =	vmul.f32 v5, v2  }
0x5a: {  	v13 =	vld [tilespmem:s19+$0x7E40];
	v3 =	vadd.f32 v4, v3  }
0x5b: {  	v1 =	vld [tilespmem:s17+$0x8AC0];
	v4 =	vadd.f32 v8, v6;
	v8 =	vmul.f32 v5, v11  }
0x5c: {  	v10 =	vadd.f32 v10, v3;
	v11 =	vld [tilespmem:s17+$0x8840]  }
0x5d: {  	v6 =	vld [tilespmem:s19+$0x7F80];
	v9 =	vadd.f32 v9, v4;
	v8 =	vsub.f32 $1.500000000e+00, v8  }
0x5e: {  	v3 =	vld [tilespmem:s17+$0x8980];
	v7 =	vadd.f32 v7, v10  }
0x5f: {  	s21 =	simm.s32 $0x30;
	v4 =	vld [tilespmem:s19+$0x80C0];
	v12 =	vadd.f32 v12, v9;
	v8 =	vmul.f32 v5, v8  }
0x60: {  	s16 =	simm.s32 $0x80;
	v10 =	vld [tilespmem:s21+$0x7800];
	v9 =	vadd.f32 v13, v7  }
0x61: {  	s23 =	simm.s32 $0x100;
	s22 =	simm.s32 $0x0;
	s20 =	simm.s32 $0x10;
	v5 =	vld [tilespmem:s19+$0x8200];
	v7 =	vadd.f32 v11, v12;
	v11 =	vmul.f32 v8, v2  }
.LBB2_4:
0x62: {  	p0 =	sne.s32 s23, $0x4C0;
	v6 =	vadd.f32 v6, v9;
	v9 =	vld [tilespmem:s19+$0x8340];
	s24 =	smov.u32 s19;
	s19 =	smov.u32 s21  }
0x63: {  	v12 =	vld [tilespmem:s19+$0x7940];
	v3 =	vadd.f32 v3, v7;
	v7 =	vmul.f32 v11, v8  }
0x64: {  	v4 =	vadd.f32 v4, v6;
	v6 =	vld [tilespmem:s24+$0x8480]  }
0x65: {  	v11 =	vld [tilespmem:s19+$0x7A80];
	v1 =	vadd.f32 v1, v3;
	v3 =	vsub.f32 $1.500000000e+00, v7  }
0x66: {  	v7 =	vadd.f32 $1.000000000e+00, v10;
	v4 =	vadd.f32 v5, v4;
	v5 =	vld [tilespmem:s24+$0x85C0]  }
0x67: {  	v10 =	vld [tilespmem:s19+$0x7BC0];
	v13 =	vshra.s32 v1, $0x1;
	v14 =	vmul.f32 $5.000000000e-01, v1;
	v15 =	vmul.f32 v3, v8  }
0x68: {  	v3 =	vadd.f32 v12, v7;
	v4 =	vadd.f32 v9, v4;
	v1 =	vld [tilespmem:s24+$0x8AC0];
	v7 =	vsub.s32 $0x5F3759DF, v13  }
0x69: {  	v8 =	vld [tilespmem:s19+$0x7D00];
	v9 =	vmul.f32 v7, v14;
	v12 =	vmul.f32 v15, v2;
	v2 =	vmov v14  }
0x6a: {  	v3 =	vadd.f32 v11, v3;
	v4 =	vadd.f32 v6, v4;
	v11 =	vld [tilespmem:s24+$0x8700]  }
0x6b: {  	v13 =	vld [tilespmem:s19+$0x7E40];
	v9 =	vmul.f32 v7, v9;
	v12 =	vmul.f32 v12, v15  }
0x6c: {  	v3 =	vadd.f32 v10, v3;
	v5 =	vadd.f32 v5, v4;
	v14 =	vld [tilespmem:s24+$0x8840]  }
.Ltmp1:
0x6d: {  	v6 =	vld [tilespmem:s19+$0x7F80];
	v9 =	vsub.f32 $1.500000000e+00, v9;
	v10 =	vsub.f32 $1.500000000e+00, v12;
	(pc) =	sbr.rel @p0 .LBB2_4-.Ltmp1, $4  }
0x6e: {  	v12 =	vadd.f32 v8, v3;
	v3 =	vld [tilespmem:s24+$0x8980]  }
0x6f: {  	v4 =	vld [tilespmem:s19+$0x80C0];
	v11 =	vadd.f32 v11, v5;
	v8 =	vmul.f32 v7, v9;
	v15 =	vmul.f32 v10, v15  }
0x70: {  	s21 =	sshra.s32 s23, $0x2;
	v9 =	vadd.f32 v13, v12;
	v5 =	vld [tilespmem:s19+$0x8200]  }
0x71: {  	s23 =	sadd.s32 $0x40, s23;
	v10 =	vld [tilespmem:s21+$0x7800];
	v7 =	vadd.f32 v14, v11;
	v11 =	vmul.f32 v8, v2;
	[tilespmem:s22+$0x8C00] =	vst v15;
	s22 =	smov.u32 s20;
	s20 =	smov.u32 s24  }
0x72: {  	_ = 	snop  }
0x73: {  	v12 =	vld [tilespmem:s21+$0x7940]  }
0x74: {  	v11 =	vmul.f32 v11, v8  }
0x75: {  	v14 =	vld [tilespmem:s21+$0x7A80]  }
0x76: {  	v13 =	vld [tilespmem:s19+$0x8340];
	v11 =	vsub.f32 $1.500000000e+00, v11;
	v10 =	vadd.f32 $1.000000000e+00, v10  }
0x77: {  	v16 =	vld [tilespmem:s21+$0x7BC0]  }
0x78: {  	v15 =	vld [tilespmem:s19+$0x8480];
	v37 =	vmul.f32 v11, v8;
	v10 =	vadd.f32 v12, v10  }
0x79: {  	v38 =	vld [tilespmem:s21+$0x7D00]  }
0x7a: {  	v17 =	vld [tilespmem:s19+$0x85C0];
	v2 =	vmul.f32 v37, v2;
	v10 =	vadd.f32 v14, v10  }
0x7b: {  	v40 =	vld [tilespmem:s21+$0x7E40]  }
0x7c: {  	v39 =	vld [tilespmem:s19+$0x8AC0];
	v2 =	vmul.f32 v2, v37;
	v10 =	vadd.f32 v16, v10  }
0x7d: {  	v41 =	vld [tilespmem:s21+$0x7F80]  }
0x7e: {  	v18 =	vld [tilespmem:s19+$0x8700];
	v2 =	vsub.f32 $1.500000000e+00, v2;
	v10 =	vadd.f32 v38, v10  }
0x7f: {  	v42 =	vld [tilespmem:s21+$0x80C0]  }
0x80: {  	v19 =	vld [tilespmem:s19+$0x8840];
	v2 =	vmul.f32 v2, v37;
	v43 =	vadd.f32 v40, v10  }
0x81: {  	v6 =	vadd.f32 v6, v9;
	v45 =	vld [tilespmem:s21+$0x8200]  }
0x82: {  	v44 =	vld [tilespmem:s19+$0x8980];
	[tilespmem:s22+$0x8C00] =	vst v2;
	v2 =	vadd.f32 v41, v43  }
0x83: {  	v4 =	vadd.f32 v4, v6;
	v46 =	vld [tilespmem:s21+$0x8340]  }
0x84: {  	v2 =	vadd.f32 v42, v2  }
0x85: {  	v4 =	vadd.f32 v5, v4;
	v47 =	vld [tilespmem:s21+$0x8480]  }
0x86: {  	v2 =	vadd.f32 v45, v2  }
0x87: {  	v4 =	vadd.f32 v13, v4;
	v48 =	vld [tilespmem:s21+$0x85C0]  }
0x88: {  	v2 =	vadd.f32 v46, v2  }
0x89: {  	v4 =	vadd.f32 v15, v4;
	v49 =	vld [tilespmem:s21+$0x8700]  }
0x8a: {  	v2 =	vadd.f32 v47, v2  }
0x8b: {  	v4 =	vadd.f32 v17, v4;
	v50 =	vld [tilespmem:s21+$0x8840]  }
0x8c: {  	v2 =	vadd.f32 v48, v2  }
0x8d: {  	v4 =	vadd.f32 v18, v4;
	v51 =	vld [tilespmem:s21+$0x8980]  }
0x8e: {  	v2 =	vadd.f32 v49, v2  }
0x8f: {  	v3 =	vadd.f32 v3, v7;
	v4 =	vadd.f32 v19, v4;
	v52 =	vld [tilespmem:s21+$0x8AC0]  }
0x90: {  	v2 =	vadd.f32 v50, v2  }
0x91: {  	v1 =	vadd.f32 v1, v3;
	v3 =	vadd.f32 v44, v4  }
0x92: {  	v2 =	vadd.f32 v51, v2  }
0x93: {  	v53 =	vshra.s32 v1, $0x1;
	v1 =	vmul.f32 $5.000000000e-01, v1;
	v3 =	vadd.f32 v39, v3  }
0x94: {  	v4 =	vsub.s32 $0x5F3759DF, v53;
	v2 =	vadd.f32 v52, v2  }
0x95: {  	v54 =	vmul.f32 v4, v1;
	v55 =	vshra.s32 v3, $0x1;
	v3 =	vmul.f32 $5.000000000e-01, v3  }
0x96: {  	v6 =	vsub.s32 $0x5F3759DF, v55;
	v56 =	vshra.s32 v2, $0x1;
	v2 =	vmul.f32 $5.000000000e-01, v2  }
0x97: {  	v57 =	vmul.f32 v6, v3;
	v7 =	vsub.s32 $0x5F3759DF, v56  }
0x98: {  	v5 =	vmul.f32 v4, v54;
	v58 =	vmul.f32 v7, v2  }
0x99: {  	v8 =	vmul.f32 v6, v57  }
0x9a: {  	v5 =	vsub.f32 $1.500000000e+00, v5;
	v9 =	vmul.f32 v7, v58  }
0x9b: {  	v8 =	vsub.f32 $1.500000000e+00, v8  }
0x9c: {  	v4 =	vmul.f32 v4, v5;
	v59 =	vsub.f32 $1.500000000e+00, v9  }
0x9d: {  	v6 =	vmul.f32 v6, v8  }
0x9e: {  	v60 =	vmul.f32 v4, v1;
	v5 =	vmul.f32 v7, v59  }
0x9f: {  	v61 =	vmul.f32 v6, v3  }
0xa0: {  	v8 =	vmul.f32 v60, v4;
	v62 =	vmul.f32 v5, v2  }
0xa1: {  	v7 =	vmul.f32 v61, v6  }
0xa2: {  	v8 =	vsub.f32 $1.500000000e+00, v8;
	v9 =	vmul.f32 v62, v5  }
0xa3: {  	v7 =	vsub.f32 $1.500000000e+00, v7  }
0xa4: {  	v4 =	vmul.f32 v8, v4;
	v63 =	vsub.f32 $1.500000000e+00, v9  }
0xa5: {  	v6 =	vmul.f32 v7, v6  }
0xa6: {  	v1 =	vmul.f32 v4, v1;
	v5 =	vmul.f32 v63, v5  }
0xa7: {  	v3 =	vmul.f32 v6, v3  }
0xa8: {  	v1 =	vmul.f32 v1, v4;
	v2 =	vmul.f32 v5, v2  }
0xa9: {  	v3 =	vmul.f32 v3, v6  }
0xaa: {  	v1 =	vsub.f32 $1.500000000e+00, v1;
	v2 =	vmul.f32 v2, v5  }
0xab: {  	v3 =	vsub.f32 $1.500000000e+00, v3  }
0xac: {  	v1 =	vmul.f32 v1, v4;
	v2 =	vsub.f32 $1.500000000e+00, v2  }
0xad: {  	v3 =	vmul.f32 v3, v6  }
0xae: {  	[tilespmem:s20+$0x8C00] =	vst v1;
	v1 =	vmul.f32 v2, v5  }
0xaf: {  	[tilespmem:s19+$0x8C00] =	vst v3  }
0xb0: {  	[tilespmem:s21+$0x8C00] =	vst v1  }
0xb1: {  	v1 =	vld [tilespmem:s18+$0x8C00];
	_ =	sdelay $0x4  }
0xb2: {  	v2 =	vbroadcast v1, $0x0  }
0xb3: {  	s18 =	simm.s32 $0x8E40  }
0xb4: {  	v3 =	vbroadcast v1, $0x1;
	[tilespmem:s18+$0xFFFFFF00] =	vst v2  }
0xb5: {  	[tilespmem:s18+$0xFFFFFF10] =	vst v2  }
0xb6: {  	v2 =	vbroadcast v1, $0x2;
	[tilespmem:s18+$0xFFFFFF20] =	vst v3  }
0xb7: {  	[tilespmem:s18+$0xFFFFFF30] =	vst v3  }
0xb8: {  	v3 =	vbroadcast v1, $0x3;
	[tilespmem:s18+$0xFFFFFF40] =	vst v2  }
0xb9: {  	[tilespmem:s18+$0xFFFFFF50] =	vst v2  }
0xba: {  	v2 =	vbroadcast v1, $0x4;
	[tilespmem:s18+$0xFFFFFF60] =	vst v3  }
0xbb: {  	[tilespmem:s18+$0xFFFFFF70] =	vst v3  }
0xbc: {  	v3 =	vbroadcast v1, $0x5;
	[tilespmem:s18+$0xFFFFFF80] =	vst v2  }
0xbd: {  	[tilespmem:s18+$0xFFFFFF90] =	vst v2  }
0xbe: {  	v2 =	vbroadcast v1, $0x6;
	[tilespmem:s18+$0xFFFFFFA0] =	vst v3  }
0xbf: {  	[tilespmem:s18+$0xFFFFFFB0] =	vst v3  }
0xc0: {  	v3 =	vbroadcast v1, $0x7;
	[tilespmem:s18+$0xFFFFFFC0] =	vst v2  }
0xc1: {  	[tilespmem:s18+$0xFFFFFFD0] =	vst v2  }
0xc2: {  	v2 =	vbroadcast v1, $0x8;
	[tilespmem:s18+$0xFFFFFFE0] =	vst v3  }
0xc3: {  	[tilespmem:s18+$0xFFFFFFF0] =	vst v3  }
0xc4: {  	v3 =	vbroadcast v1, $0x9;
	[tilespmem:s18+$0x0] =	vst v2  }
0xc5: {  	[tilespmem:s18+$0x10] =	vst v2  }
0xc6: {  	v2 =	vbroadcast v1, $0xA;
	[tilespmem:s18+$0x20] =	vst v3  }
0xc7: {  	[tilespmem:s18+$0x30] =	vst v3  }
0xc8: {  	v3 =	vbroadcast v1, $0xB;
	[tilespmem:s18+$0x40] =	vst v2  }
0xc9: {  	[tilespmem:s18+$0x50] =	vst v2  }
0xca: {  	v2 =	vbroadcast v1, $0xC;
	[tilespmem:s18+$0x60] =	vst v3  }
0xcb: {  	[tilespmem:s18+$0x70] =	vst v3  }
0xcc: {  	v3 =	vbroadcast v1, $0xD;
	[tilespmem:s18+$0x80] =	vst v2  }
0xcd: {  	[tilespmem:s18+$0x90] =	vst v2  }
0xce: {  	v2 =	vbroadcast v1, $0xE;
	[tilespmem:s18+$0xA0] =	vst v3  }
0xcf: {  	[tilespmem:s18+$0xB0] =	vst v3  }
0xd0: {  	v1 =	vbroadcast v1, $0xF;
	[tilespmem:s18+$0xC0] =	vst v2  }
0xd1: {  	[tilespmem:s18+$0xD0] =	vst v2  }
0xd2: {  	[tilespmem:s18+$0xE0] =	vst v1  }
0xd3: {  	[tilespmem:s18+$0xF0] =	vst v1  }
.LBB2_6:
0xd4: {  	p0 =	sne.s32 s16, $0x4C0;
	v1 =	vld [tilespmem:s17+$0x8C00];
	_ =	sdelay $0x4  }
0xd5: {  	v2 =	vbroadcast v1, $0x0;
	v3 =	vbroadcast v1, $0x1  }
0xd6: {  	s18 =	sadd.s32 $0x200, s18;
	v4 =	vbroadcast v1, $0x2;
	v5 =	vbroadcast v1, $0x3  }
0xd7: {  	v6 =	vbroadcast v1, $0x4;
	v7 =	vbroadcast v1, $0x5;
	[tilespmem:s18+$0xFFFFFF00] =	vst v2  }
0xd8: {  	v8 =	vbroadcast v1, $0x7;
	[tilespmem:s18+$0xFFFFFF10] =	vst v2;
	v2 =	vbroadcast v1, $0x6  }
0xd9: {  	v9 =	vbroadcast v1, $0x8;
	v10 =	vbroadcast v1, $0x9;
	[tilespmem:s18+$0xFFFFFF20] =	vst v3  }
0xda: {  	v11 =	vbroadcast v1, $0xB;
	[tilespmem:s18+$0xFFFFFF30] =	vst v3;
	v3 =	vbroadcast v1, $0xA  }
0xdb: {  	v12 =	vbroadcast v1, $0xC;
	v13 =	vbroadcast v1, $0xD;
	[tilespmem:s18+$0xFFFFFF40] =	vst v4  }
0xdc: {  	[tilespmem:s18+$0xFFFFFF50] =	vst v4;
	v4 =	vbroadcast v1, $0xE;
	v1 =	vbroadcast v1, $0xF  }
0xdd: {  	[tilespmem:s18+$0xFFFFFF60] =	vst v5  }
0xde: {  	[tilespmem:s18+$0xFFFFFF70] =	vst v5  }
0xdf: {  	[tilespmem:s18+$0xFFFFFF80] =	vst v6  }
0xe0: {  	[tilespmem:s18+$0xFFFFFF90] =	vst v6  }
0xe1: {  	[tilespmem:s18+$0xFFFFFFA0] =	vst v7  }
0xe2: {  	[tilespmem:s18+$0xFFFFFFB0] =	vst v7  }
0xe3: {  	[tilespmem:s18+$0xFFFFFFC0] =	vst v2  }
0xe4: {  	[tilespmem:s18+$0xFFFFFFD0] =	vst v2  }
0xe5: {  	[tilespmem:s18+$0xFFFFFFE0] =	vst v8  }
0xe6: {  	[tilespmem:s18+$0xFFFFFFF0] =	vst v8  }
0xe7: {  	[tilespmem:s18+$0x0] =	vst v9  }
0xe8: {  	[tilespmem:s18+$0x10] =	vst v9  }
0xe9: {  	[tilespmem:s18+$0x20] =	vst v10  }
0xea: {  	[tilespmem:s18+$0x30] =	vst v10  }
0xeb: {  	[tilespmem:s18+$0x40] =	vst v3  }
0xec: {  	[tilespmem:s18+$0x50] =	vst v3  }
0xed: {  	[tilespmem:s18+$0x60] =	vst v11  }
0xee: {  	[tilespmem:s18+$0x70] =	vst v11  }
0xef: {  	[tilespmem:s18+$0x80] =	vst v12  }
0xf0: {  	[tilespmem:s18+$0x90] =	vst v12  }
0xf1: {  	[tilespmem:s18+$0xA0] =	vst v13  }
.Ltmp2:
0xf2: {  	[tilespmem:s18+$0xB0] =	vst v13;
	(pc) =	sbr.rel @p0 .LBB2_6-.Ltmp2, $4  }
0xf3: {  	[tilespmem:s18+$0xC0] =	vst v4  }
0xf4: {  	[tilespmem:s18+$0xD0] =	vst v4  }
0xf5: {  	[tilespmem:s18+$0xE0] =	vst v1  }
0xf6: {  	s17 =	sshra.s32 s16, $0x2;
	s16 =	sadd.s32 $0x40, s16;
	[tilespmem:s18+$0xF0] =	vst v1  }
0xf7: {  	v1 =	vld [tilespmem:s17+$0x8C00];
	_ =	sdelay $0x4  }
0xf8: {  	v2 =	vbroadcast v1, $0x0  }
0xf9: {  	s16 =	sadd.s32 $0x200, s18  }
0xfa: {  	v3 =	vbroadcast v1, $0x1;
	[tilespmem:s16+$0xFFFFFF00] =	vst v2  }
0xfb: {  	[tilespmem:s16+$0xFFFFFF10] =	vst v2  }
0xfc: {  	v2 =	vbroadcast v1, $0x2;
	[tilespmem:s16+$0xFFFFFF20] =	vst v3  }
0xfd: {  	[tilespmem:s16+$0xFFFFFF30] =	vst v3  }
0xfe: {  	v3 =	vbroadcast v1, $0x3;
	[tilespmem:s16+$0xFFFFFF40] =	vst v2  }
0xff: {  	[tilespmem:s16+$0xFFFFFF50] =	vst v2  }
0x100: {  	v2 =	vbroadcast v1, $0x4;
	[tilespmem:s16+$0xFFFFFF60] =	vst v3  }
0x101: {  	[tilespmem:s16+$0xFFFFFF70] =	vst v3  }
0x102: {  	v3 =	vbroadcast v1, $0x5;
	[tilespmem:s16+$0xFFFFFF80] =	vst v2  }
0x103: {  	[tilespmem:s16+$0xFFFFFF90] =	vst v2  }
0x104: {  	v2 =	vbroadcast v1, $0x6;
	[tilespmem:s16+$0xFFFFFFA0] =	vst v3  }
0x105: {  	[tilespmem:s16+$0xFFFFFFB0] =	vst v3  }
0x106: {  	v3 =	vbroadcast v1, $0x7;
	[tilespmem:s16+$0xFFFFFFC0] =	vst v2  }
0x107: {  	[tilespmem:s16+$0xFFFFFFD0] =	vst v2  }
0x108: {  	v2 =	vbroadcast v1, $0x8;
	[tilespmem:s16+$0xFFFFFFE0] =	vst v3  }
0x109: {  	[tilespmem:s16+$0xFFFFFFF0] =	vst v3  }
0x10a: {  	v3 =	vbroadcast v1, $0x9;
	[tilespmem:s16+$0x0] =	vst v2  }
0x10b: {  	[tilespmem:s16+$0x10] =	vst v2  }
0x10c: {  	v2 =	vbroadcast v1, $0xA;
	[tilespmem:s16+$0x20] =	vst v3  }
0x10d: {  	[tilespmem:s16+$0x30] =	vst v3  }
0x10e: {  	v3 =	vbroadcast v1, $0xB;
	[tilespmem:s16+$0x40] =	vst v2  }
0x10f: {  	[tilespmem:s16+$0x50] =	vst v2  }
0x110: {  	v2 =	vbroadcast v1, $0xC;
	[tilespmem:s16+$0x60] =	vst v3  }
0x111: {  	[tilespmem:s16+$0x70] =	vst v3  }
0x112: {  	v3 =	vbroadcast v1, $0xD;
	[tilespmem:s16+$0x80] =	vst v2  }
0x113: {  	[tilespmem:s16+$0x90] =	vst v2  }
0x114: {  	v2 =	vbroadcast v1, $0xE;
	[tilespmem:s16+$0xA0] =	vst v3  }
0x115: {  	[tilespmem:s16+$0xB0] =	vst v3  }
0x116: {  	v1 =	vbroadcast v1, $0xF;
	[tilespmem:s16+$0xC0] =	vst v2  }
0x117: {  	s15 =	sadd.s32 $0x1, s15;
	[tilespmem:s16+$0xD0] =	vst v2  }
0x118: {  	p0 =	sne.s32 s15, s8;
	[tilespmem:s16+$0xE0] =	vst v1  }
.Ltmp3:
0x119: {  	[tilespmem:s16+$0xF0] =	vst v1;
	(pc) =	sbr.rel @p0 .LBB2_1-.Ltmp3, $4  }
0x11a: {  	[hbm4b:s7+s3] =	stream.linear.scatter [tilespmem:s14], [sflag:$0x1], $0x2800, $0x38;
	[tilespmem:$0xDD40] =	vst v63  }
0x11b: {  	_ =	swait.ge [sflag:s9], $0x2800  }
0x11c: {  	[sflag:s9] =	ssyncset.done $0x0  }
0x11d: {  	[sflag:s9] =	ssyncadd.s32 $0xFFFFD800  }
0x11e: {  	_ =	sfence.sel $0x180000  }
0x11f: {  	[bflag:$0x0] =	sbarrier.arrive $0xFFFF  }
0x120: {  	p0 =	sne.s32 s0, $0x0;
	_ =	strace $0x90000047  }
0x121: {  	s0 =	sadd.s32 @!p0 $0x100000, s1;
	[bflag:$0x2] =	sbarrier.arrive $0xFFFF  }
0x122: {  	[sflag:s0] =	ssyncadd.tile.s32 @!p0 $0x1;
	_ =	shalt  }
.Lfunc_end2:
_tile_overlayer_lowered:
.L_overlay_start_2:
0x123: {  	(tag) =	ssettag $0x2  }
0x124: {  	s0 =	rddreg [dreg:$0x0];
	s2 =	stileid.u32  }
0x125: {  	s1 =	rddreg [dreg:$0x1];
	p0 =	sne.s32 s2, $0x0  }
0x126: {  	s3 =	rddreg [dreg:$0x2];
	[bflag:$0x3] =	sbarrier.arrive $0xFFFF;
	s2 =	simm.s32 @!p0 $0x1C01  }
0x127: {  	[timem:s3], [sflag:s2] =	dma.local @!p0 [hbm:s0], s1  }
0x128: {  	s0 =	simm.s32 @!p0 $0x1  }
0x129: {  	_ =	swait.ge @!p0 [sflag:s0], s1  }
0x12a: {  	s1 =	ssub.s32 @!p0 $0x0, s1;
	[sflag:s0] =	ssyncset.done @!p0 $0x0  }
0x12b: {  	[sflag:s0] =	ssyncadd.s32 @!p0 s1  }
0x12c: {  	[bflag:$0x3] =	sbarrier.arrive $0xFFFF  }
0x12d: {  	_ =	shalt  }

</sc_bundles>
